<compile_context>
chip_gen: v7x
topology: tpu7x:2x2x1
jax: 0.10.2.dev20260603
libtpu: 0.0.44.dev20260713+nightly
codegen_flags: <defaults>
</compile_context>

<pallas_src>
import functools

import jax
import jax.numpy as jnp
from jax import lax
from jax.experimental import pallas as pl
from jax.experimental.pallas import tpu as pltpu
from jax.experimental.pallas import tpu_sc as plsc

H = 1024
E = 64
K = 2
F = 512
T = 2048
B = 128
MAXB = 96
NPAD = MAXB * B
CH = 512
NC = 2
NS = 16
NW = NC * NS
L = 16


def _router_body(x_ref, wg_ref, pos1_ref, pos2_ref, w1_ref, w2_ref,
                 be_ref, bv_ref, fe_ref, sl_ref):
    x = x_ref[0]
    logits = jnp.dot(x, wg_ref[...], preferred_element_type=jnp.float32)
    lanes = lax.broadcasted_iota(jnp.int32, (T, E), 1)
    m1 = jnp.max(logits, axis=1, keepdims=True)
    e1 = jnp.min(jnp.where(logits == m1, lanes, E), axis=1, keepdims=True)
    masked = jnp.where(lanes == e1, -jnp.inf, logits)
    m2 = jnp.max(masked, axis=1, keepdims=True)
    e2 = jnp.min(jnp.where(masked == m2, lanes, E), axis=1, keepdims=True)
    d = jnp.exp(m2 - m1)
    w1f = jnp.sum(1.0 / (1.0 + d), axis=1)
    w1_ref[...] = w1f
    w2_ref[...] = 1.0 - w1f

    oh1 = (lanes == e1).astype(jnp.float32)
    oh2 = (lanes == e2).astype(jnp.float32)

    r = lax.broadcasted_iota(jnp.int32, (CH, CH), 0)
    c = lax.broadcasted_iota(jnp.int32, (CH, CH), 1)
    tri = (r >= c).astype(jnp.float32)
    prefix = jnp.zeros((1, E), jnp.float32)
    cums, chunks = [], []
    for half in (oh1, oh2):
        for j in range(T // CH):
            blk = half[j * CH:(j + 1) * CH, :]
            loc = jnp.dot(tri, blk, preferred_element_type=jnp.float32) + prefix
            prefix = loc[CH - 1:CH, :]
            cums.append(loc)
            chunks.append(blk)
    counts = prefix
    blocks_e = jnp.ceil(counts / B)
    re = lax.broadcasted_iota(jnp.int32, (E, E), 0)
    ce = lax.broadcasted_iota(jnp.int32, (E, E), 1)
    tri_strict = (re < ce).astype(jnp.float32)
    poffset = jnp.dot(blocks_e, tri_strict,
                      preferred_element_type=jnp.float32) * B
    total = jnp.sum(blocks_e, keepdims=False) * B

    for idx, (cum, blk) in enumerate(zip(cums, chunks)):
        pos = (jnp.sum((cum + poffset) * blk, axis=1) - 1.0
               ).astype(jnp.int32)
        tgt = pos1_ref if idx < (T // CH) else pos2_ref
        row = (idx % (T // CH)) * CH
        tgt[row:row + CH] = pos

    bgrid = lax.broadcasted_iota(jnp.int32, (MAXB, E), 0).astype(jnp.float32) * B
    lanes_b = lax.broadcasted_iota(jnp.int32, (MAXB, E), 1)
    qual = (poffset <= bgrid) & (blocks_e > 0)
    be_col = jnp.max(jnp.where(qual, lanes_b, -1), axis=1, keepdims=True)
    be_ref[...] = jnp.max(jnp.where(qual, lanes_b, -1), axis=1)
    bv_ref[...] = jnp.max((bgrid < total).astype(jnp.int32), axis=1)

    be_prev = jnp.concatenate([jnp.full((1, 1), -7, jnp.int32),
                               be_col[:MAXB - 1, :]], axis=0)
    fetch = (be_col != be_prev).astype(jnp.float32)
    rb = lax.broadcasted_iota(jnp.int32, (MAXB, MAXB), 0)
    cb = lax.broadcasted_iota(jnp.int32, (MAXB, MAXB), 1)
    tri_b = (rb >= cb).astype(jnp.float32)
    nfetch = jnp.dot(tri_b, fetch, preferred_element_type=jnp.float32)
    slot = lax.rem(nfetch.astype(jnp.int32) - 1, 3)
    fe_ref[...] = jnp.sum(fetch, axis=1).astype(jnp.int32)
    sl_ref[...] = jnp.sum(slot, axis=1)


def _router(x, wg):
    return pl.pallas_call(
        _router_body,
        out_shape=(
            jax.ShapeDtypeStruct((T,), jnp.int32),
            jax.ShapeDtypeStruct((T,), jnp.int32),
            jax.ShapeDtypeStruct((T,), jnp.float32),
            jax.ShapeDtypeStruct((T,), jnp.float32),
            jax.ShapeDtypeStruct((MAXB,), jnp.int32),
            jax.ShapeDtypeStruct((MAXB,), jnp.int32),
            jax.ShapeDtypeStruct((MAXB,), jnp.int32),
            jax.ShapeDtypeStruct((MAXB,), jnp.int32),
        ),
    )(x, wg)


_RPW = NPAD // NW


def _dispatch_body(pos1_hbm, pos2_hbm, w1_hbm, w2_hbm, tok_hbm, wrow_hbm,
                   tok_loc, wrow_loc, posbuf, wbuf):
    cid = lax.axis_index("c")
    sid = lax.axis_index("s")
    wid = sid * NC + cid
    lo = wid * _RPW

    def zero_body(i, carry):
        tok_loc[pl.ds(i * L, L)] = jnp.zeros((L,), jnp.int32)
        wrow_loc[pl.ds(i * L, L)] = jnp.zeros((L,), jnp.float32)
        return carry
    lax.fori_loop(0, _RPW // L, zero_body, 0)
    for p_hbm, wv_hbm in ((pos1_hbm, w1_hbm), (pos2_hbm, w2_hbm)):
        pltpu.sync_copy(p_hbm, posbuf)
        pltpu.sync_copy(wv_hbm, wbuf)

        def sc_body(i, carry):
            pv = posbuf[pl.ds(i * L, L)] - lo
            wv = wbuf[pl.ds(i * L, L)]
            tv = lax.iota(jnp.int32, L) + i * L
            m = (pv >= 0) & (pv < _RPW)
            plsc.store_scatter(tok_loc, [pv], tv, mask=m)
            plsc.store_scatter(wrow_loc, [pv], wv, mask=m)
            return carry
        lax.fori_loop(0, T // L, sc_body, 0, unroll=2)
    pltpu.sync_copy(tok_loc, tok_hbm.at[pl.ds(lo, _RPW)])
    pltpu.sync_copy(wrow_loc, wrow_hbm.at[pl.ds(lo, _RPW)])


def _dispatch(pos1, pos2, w1, w2):
    return pl.kernel(
        _dispatch_body,
        out_type=(
            jax.ShapeDtypeStruct((NPAD,), jnp.int32),
            jax.ShapeDtypeStruct((NPAD,), jnp.float32),
        ),
        mesh=plsc.VectorSubcoreMesh(core_axis_name="c", subcore_axis_name="s"),
        compiler_params=pltpu.CompilerParams(needs_layout_passes=False),
        scratch_types=[
            pltpu.VMEM((_RPW,), jnp.int32),
            pltpu.VMEM((_RPW,), jnp.float32),
            pltpu.VMEM((T,), jnp.int32),
            pltpu.VMEM((T,), jnp.float32),
        ],
    )(pos1, pos2, w1, w2)


def _ffn_body(be_ref, bv_ref, fe_ref, sl_ref, x_ref, tok_ref, wr_ref,
              w1_hbm, w3_hbm, w2_hbm, y_ref,
              w1b, w3b, w2b, s1, s3, s2):
    i = pl.program_id(0)

    def issue(j):
        e = be_ref[j]
        s = sl_ref[j]
        pltpu.async_copy(w1_hbm.at[e], w1b.at[s], s1.at[s])
        pltpu.async_copy(w3_hbm.at[e], w3b.at[s], s3.at[s])
        pltpu.async_copy(w2_hbm.at[e], w2b.at[s], s2.at[s])

    @pl.when(i == 0)
    def _():
        for j in range(2):
            @pl.when(fe_ref[j] != 0)
            def _():
                issue(j)

    @pl.when(i + 2 < MAXB)
    def _():
        @pl.when(fe_ref[i + 2] != 0)
        def _():
            issue(i + 2)

    @pl.when(fe_ref[i] != 0)
    def _():
        e = be_ref[i]
        s = sl_ref[i]
        pltpu.make_async_copy(w1_hbm.at[e], w1b.at[s], s1.at[s]).wait()
        pltpu.make_async_copy(w3_hbm.at[e], w3b.at[s], s3.at[s]).wait()
        pltpu.make_async_copy(w2_hbm.at[e], w2b.at[s], s2.at[s]).wait()

    @pl.when(bv_ref[i] != 0)
    def _():
        s = sl_ref[i]
        sub = pl.ds(lax.rem(i, 8), 1)
        row = tok_ref[sub, :]
        toks = lax.broadcasted_iota(jnp.int32, (T, B), 0)
        selT = (toks == row).astype(jnp.float32)
        xs = lax.dot_general(selT, x_ref[0], (((0,), (0,)), ((), ())),
                             preferred_element_type=jnp.float32)
        a = jnp.dot(xs, w1b[s], preferred_element_type=jnp.float32)
        g = jnp.dot(xs, w3b[s], preferred_element_type=jnp.float32)
        h = a * jax.nn.sigmoid(a) * g
        y = jnp.dot(h, w2b[s], preferred_element_type=jnp.float32)
        wcol = wr_ref[sub, :].reshape(B, 1)
        y_ref[...] = y * wcol


def _ffn(be, bv, fe, sl, x, tok, wrow, w1, w3, w2):
    grid_spec = pltpu.PrefetchScalarGridSpec(
        num_scalar_prefetch=4,
        grid=(MAXB,),
        in_specs=[
            pl.BlockSpec((1, T, H), lambda i, be, bv, fe, sl: (0, 0, 0)),
            pl.BlockSpec((8, B), lambda i, be, bv, fe, sl: (i // 8, 0)),
            pl.BlockSpec((8, B), lambda i, be, bv, fe, sl: (i // 8, 0)),
            pl.BlockSpec(memory_space=pl.ANY),
            pl.BlockSpec(memory_space=pl.ANY),
            pl.BlockSpec(memory_space=pl.ANY),
        ],
        out_specs=pl.BlockSpec(
            (B, H),
            lambda i, be, bv, fe, sl: (jnp.where(bv[i] != 0, i, MAXB - 1), 0)),
        scratch_shapes=[
            pltpu.VMEM((3, H, F), jnp.float32),
            pltpu.VMEM((3, H, F), jnp.float32),
            pltpu.VMEM((3, F, H), jnp.float32),
            pltpu.SemaphoreType.DMA((3,)),
            pltpu.SemaphoreType.DMA((3,)),
            pltpu.SemaphoreType.DMA((3,)),
        ],
    )
    return pl.pallas_call(
        _ffn_body,
        grid_spec=grid_spec,
        out_shape=jax.ShapeDtypeStruct((NPAD, H), jnp.float32),
    )(be, bv, fe, sl, x, tok, wrow, w1, w3, w2)


_CCH = 16


def _combine_body(pos1_hbm, pos2_hbm, y_hbm, out_hbm,
                  i1a, i2a, i1b, i2b, r1a, r2a, r1b, r2b,
                  g1a, g2a, g1b, g2b, wsa, wsb):
    cid = lax.axis_index("c")
    sid = lax.axis_index("s")
    wid = sid * NC + cid
    tok_per_w = T // NW
    nch = tok_per_w // _CCH
    i1 = (i1a, i1b)
    i2 = (i2a, i2b)
    r1 = (r1a, r1b)
    r2 = (r2a, r2b)
    g1 = (g1a, g1b)
    g2 = (g2a, g2b)
    ws = (wsa, wsb)
    cps = {}
    wrs = {}

    def fire(j):
        b = j % 2
        cb = wid * tok_per_w + j * _CCH
        pltpu.sync_copy(pos1_hbm.at[pl.ds(cb, _CCH)], i1[b])
        pltpu.sync_copy(pos2_hbm.at[pl.ds(cb, _CCH)], i2[b])
        cps[j] = (pltpu.async_copy(y_hbm.at[i1[b]], r1[b], g1[b]),
                  pltpu.async_copy(y_hbm.at[i2[b]], r2[b], g2[b]))

    fire(0)
    for j in range(nch):
        b = j % 2
        if j + 1 < nch:
            if j >= 1:
                wrs[j - 1].wait()
            fire(j + 1)
        cps[j][0].wait()
        cps[j][1].wait()

        def add_body(k, carry):
            row = k // (H // L)
            col = (k % (H // L)) * L
            r1[b][row, pl.ds(col, L)] = (r1[b][row, pl.ds(col, L)] +
                                         r2[b][row, pl.ds(col, L)])
            return carry
        lax.fori_loop(0, _CCH * (H // L), add_body, 0, unroll=8)
        cb = wid * tok_per_w + j * _CCH
        wrs[j] = pltpu.async_copy(r1[b], out_hbm.at[0, pl.ds(cb, _CCH)], ws[b])
    wrs[nch - 2].wait()
    wrs[nch - 1].wait()


def _combine(pos1, pos2, y):
    return pl.kernel(
        _combine_body,
        out_type=jax.ShapeDtypeStruct((1, T, H), jnp.float32),
        mesh=plsc.VectorSubcoreMesh(core_axis_name="c", subcore_axis_name="s"),
        scratch_types=[
            pltpu.VMEM((_CCH,), jnp.int32),
            pltpu.VMEM((_CCH,), jnp.int32),
            pltpu.VMEM((_CCH,), jnp.int32),
            pltpu.VMEM((_CCH,), jnp.int32),
            pltpu.VMEM((_CCH, H), jnp.float32),
            pltpu.VMEM((_CCH, H), jnp.float32),
            pltpu.VMEM((_CCH, H), jnp.float32),
            pltpu.VMEM((_CCH, H), jnp.float32),
            pltpu.SemaphoreType.DMA,
            pltpu.SemaphoreType.DMA,
            pltpu.SemaphoreType.DMA,
            pltpu.SemaphoreType.DMA,
            pltpu.SemaphoreType.DMA,
            pltpu.SemaphoreType.DMA,
        ],
    )(pos1, pos2, y)


def kernel(hidden_states, Wg, W1, W3, W2):
    pos1, pos2, w1, w2, be, bv, fe, sl = _router(hidden_states, Wg)
    tok, wrow = _dispatch(pos1, pos2, w1, w2)
    y = _ffn(be, bv, fe, sl, hidden_states,
             tok.reshape(MAXB, B), wrow.reshape(MAXB, B), W1, W3, W2)
    return _combine(pos1, pos2, y)

# --- scband reference (transcript-rebuilt; emitter-appended) ---
"""Pipeline reference for scband-qwen3-mo-e-42047729828451 (READ-ONLY COPY).

The authoritative reference and input builder live on the scoring server;
editing this copy changes nothing except your own understanding.
"""

import jax, jax.numpy as jnp
import numpy as np

H = 1024
E = 64
K = 2
F = 512
T = 2048


def setup_inputs(seed: int = 0) -> dict:
    key = jax.random.key(seed)
    ks = jax.random.split(key, 5)
    hidden_states = jax.random.normal(ks[0], (1, T, H), dtype=jnp.float32)
    Wg = jax.random.normal(ks[1], (H, E), dtype=jnp.float32) * (1.0 / np.sqrt(H))
    W1 = jax.random.normal(ks[2], (E, H, F), dtype=jnp.float32) * 0.02
    W3 = jax.random.normal(ks[3], (E, H, F), dtype=jnp.float32) * 0.02
    W2 = jax.random.normal(ks[4], (E, F, H), dtype=jnp.float32) * 0.02
    return {"hidden_states": hidden_states, "Wg": Wg, "W1": W1, "W3": W3, "W2": W2}


def reference(hidden_states, Wg, W1, W3, W2):
    # Qwen3MoE forward: gate -> RenormalizeMoeRoutingMethod (top-k on logits,
    # softmax over the selected logits) -> SwiGLU experts -> weighted combine.
    orig_shape = hidden_states.shape
    x = hidden_states.reshape(-1, H)
    router_logits = x @ Wg  # [T, E]
    topk_vals, topk_ids = jax.lax.top_k(router_logits, K)
    routing_w = jax.nn.softmax(topk_vals, axis=-1)  # renormalize over top-k
    out = jnp.zeros_like(x)
    for e in range(E):
        mask = topk_ids == e  # [T, K]; top-k ids are distinct per token
        we = jnp.sum(jnp.where(mask, routing_w, 0.0), axis=1)  # [T]
        h = jax.nn.silu(x @ W1[e]) * (x @ W3[e])  # [T, F]
        ye = h @ W2[e]  # [T, H]
        out = out + ye * we[:, None]
    return out.reshape(orig_shape)

if __name__ == "__main__":
    import jax
    _d = setup_inputs()
    print(jax.jit(kernel)(*tuple(_d.values())))

</pallas_src>

<mosaic_0001>
#map = affine_map<(d0, d1) -> (0)>
module attributes {stable_mosaic.version = 14 : i64} {
  func.func @_dispatch_body(%arg0: i32, %arg1: i32, %arg2: memref<2048xi32, #tpu.memory_space<hbm>>, %arg3: memref<2048xi32, #tpu.memory_space<hbm>>, %arg4: memref<2048xf32, #tpu.memory_space<hbm>>, %arg5: memref<2048xf32, #tpu.memory_space<hbm>>, %arg6: memref<12288xi32, #tpu.memory_space<hbm>>, %arg7: memref<12288xf32, #tpu.memory_space<hbm>>, %arg8: memref<384xi32, #tpu.memory_space<vmem>>, %arg9: memref<384xf32, #tpu.memory_space<vmem>>, %arg10: memref<2048xi32, #tpu.memory_space<vmem>>, %arg11: memref<2048xf32, #tpu.memory_space<vmem>>) attributes {dimension_semantics = [#tpu.dimension_semantics<core_parallel>, #tpu.dimension_semantics<subcore_parallel>], iteration_bounds = array<i64: 2, 16>, scalar_prefetch = 0 : i64, scratch_operands = 4 : i64, tpu.core_type = #tpu.core_type<sc_vector_subcore>, window_params = [{transform_indices = #map}, {transform_indices = #map}, {transform_indices = #map}, {transform_indices = #map}, {transform_indices = #map}, {transform_indices = #map}]} {
    %mul3A = arith.constant 2 : i32
    %mul3A_0 = arith.muli %arg1, %mul3A : i32
    %add3A = arith.addi %mul3A_0, %arg0 : i32
    %mul3A_1 = arith.constant 384 : i32
    %mul3A_2 = arith.muli %add3A, %mul3A_1 : i32
    %scan3A = arith.constant 0 : i32
    %scan3A_3 = arith.constant 0 : i32
    %scan3A_4 = arith.constant 24 : i32
    %scan3A_5 = arith.addi %scan3A_3, %scan3A_4 : i32
    %scan3A_6 = arith.constant 1 : i32
    scf.for %scan3A_20 = %scan3A_3 to %scan3A_5 step %scan3A_6  : i32 {
      %broadcast_in_dim3A = arith.constant 0 : i32
      %broadcast_in_dim3A_21 = vector.broadcast %broadcast_in_dim3A : i32 to vector<16xi32>
      %mul3A_22 = arith.constant 16 : i32
      %mul3A_23 = arith.muli %scan3A_20, %mul3A_22 : i32
      %swap3A = arith.index_cast %mul3A_23 : i32 to index
      %swap3A_24 = tpu.vector_load %arg8[%swap3A] {strides = array<i32>} : memref<384xi32, #tpu.memory_space<vmem>>, vector<16xi32>,
      tpu.vector_store %arg8[%swap3A], %broadcast_in_dim3A_21 {strides = array<i32>} : memref<384xi32, #tpu.memory_space<vmem>>, vector<16xi32>,
      %broadcast_in_dim3A_25 = arith.constant 0.000000e+00 : f32
      %broadcast_in_dim3A_26 = vector.broadcast %broadcast_in_dim3A_25 : f32 to vector<16xf32>
      %mul3A_27 = arith.constant 16 : i32
      %mul3A_28 = arith.muli %scan3A_20, %mul3A_27 : i32
      %swap3A_29 = arith.index_cast %mul3A_28 : i32 to index
      %swap3A_30 = tpu.vector_load %arg9[%swap3A_29] {strides = array<i32>} : memref<384xf32, #tpu.memory_space<vmem>>, vector<16xf32>,
      tpu.vector_store %arg9[%swap3A_29], %broadcast_in_dim3A_26 {strides = array<i32>} : memref<384xf32, #tpu.memory_space<vmem>>, vector<16xf32>,
    }
    %scan3A_7 = arith.constant 24 : i32
    "tpu.region"() ({
      %run_scoped3A = tpu.sem_alloc : memref<!tpu.dma_semaphore, #tpu.memory_space<semaphore_mem>>
      tpu.enqueue_dma source(%arg2 : memref<2048xi32, #tpu.memory_space<hbm>>) target(%arg10 : memref<2048xi32, #tpu.memory_space<vmem>>) target_semaphore(%run_scoped3A : memref<!tpu.dma_semaphore, #tpu.memory_space<semaphore_mem>>)
      tpu.wait_dma2 semaphore(%run_scoped3A : memref<!tpu.dma_semaphore, #tpu.memory_space<semaphore_mem>>) src(%arg2 : memref<2048xi32, #tpu.memory_space<hbm>>) dst(%arg10 : memref<2048xi32, #tpu.memory_space<vmem>>)
      tpu.yield
    }) : () -> ()
    "tpu.region"() ({
      %run_scoped3A = tpu.sem_alloc : memref<!tpu.dma_semaphore, #tpu.memory_space<semaphore_mem>>
      tpu.enqueue_dma source(%arg4 : memref<2048xf32, #tpu.memory_space<hbm>>) target(%arg11 : memref<2048xf32, #tpu.memory_space<vmem>>) target_semaphore(%run_scoped3A : memref<!tpu.dma_semaphore, #tpu.memory_space<semaphore_mem>>)
      tpu.wait_dma2 semaphore(%run_scoped3A : memref<!tpu.dma_semaphore, #tpu.memory_space<semaphore_mem>>) src(%arg4 : memref<2048xf32, #tpu.memory_space<hbm>>) dst(%arg11 : memref<2048xf32, #tpu.memory_space<vmem>>)
      tpu.yield
    }) : () -> ()
    %scan3A_8 = arith.constant 0 : i32
    %scan3A_9 = arith.constant 0 : i32
    %scan3A_10 = arith.constant 128 : i32
    %scan3A_11 = arith.addi %scan3A_9, %scan3A_10 : i32
    %scan3A_12 = arith.constant 2 : i32
    scf.for %scan3A_20 = %scan3A_9 to %scan3A_11 step %scan3A_12  : i32 {
      %mul3A_21 = arith.constant 16 : i32
      %mul3A_22 = arith.muli %scan3A_20, %mul3A_21 : i32
      %get3A = arith.index_cast %mul3A_22 : i32 to index
      %get3A_23 = tpu.vector_load %arg10[%get3A] {strides = array<i32>} : memref<2048xi32, #tpu.memory_space<vmem>>, vector<16xi32>,
      %sub3A = vector.broadcast %mul3A_2 : i32 to vector<16xi32>
      %sub3A_24 = arith.subi %get3A_23, %sub3A : vector<16xi32>
      %mul3A_25 = arith.constant 16 : i32
      %mul3A_26 = arith.muli %scan3A_20, %mul3A_25 : i32
      %get3A_27 = arith.index_cast %mul3A_26 : i32 to index
      %get3A_28 = tpu.vector_load %arg11[%get3A_27] {strides = array<i32>} : memref<2048xf32, #tpu.memory_space<vmem>>, vector<16xf32>,
      %iota3A = tpu.iota {dimensions = array<i32: 0>} : vector<16xi32>
      %mul3A_29 = arith.constant 16 : i32
      %mul3A_30 = arith.muli %scan3A_20, %mul3A_29 : i32
      %add3A_31 = vector.broadcast %mul3A_30 : i32 to vector<16xi32>
      %add3A_32 = arith.addi %iota3A, %add3A_31 : vector<16xi32>
      %ge3A = arith.constant 0 : i32
      %ge3A_33 = vector.broadcast %ge3A : i32 to vector<16xi32>
      %ge3A_34 = arith.cmpi sge, %sub3A_24, %ge3A_33 : vector<16xi32>
      %lt3A = arith.constant 384 : i32
      %lt3A_35 = vector.broadcast %lt3A : i32 to vector<16xi32>
      %lt3A_36 = arith.cmpi slt, %sub3A_24, %lt3A_35 : vector<16xi32>
      %and3A = arith.andi %ge3A_34, %lt3A_36 : vector<16xi1>
      tpu.vector_store_idx %arg8[%sub3A_24], %add3A_32 masked %and3A : memref<384xi32, #tpu.memory_space<vmem>>[vector<16xi32>], vector<16xi32>, vector<16xi1>
      tpu.vector_store_idx %arg9[%sub3A_24], %get3A_28 masked %and3A : memref<384xf32, #tpu.memory_space<vmem>>[vector<16xi32>], vector<16xf32>, vector<16xi1>
      %scan3A_37 = arith.constant 1 : i32
      %scan3A_38 = arith.addi %scan3A_20, %scan3A_37 : i32
      %mul3A_39 = arith.constant 16 : i32
      %mul3A_40 = arith.muli %scan3A_38, %mul3A_39 : i32
      %get3A_41 = arith.index_cast %mul3A_40 : i32 to index
      %get3A_42 = tpu.vector_load %arg10[%get3A_41] {strides = array<i32>} : memref<2048xi32, #tpu.memory_space<vmem>>, vector<16xi32>,
      %sub3A_43 = vector.broadcast %mul3A_2 : i32 to vector<16xi32>
      %sub3A_44 = arith.subi %get3A_42, %sub3A_43 : vector<16xi32>
      %mul3A_45 = arith.constant 16 : i32
      %mul3A_46 = arith.muli %scan3A_38, %mul3A_45 : i32
      %get3A_47 = arith.index_cast %mul3A_46 : i32 to index
      %get3A_48 = tpu.vector_load %arg11[%get3A_47] {strides = array<i32>} : memref<2048xf32, #tpu.memory_space<vmem>>, vector<16xf32>,
      %iota3A_49 = tpu.iota {dimensions = array<i32: 0>} : vector<16xi32>
      %mul3A_50 = arith.constant 16 : i32
      %mul3A_51 = arith.muli %scan3A_38, %mul3A_50 : i32
      %add3A_52 = vector.broadcast %mul3A_51 : i32 to vector<16xi32>
      %add3A_53 = arith.addi %iota3A_49, %add3A_52 : vector<16xi32>
      %ge3A_54 = arith.constant 0 : i32
      %ge3A_55 = vector.broadcast %ge3A_54 : i32 to vector<16xi32>
      %ge3A_56 = arith.cmpi sge, %sub3A_44, %ge3A_55 : vector<16xi32>
      %lt3A_57 = arith.constant 384 : i32
      %lt3A_58 = vector.broadcast %lt3A_57 : i32 to vector<16xi32>
      %lt3A_59 = arith.cmpi slt, %sub3A_44, %lt3A_58 : vector<16xi32>
      %and3A_60 = arith.andi %ge3A_56, %lt3A_59 : vector<16xi1>
      tpu.vector_store_idx %arg8[%sub3A_44], %add3A_53 masked %and3A_60 : memref<384xi32, #tpu.memory_space<vmem>>[vector<16xi32>], vector<16xi32>, vector<16xi1>
      tpu.vector_store_idx %arg9[%sub3A_44], %get3A_48 masked %and3A_60 : memref<384xf32, #tpu.memory_space<vmem>>[vector<16xi32>], vector<16xf32>, vector<16xi1>
    }
    %scan3A_13 = arith.constant 128 : i32
    "tpu.region"() ({
      %run_scoped3A = tpu.sem_alloc : memref<!tpu.dma_semaphore, #tpu.memory_space<semaphore_mem>>
      tpu.enqueue_dma source(%arg3 : memref<2048xi32, #tpu.memory_space<hbm>>) target(%arg10 : memref<2048xi32, #tpu.memory_space<vmem>>) target_semaphore(%run_scoped3A : memref<!tpu.dma_semaphore, #tpu.memory_space<semaphore_mem>>)
      tpu.wait_dma2 semaphore(%run_scoped3A : memref<!tpu.dma_semaphore, #tpu.memory_space<semaphore_mem>>) src(%arg3 : memref<2048xi32, #tpu.memory_space<hbm>>) dst(%arg10 : memref<2048xi32, #tpu.memory_space<vmem>>)
      tpu.yield
    }) : () -> ()
    "tpu.region"() ({
      %run_scoped3A = tpu.sem_alloc : memref<!tpu.dma_semaphore, #tpu.memory_space<semaphore_mem>>
      tpu.enqueue_dma source(%arg5 : memref<2048xf32, #tpu.memory_space<hbm>>) target(%arg11 : memref<2048xf32, #tpu.memory_space<vmem>>) target_semaphore(%run_scoped3A : memref<!tpu.dma_semaphore, #tpu.memory_space<semaphore_mem>>)
      tpu.wait_dma2 semaphore(%run_scoped3A : memref<!tpu.dma_semaphore, #tpu.memory_space<semaphore_mem>>) src(%arg5 : memref<2048xf32, #tpu.memory_space<hbm>>) dst(%arg11 : memref<2048xf32, #tpu.memory_space<vmem>>)
      tpu.yield
    }) : () -> ()
    %scan3A_14 = arith.constant 0 : i32
    %scan3A_15 = arith.constant 0 : i32
    %scan3A_16 = arith.constant 128 : i32
    %scan3A_17 = arith.addi %scan3A_15, %scan3A_16 : i32
    %scan3A_18 = arith.constant 2 : i32
    scf.for %scan3A_20 = %scan3A_15 to %scan3A_17 step %scan3A_18  : i32 {
      %mul3A_21 = arith.constant 16 : i32
      %mul3A_22 = arith.muli %scan3A_20, %mul3A_21 : i32
      %get3A = arith.index_cast %mul3A_22 : i32 to index
      %get3A_23 = tpu.vector_load %arg10[%get3A] {strides = array<i32>} : memref<2048xi32, #tpu.memory_space<vmem>>, vector<16xi32>,
      %sub3A = vector.broadcast %mul3A_2 : i32 to vector<16xi32>
      %sub3A_24 = arith.subi %get3A_23, %sub3A : vector<16xi32>
      %mul3A_25 = arith.constant 16 : i32
      %mul3A_26 = arith.muli %scan3A_20, %mul3A_25 : i32
      %get3A_27 = arith.index_cast %mul3A_26 : i32 to index
      %get3A_28 = tpu.vector_load %arg11[%get3A_27] {strides = array<i32>} : memref<2048xf32, #tpu.memory_space<vmem>>, vector<16xf32>,
      %iota3A = tpu.iota {dimensions = array<i32: 0>} : vector<16xi32>
      %mul3A_29 = arith.constant 16 : i32
      %mul3A_30 = arith.muli %scan3A_20, %mul3A_29 : i32
      %add3A_31 = vector.broadcast %mul3A_30 : i32 to vector<16xi32>
      %add3A_32 = arith.addi %iota3A, %add3A_31 : vector<16xi32>
      %ge3A = arith.constant 0 : i32
      %ge3A_33 = vector.broadcast %ge3A : i32 to vector<16xi32>
      %ge3A_34 = arith.cmpi sge, %sub3A_24, %ge3A_33 : vector<16xi32>
      %lt3A = arith.constant 384 : i32
      %lt3A_35 = vector.broadcast %lt3A : i32 to vector<16xi32>
      %lt3A_36 = arith.cmpi slt, %sub3A_24, %lt3A_35 : vector<16xi32>
      %and3A = arith.andi %ge3A_34, %lt3A_36 : vector<16xi1>
      tpu.vector_store_idx %arg8[%sub3A_24], %add3A_32 masked %and3A : memref<384xi32, #tpu.memory_space<vmem>>[vector<16xi32>], vector<16xi32>, vector<16xi1>
      tpu.vector_store_idx %arg9[%sub3A_24], %get3A_28 masked %and3A : memref<384xf32, #tpu.memory_space<vmem>>[vector<16xi32>], vector<16xf32>, vector<16xi1>
      %scan3A_37 = arith.constant 1 : i32
      %scan3A_38 = arith.addi %scan3A_20, %scan3A_37 : i32
      %mul3A_39 = arith.constant 16 : i32
      %mul3A_40 = arith.muli %scan3A_38, %mul3A_39 : i32
      %get3A_41 = arith.index_cast %mul3A_40 : i32 to index
      %get3A_42 = tpu.vector_load %arg10[%get3A_41] {strides = array<i32>} : memref<2048xi32, #tpu.memory_space<vmem>>, vector<16xi32>,
      %sub3A_43 = vector.broadcast %mul3A_2 : i32 to vector<16xi32>
      %sub3A_44 = arith.subi %get3A_42, %sub3A_43 : vector<16xi32>
      %mul3A_45 = arith.constant 16 : i32
      %mul3A_46 = arith.muli %scan3A_38, %mul3A_45 : i32
      %get3A_47 = arith.index_cast %mul3A_46 : i32 to index
      %get3A_48 = tpu.vector_load %arg11[%get3A_47] {strides = array<i32>} : memref<2048xf32, #tpu.memory_space<vmem>>, vector<16xf32>,
      %iota3A_49 = tpu.iota {dimensions = array<i32: 0>} : vector<16xi32>
      %mul3A_50 = arith.constant 16 : i32
      %mul3A_51 = arith.muli %scan3A_38, %mul3A_50 : i32
      %add3A_52 = vector.broadcast %mul3A_51 : i32 to vector<16xi32>
      %add3A_53 = arith.addi %iota3A_49, %add3A_52 : vector<16xi32>
      %ge3A_54 = arith.constant 0 : i32
      %ge3A_55 = vector.broadcast %ge3A_54 : i32 to vector<16xi32>
      %ge3A_56 = arith.cmpi sge, %sub3A_44, %ge3A_55 : vector<16xi32>
      %lt3A_57 = arith.constant 384 : i32
      %lt3A_58 = vector.broadcast %lt3A_57 : i32 to vector<16xi32>
      %lt3A_59 = arith.cmpi slt, %sub3A_44, %lt3A_58 : vector<16xi32>
      %and3A_60 = arith.andi %ge3A_56, %lt3A_59 : vector<16xi1>
      tpu.vector_store_idx %arg8[%sub3A_44], %add3A_53 masked %and3A_60 : memref<384xi32, #tpu.memory_space<vmem>>[vector<16xi32>], vector<16xi32>, vector<16xi1>
      tpu.vector_store_idx %arg9[%sub3A_44], %get3A_48 masked %and3A_60 : memref<384xf32, #tpu.memory_space<vmem>>[vector<16xi32>], vector<16xf32>, vector<16xi1>
    }
    %scan3A_19 = arith.constant 128 : i32
    "tpu.region"() ({
      %run_scoped3A = tpu.sem_alloc : memref<!tpu.dma_semaphore, #tpu.memory_space<semaphore_mem>>
      %dma_start3A = tpu.memref_slice %arg6[%mul3A_2] : memref<12288xi32, #tpu.memory_space<hbm>> -> memref<384xi32, #tpu.memory_space<hbm>>
      %dma_start3A_20 = tpu.memref_slice %arg6[%mul3A_2] : memref<12288xi32, #tpu.memory_space<hbm>> -> memref<384xi32, #tpu.memory_space<hbm>>
      tpu.enqueue_dma source(%arg8 : memref<384xi32, #tpu.memory_space<vmem>>) target(%dma_start3A_20 : memref<384xi32, #tpu.memory_space<hbm>>) target_semaphore(%run_scoped3A : memref<!tpu.dma_semaphore, #tpu.memory_space<semaphore_mem>>)
      %dma_wait3A = tpu.memref_slice %arg6[%mul3A_2] : memref<12288xi32, #tpu.memory_space<hbm>> -> memref<384xi32, #tpu.memory_space<hbm>>
      %dma_wait3A_21 = tpu.memref_slice %arg6[%mul3A_2] : memref<12288xi32, #tpu.memory_space<hbm>> -> memref<384xi32, #tpu.memory_space<hbm>>
      tpu.wait_dma2 semaphore(%run_scoped3A : memref<!tpu.dma_semaphore, #tpu.memory_space<semaphore_mem>>) src(%arg8 : memref<384xi32, #tpu.memory_space<vmem>>) dst(%dma_wait3A_21 : memref<384xi32, #tpu.memory_space<hbm>>)
      tpu.yield
    }) : () -> ()
    "tpu.region"() ({
      %run_scoped3A = tpu.sem_alloc : memref<!tpu.dma_semaphore, #tpu.memory_space<semaphore_mem>>
      %dma_start3A = tpu.memref_slice %arg7[%mul3A_2] : memref<12288xf32, #tpu.memory_space<hbm>> -> memref<384xf32, #tpu.memory_space<hbm>>
      %dma_start3A_20 = tpu.memref_slice %arg7[%mul3A_2] : memref<12288xf32, #tpu.memory_space<hbm>> -> memref<384xf32, #tpu.memory_space<hbm>>
      tpu.enqueue_dma source(%arg9 : memref<384xf32, #tpu.memory_space<vmem>>) target(%dma_start3A_20 : memref<384xf32, #tpu.memory_space<hbm>>) target_semaphore(%run_scoped3A : memref<!tpu.dma_semaphore, #tpu.memory_space<semaphore_mem>>)
      %dma_wait3A = tpu.memref_slice %arg7[%mul3A_2] : memref<12288xf32, #tpu.memory_space<hbm>> -> memref<384xf32, #tpu.memory_space<hbm>>
      %dma_wait3A_21 = tpu.memref_slice %arg7[%mul3A_2] : memref<12288xf32, #tpu.memory_space<hbm>> -> memref<384xf32, #tpu.memory_space<hbm>>
      tpu.wait_dma2 semaphore(%run_scoped3A : memref<!tpu.dma_semaphore, #tpu.memory_space<semaphore_mem>>) src(%arg9 : memref<384xf32, #tpu.memory_space<vmem>>) dst(%dma_wait3A_21 : memref<384xf32, #tpu.memory_space<hbm>>)
      tpu.yield
    }) : () -> ()
    return
  }
}

#map = affine_map<(d0, d1) -> (0)>
#map1 = affine_map<(d0, d1) -> (0, 0)>
#map2 = affine_map<(d0, d1) -> (0, 0, 0)>
module attributes {stable_mosaic.version = 14 : i64} {
  func.func @_combine_body(%arg0: i32, %arg1: i32, %arg2: memref<2048xi32, #tpu.memory_space<hbm>>, %arg3: memref<2048xi32, #tpu.memory_space<hbm>>, %arg4: memref<12288x1024xf32, #tpu.memory_space<hbm>>, %arg5: memref<1x2048x1024xf32, #tpu.memory_space<hbm>>, %arg6: memref<16xi32, #tpu.memory_space<vmem>>, %arg7: memref<16xi32, #tpu.memory_space<vmem>>, %arg8: memref<16xi32, #tpu.memory_space<vmem>>, %arg9: memref<16xi32, #tpu.memory_space<vmem>>, %arg10: memref<16x1024xf32, #tpu.memory_space<vmem>>, %arg11: memref<16x1024xf32, #tpu.memory_space<vmem>>, %arg12: memref<16x1024xf32, #tpu.memory_space<vmem>>, %arg13: memref<16x1024xf32, #tpu.memory_space<vmem>>, %arg14: memref<!tpu.dma_semaphore, #tpu.memory_space<semaphore_mem>>, %arg15: memref<!tpu.dma_semaphore, #tpu.memory_space<semaphore_mem>>, %arg16: memref<!tpu.dma_semaphore, #tpu.memory_space<semaphore_mem>>, %arg17: memref<!tpu.dma_semaphore, #tpu.memory_space<semaphore_mem>>, %arg18: memref<!tpu.dma_semaphore, #tpu.memory_space<semaphore_mem>>, %arg19: memref<!tpu.dma_semaphore, #tpu.memory_space<semaphore_mem>>) attributes {dimension_semantics = [#tpu.dimension_semantics<core_parallel>, #tpu.dimension_semantics<subcore_parallel>], iteration_bounds = array<i64: 2, 16>, scalar_prefetch = 0 : i64, scratch_operands = 14 : i64, tpu.core_type = #tpu.core_type<sc_vector_subcore>, window_params = [{transform_indices = #map}, {transform_indices = #map}, {transform_indices = #map1}, {transform_indices = #map2}]} {
    %mul3A = arith.constant 2 : i32
    %mul3A_0 = arith.muli %arg1, %mul3A : i32
    %add3A = arith.addi %mul3A_0, %arg0 : i32
    %mul3A_1 = arith.constant 64 : i32
    %mul3A_2 = arith.muli %add3A, %mul3A_1 : i32
    %add3A_3 = arith.constant 0 : i32
    %add3A_4 = arith.addi %mul3A_2, %add3A_3 : i32
    "tpu.region"() ({
      %run_scoped3A = tpu.sem_alloc : memref<!tpu.dma_semaphore, #tpu.memory_space<semaphore_mem>>
      %dma_start3A_158 = tpu.memref_slice %arg2[%add3A_4] : memref<2048xi32, #tpu.memory_space<hbm>> -> memref<16xi32, #tpu.memory_space<hbm>>
      %dma_start3A_159 = tpu.memref_slice %arg2[%add3A_4] : memref<2048xi32, #tpu.memory_space<hbm>> -> memref<16xi32, #tpu.memory_space<hbm>>
      tpu.enqueue_dma source(%dma_start3A_159 : memref<16xi32, #tpu.memory_space<hbm>>) target(%arg6 : memref<16xi32, #tpu.memory_space<vmem>>) target_semaphore(%run_scoped3A : memref<!tpu.dma_semaphore, #tpu.memory_space<semaphore_mem>>)
      %dma_wait3A_160 = tpu.memref_slice %arg2[%add3A_4] : memref<2048xi32, #tpu.memory_space<hbm>> -> memref<16xi32, #tpu.memory_space<hbm>>
      %dma_wait3A_161 = tpu.memref_slice %arg2[%add3A_4] : memref<2048xi32, #tpu.memory_space<hbm>> -> memref<16xi32, #tpu.memory_space<hbm>>
      tpu.wait_dma2 semaphore(%run_scoped3A : memref<!tpu.dma_semaphore, #tpu.memory_space<semaphore_mem>>) src(%dma_wait3A_161 : memref<16xi32, #tpu.memory_space<hbm>>) dst(%arg6 : memref<16xi32, #tpu.memory_space<vmem>>)
      tpu.yield
    }) : () -> ()
    "tpu.region"() ({
      %run_scoped3A = tpu.sem_alloc : memref<!tpu.dma_semaphore, #tpu.memory_space<semaphore_mem>>
      %dma_start3A_158 = tpu.memref_slice %arg3[%add3A_4] : memref<2048xi32, #tpu.memory_space<hbm>> -> memref<16xi32, #tpu.memory_space<hbm>>
      %dma_start3A_159 = tpu.memref_slice %arg3[%add3A_4] : memref<2048xi32, #tpu.memory_space<hbm>> -> memref<16xi32, #tpu.memory_space<hbm>>
      tpu.enqueue_dma source(%dma_start3A_159 : memref<16xi32, #tpu.memory_space<hbm>>) target(%arg7 : memref<16xi32, #tpu.memory_space<vmem>>) target_semaphore(%run_scoped3A : memref<!tpu.dma_semaphore, #tpu.memory_space<semaphore_mem>>)
      %dma_wait3A_160 = tpu.memref_slice %arg3[%add3A_4] : memref<2048xi32, #tpu.memory_space<hbm>> -> memref<16xi32, #tpu.memory_space<hbm>>
      %dma_wait3A_161 = tpu.memref_slice %arg3[%add3A_4] : memref<2048xi32, #tpu.memory_space<hbm>> -> memref<16xi32, #tpu.memory_space<hbm>>
      tpu.wait_dma2 semaphore(%run_scoped3A : memref<!tpu.dma_semaphore, #tpu.memory_space<semaphore_mem>>) src(%dma_wait3A_161 : memref<16xi32, #tpu.memory_space<hbm>>) dst(%arg7 : memref<16xi32, #tpu.memory_space<vmem>>)
      tpu.yield
    }) : () -> ()
    %dma_start3A = arith.constant 0 : i32
    %dma_start3A_5 = arith.constant 0 : i32
    %dma_start3A_6 = tpu.memref_slice %arg4[%dma_start3A, %dma_start3A_5] : memref<12288x1024xf32, #tpu.memory_space<hbm>> -> memref<12288x1024xf32, #tpu.memory_space<hbm>>
    tpu.enqueue_indirect_dma source(%dma_start3A_6 : memref<12288x1024xf32, #tpu.memory_space<hbm>>) target(%arg10 : memref<16x1024xf32, #tpu.memory_space<vmem>>) offsets(%arg6 : memref<16xi32, #tpu.memory_space<vmem>>) semaphore(%arg14 : memref<!tpu.dma_semaphore, #tpu.memory_space<semaphore_mem>>)
    %dma_start3A_7 = arith.constant 0 : i32
    %dma_start3A_8 = arith.constant 0 : i32
    %dma_start3A_9 = tpu.memref_slice %arg4[%dma_start3A_7, %dma_start3A_8] : memref<12288x1024xf32, #tpu.memory_space<hbm>> -> memref<12288x1024xf32, #tpu.memory_space<hbm>>
    tpu.enqueue_indirect_dma source(%dma_start3A_9 : memref<12288x1024xf32, #tpu.memory_space<hbm>>) target(%arg11 : memref<16x1024xf32, #tpu.memory_space<vmem>>) offsets(%arg7 : memref<16xi32, #tpu.memory_space<vmem>>) semaphore(%arg15 : memref<!tpu.dma_semaphore, #tpu.memory_space<semaphore_mem>>)
    %mul3A_10 = arith.constant 64 : i32
    %mul3A_11 = arith.muli %add3A, %mul3A_10 : i32
    %add3A_12 = arith.constant 16 : i32
    %add3A_13 = arith.addi %mul3A_11, %add3A_12 : i32
    "tpu.region"() ({
      %run_scoped3A = tpu.sem_alloc : memref<!tpu.dma_semaphore, #tpu.memory_space<semaphore_mem>>
      %dma_start3A_158 = tpu.memref_slice %arg2[%add3A_13] : memref<2048xi32, #tpu.memory_space<hbm>> -> memref<16xi32, #tpu.memory_space<hbm>>
      %dma_start3A_159 = tpu.memref_slice %arg2[%add3A_13] : memref<2048xi32, #tpu.memory_space<hbm>> -> memref<16xi32, #tpu.memory_space<hbm>>
      tpu.enqueue_dma source(%dma_start3A_159 : memref<16xi32, #tpu.memory_space<hbm>>) target(%arg8 : memref<16xi32, #tpu.memory_space<vmem>>) target_semaphore(%run_scoped3A : memref<!tpu.dma_semaphore, #tpu.memory_space<semaphore_mem>>)
      %dma_wait3A_160 = tpu.memref_slice %arg2[%add3A_13] : memref<2048xi32, #tpu.memory_space<hbm>> -> memref<16xi32, #tpu.memory_space<hbm>>
      %dma_wait3A_161 = tpu.memref_slice %arg2[%add3A_13] : memref<2048xi32, #tpu.memory_space<hbm>> -> memref<16xi32, #tpu.memory_space<hbm>>
      tpu.wait_dma2 semaphore(%run_scoped3A : memref<!tpu.dma_semaphore, #tpu.memory_space<semaphore_mem>>) src(%dma_wait3A_161 : memref<16xi32, #tpu.memory_space<hbm>>) dst(%arg8 : memref<16xi32, #tpu.memory_space<vmem>>)
      tpu.yield
    }) : () -> ()
    "tpu.region"() ({
      %run_scoped3A = tpu.sem_alloc : memref<!tpu.dma_semaphore, #tpu.memory_space<semaphore_mem>>
      %dma_start3A_158 = tpu.memref_slice %arg3[%add3A_13] : memref<2048xi32, #tpu.memory_space<hbm>> -> memref<16xi32, #tpu.memory_space<hbm>>
      %dma_start3A_159 = tpu.memref_slice %arg3[%add3A_13] : memref<2048xi32, #tpu.memory_space<hbm>> -> memref<16xi32, #tpu.memory_space<hbm>>
      tpu.enqueue_dma source(%dma_start3A_159 : memref<16xi32, #tpu.memory_space<hbm>>) target(%arg9 : memref<16xi32, #tpu.memory_space<vmem>>) target_semaphore(%run_scoped3A : memref<!tpu.dma_semaphore, #tpu.memory_space<semaphore_mem>>)
      %dma_wait3A_160 = tpu.memref_slice %arg3[%add3A_13] : memref<2048xi32, #tpu.memory_space<hbm>> -> memref<16xi32, #tpu.memory_space<hbm>>
      %dma_wait3A_161 = tpu.memref_slice %arg3[%add3A_13] : memref<2048xi32, #tpu.memory_space<hbm>> -> memref<16xi32, #tpu.memory_space<hbm>>
      tpu.wait_dma2 semaphore(%run_scoped3A : memref<!tpu.dma_semaphore, #tpu.memory_space<semaphore_mem>>) src(%dma_wait3A_161 : memref<16xi32, #tpu.memory_space<hbm>>) dst(%arg9 : memref<16xi32, #tpu.memory_space<vmem>>)
      tpu.yield
    }) : () -> ()
    %dma_start3A_14 = arith.constant 0 : i32
    %dma_start3A_15 = arith.constant 0 : i32
    %dma_start3A_16 = tpu.memref_slice %arg4[%dma_start3A_14, %dma_start3A_15] : memref<12288x1024xf32, #tpu.memory_space<hbm>> -> memref<12288x1024xf32, #tpu.memory_space<hbm>>
    tpu.enqueue_indirect_dma source(%dma_start3A_16 : memref<12288x1024xf32, #tpu.memory_space<hbm>>) target(%arg12 : memref<16x1024xf32, #tpu.memory_space<vmem>>) offsets(%arg8 : memref<16xi32, #tpu.memory_space<vmem>>) semaphore(%arg16 : memref<!tpu.dma_semaphore, #tpu.memory_space<semaphore_mem>>)
    %dma_start3A_17 = arith.constant 0 : i32
    %dma_start3A_18 = arith.constant 0 : i32
    %dma_start3A_19 = tpu.memref_slice %arg4[%dma_start3A_17, %dma_start3A_18] : memref<12288x1024xf32, #tpu.memory_space<hbm>> -> memref<12288x1024xf32, #tpu.memory_space<hbm>>
    tpu.enqueue_indirect_dma source(%dma_start3A_19 : memref<12288x1024xf32, #tpu.memory_space<hbm>>) target(%arg13 : memref<16x1024xf32, #tpu.memory_space<vmem>>) offsets(%arg9 : memref<16xi32, #tpu.memory_space<vmem>>) semaphore(%arg17 : memref<!tpu.dma_semaphore, #tpu.memory_space<semaphore_mem>>)
    %dma_wait3A = arith.constant 0 : i32
    %dma_wait3A_20 = arith.constant 0 : i32
    %dma_wait3A_21 = tpu.memref_slice %arg4[%dma_wait3A, %dma_wait3A_20] : memref<12288x1024xf32, #tpu.memory_space<hbm>> -> memref<12288x1024xf32, #tpu.memory_space<hbm>>
    tpu.wait_indirect_dma semaphore(%arg14 : memref<!tpu.dma_semaphore, #tpu.memory_space<semaphore_mem>>) src(%dma_wait3A_21 : memref<12288x1024xf32, #tpu.memory_space<hbm>>) dst(%arg10 : memref<16x1024xf32, #tpu.memory_space<vmem>>)
    %dma_wait3A_22 = arith.constant 0 : i32
    %dma_wait3A_23 = arith.constant 0 : i32
    %dma_wait3A_24 = tpu.memref_slice %arg4[%dma_wait3A_22, %dma_wait3A_23] : memref<12288x1024xf32, #tpu.memory_space<hbm>> -> memref<12288x1024xf32, #tpu.memory_space<hbm>>
    tpu.wait_indirect_dma semaphore(%arg15 : memref<!tpu.dma_semaphore, #tpu.memory_space<semaphore_mem>>) src(%dma_wait3A_24 : memref<12288x1024xf32, #tpu.memory_space<hbm>>) dst(%arg11 : memref<16x1024xf32, #tpu.memory_space<vmem>>)
    %scan3A = arith.constant 0 : i32
    %scan3A_25 = arith.constant 0 : i32
    %scan3A_26 = arith.constant 1024 : i32
    %scan3A_27 = arith.addi %scan3A_25, %scan3A_26 : i32
    %scan3A_28 = arith.constant 8 : i32
    scf.for %scan3A_158 = %scan3A_25 to %scan3A_27 step %scan3A_28  : i32 {
      %jit3A = arith.constant 64 : i32
      %div3A = arith.divsi %scan3A_158, %jit3A : i32
      %sign3A = arith.constant 0 : i32
      %sign3A_159 = arith.cmpi sgt, %scan3A_158, %sign3A : i32
      %sign3A_160 = arith.extui %sign3A_159 : i1 to i32
      %sign3A_161 = arith.constant 0 : i32
      %sign3A_162 = arith.cmpi slt, %scan3A_158, %sign3A_161 : i32
      %sign3A_163 = arith.extui %sign3A_162 : i1 to i32
      %sign3A_164 = arith.subi %sign3A_160, %sign3A_163 : i32
      %sign3A_165 = arith.constant 0 : i32
      %sign3A_166 = arith.cmpi sgt, %jit3A, %sign3A_165 : i32
      %sign3A_167 = arith.extui %sign3A_166 : i1 to i32
      %sign3A_168 = arith.constant 0 : i32
      %sign3A_169 = arith.cmpi slt, %jit3A, %sign3A_168 : i32
      %sign3A_170 = arith.extui %sign3A_169 : i1 to i32
      %sign3A_171 = arith.subi %sign3A_167, %sign3A_170 : i32
      %ne3A = arith.cmpi ne, %sign3A_164, %sign3A_171 : i32
      %rem3A = arith.remsi %scan3A_158, %jit3A : i32
      %ne3A_172 = arith.constant 0 : i32
      %ne3A_173 = arith.cmpi ne, %rem3A, %ne3A_172 : i32
      %and3A = arith.andi %ne3A, %ne3A_173 : i1
      %sub3A = arith.constant 1 : i32
      %sub3A_174 = arith.subi %div3A, %sub3A : i32
      %select_n3A = arith.select %and3A, %sub3A_174, %div3A : i32
      %jit3A_175 = arith.constant 64 : i32
      %eq3A = arith.constant 0 : i32
      %eq3A_176 = arith.cmpi eq, %jit3A_175, %eq3A : i32
      %jit3A_177 = arith.constant 1 : i32
      %select_n3A_178 = arith.select %eq3A_176, %jit3A_177, %jit3A_175 : i32
      %rem3A_179 = arith.remsi %scan3A_158, %select_n3A_178 : i32
      %ne3A_180 = arith.constant 0 : i32
      %ne3A_181 = arith.cmpi ne, %rem3A_179, %ne3A_180 : i32
      %lt3A = arith.constant 0 : i32
      %lt3A_182 = arith.cmpi slt, %rem3A_179, %lt3A : i32
      %lt3A_183 = arith.constant 0 : i32
      %lt3A_184 = arith.cmpi slt, %select_n3A_178, %lt3A_183 : i32
      %ne3A_185 = arith.xori %lt3A_182, %lt3A_184 : i1
      %and3A_186 = arith.andi %ne3A_185, %ne3A_181 : i1
      %add3A_187 = arith.addi %rem3A_179, %select_n3A_178 : i32
      %select_n3A_188 = arith.select %and3A_186, %add3A_187, %rem3A_179 : i32
      %mul3A_189 = arith.constant 16 : i32
      %mul3A_190 = arith.muli %select_n3A_188, %mul3A_189 : i32
      %get3A = arith.index_cast %select_n3A : i32 to index
      %get3A_191 = arith.index_cast %mul3A_190 : i32 to index
      %get3A_192 = tpu.vector_load %arg10[%get3A, %get3A_191] {strides = array<i32>} : memref<16x1024xf32, #tpu.memory_space<vmem>>, vector<1x16xf32>,
      %get3A_193 = vector.shape_cast %get3A_192 : vector<1x16xf32> to vector<16xf32>
      %get3A_194 = arith.index_cast %select_n3A : i32 to index
      %get3A_195 = arith.index_cast %mul3A_190 : i32 to index
      %get3A_196 = tpu.vector_load %arg11[%get3A_194, %get3A_195] {strides = array<i32>} : memref<16x1024xf32, #tpu.memory_space<vmem>>, vector<1x16xf32>,
      %get3A_197 = vector.shape_cast %get3A_196 : vector<1x16xf32> to vector<16xf32>
      %add3A_198 = arith.addf %get3A_193, %get3A_197 : vector<16xf32>
      %swap3A = arith.index_cast %select_n3A : i32 to index
      %swap3A_199 = arith.index_cast %mul3A_190 : i32 to index
      %swap3A_200 = tpu.vector_load %arg10[%swap3A, %swap3A_199] {strides = array<i32>} : memref<16x1024xf32, #tpu.memory_space<vmem>>, vector<1x16xf32>,
      %swap3A_201 = vector.shape_cast %swap3A_200 : vector<1x16xf32> to vector<16xf32>
      %swap3A_202 = vector.shape_cast %add3A_198 : vector<16xf32> to vector<1x16xf32>
      tpu.vector_store %arg10[%swap3A, %swap3A_199], %swap3A_202 {strides = array<i32>} : memref<16x1024xf32, #tpu.memory_space<vmem>>, vector<1x16xf32>,
      %scan3A_203 = arith.constant 1 : i32
      %scan3A_204 = arith.addi %scan3A_158, %scan3A_203 : i32
      %jit3A_205 = arith.constant 64 : i32
      %div3A_206 = arith.divsi %scan3A_204, %jit3A_205 : i32
      %sign3A_207 = arith.constant 0 : i32
      %sign3A_208 = arith.cmpi sgt, %scan3A_204, %sign3A_207 : i32
      %sign3A_209 = arith.extui %sign3A_208 : i1 to i32
      %sign3A_210 = arith.constant 0 : i32
      %sign3A_211 = arith.cmpi slt, %scan3A_204, %sign3A_210 : i32
      %sign3A_212 = arith.extui %sign3A_211 : i1 to i32
      %sign3A_213 = arith.subi %sign3A_209, %sign3A_212 : i32
      %sign3A_214 = arith.constant 0 : i32
      %sign3A_215 = arith.cmpi sgt, %jit3A_205, %sign3A_214 : i32
      %sign3A_216 = arith.extui %sign3A_215 : i1 to i32
      %sign3A_217 = arith.constant 0 : i32
      %sign3A_218 = arith.cmpi slt, %jit3A_205, %sign3A_217 : i32
      %sign3A_219 = arith.extui %sign3A_218 : i1 to i32
      %sign3A_220 = arith.subi %sign3A_216, %sign3A_219 : i32
      %ne3A_221 = arith.cmpi ne, %sign3A_213, %sign3A_220 : i32
      %rem3A_222 = arith.remsi %scan3A_204, %jit3A_205 : i32
      %ne3A_223 = arith.constant 0 : i32
      %ne3A_224 = arith.cmpi ne, %rem3A_222, %ne3A_223 : i32
      %and3A_225 = arith.andi %ne3A_221, %ne3A_224 : i1
      %sub3A_226 = arith.constant 1 : i32
      %sub3A_227 = arith.subi %div3A_206, %sub3A_226 : i32
      %select_n3A_228 = arith.select %and3A_225, %sub3A_227, %div3A_206 : i32
      %jit3A_229 = arith.constant 64 : i32
      %eq3A_230 = arith.constant 0 : i32
      %eq3A_231 = arith.cmpi eq, %jit3A_229, %eq3A_230 : i32
      %jit3A_232 = arith.constant 1 : i32
      %select_n3A_233 = arith.select %eq3A_231, %jit3A_232, %jit3A_229 : i32
      %rem3A_234 = arith.remsi %scan3A_204, %select_n3A_233 : i32
      %ne3A_235 = arith.constant 0 : i32
      %ne3A_236 = arith.cmpi ne, %rem3A_234, %ne3A_235 : i32
      %lt3A_237 = arith.constant 0 : i32
      %lt3A_238 = arith.cmpi slt, %rem3A_234, %lt3A_237 : i32
      %lt3A_239 = arith.constant 0 : i32
      %lt3A_240 = arith.cmpi slt, %select_n3A_233, %lt3A_239 : i32
      %ne3A_241 = arith.xori %lt3A_238, %lt3A_240 : i1
      %and3A_242 = arith.andi %ne3A_241, %ne3A_236 : i1
      %add3A_243 = arith.addi %rem3A_234, %select_n3A_233 : i32
      %select_n3A_244 = arith.select %and3A_242, %add3A_243, %rem3A_234 : i32
      %mul3A_245 = arith.constant 16 : i32
      %mul3A_246 = arith.muli %select_n3A_244, %mul3A_245 : i32
      %get3A_247 = arith.index_cast %select_n3A_228 : i32 to index
      %get3A_248 = arith.index_cast %mul3A_246 : i32 to index
      %get3A_249 = tpu.vector_load %arg10[%get3A_247, %get3A_248] {strides = array<i32>} : memref<16x1024xf32, #tpu.memory_space<vmem>>, vector<1x16xf32>,
      %get3A_250 = vector.shape_cast %get3A_249 : vector<1x16xf32> to vector<16xf32>
      %get3A_251 = arith.index_cast %select_n3A_228 : i32 to index
      %get3A_252 = arith.index_cast %mul3A_246 : i32 to index
      %get3A_253 = tpu.vector_load %arg11[%get3A_251, %get3A_252] {strides = array<i32>} : memref<16x1024xf32, #tpu.memory_space<vmem>>, vector<1x16xf32>,
      %get3A_254 = vector.shape_cast %get3A_253 : vector<1x16xf32> to vector<16xf32>
      %add3A_255 = arith.addf %get3A_250, %get3A_254 : vector<16xf32>
      %swap3A_256 = arith.index_cast %select_n3A_228 : i32 to index
      %swap3A_257 = arith.index_cast %mul3A_246 : i32 to index
      %swap3A_258 = tpu.vector_load %arg10[%swap3A_256, %swap3A_257] {strides = array<i32>} : memref<16x1024xf32, #tpu.memory_space<vmem>>, vector<1x16xf32>,
      %swap3A_259 = vector.shape_cast %swap3A_258 : vector<1x16xf32> to vector<16xf32>
      %swap3A_260 = vector.shape_cast %add3A_255 : vector<16xf32> to vector<1x16xf32>
      tpu.vector_store %arg10[%swap3A_256, %swap3A_257], %swap3A_260 {strides = array<i32>} : memref<16x1024xf32, #tpu.memory_space<vmem>>, vector<1x16xf32>,
      %scan3A_261 = arith.constant 2 : i32
      %scan3A_262 = arith.addi %scan3A_158, %scan3A_261 : i32
      %jit3A_263 = arith.constant 64 : i32
      %div3A_264 = arith.divsi %scan3A_262, %jit3A_263 : i32
      %sign3A_265 = arith.constant 0 : i32
      %sign3A_266 = arith.cmpi sgt, %scan3A_262, %sign3A_265 : i32
      %sign3A_267 = arith.extui %sign3A_266 : i1 to i32
      %sign3A_268 = arith.constant 0 : i32
      %sign3A_269 = arith.cmpi slt, %scan3A_262, %sign3A_268 : i32
      %sign3A_270 = arith.extui %sign3A_269 : i1 to i32
      %sign3A_271 = arith.subi %sign3A_267, %sign3A_270 : i32
      %sign3A_272 = arith.constant 0 : i32
      %sign3A_273 = arith.cmpi sgt, %jit3A_263, %sign3A_272 : i32
      %sign3A_274 = arith.extui %sign3A_273 : i1 to i32
      %sign3A_275 = arith.constant 0 : i32
      %sign3A_276 = arith.cmpi slt, %jit3A_263, %sign3A_275 : i32
      %sign3A_277 = arith.extui %sign3A_276 : i1 to i32
      %sign3A_278 = arith.subi %sign3A_274, %sign3A_277 : i32
      %ne3A_279 = arith.cmpi ne, %sign3A_271, %sign3A_278 : i32
      %rem3A_280 = arith.remsi %scan3A_262, %jit3A_263 : i32
      %ne3A_281 = arith.constant 0 : i32
      %ne3A_282 = arith.cmpi ne, %rem3A_280, %ne3A_281 : i32
      %and3A_283 = arith.andi %ne3A_279, %ne3A_282 : i1
      %sub3A_284 = arith.constant 1 : i32
      %sub3A_285 = arith.subi %div3A_264, %sub3A_284 : i32
      %select_n3A_286 = arith.select %and3A_283, %sub3A_285, %div3A_264 : i32
      %jit3A_287 = arith.constant 64 : i32
      %eq3A_288 = arith.constant 0 : i32
      %eq3A_289 = arith.cmpi eq, %jit3A_287, %eq3A_288 : i32
      %jit3A_290 = arith.constant 1 : i32
      %select_n3A_291 = arith.select %eq3A_289, %jit3A_290, %jit3A_287 : i32
      %rem3A_292 = arith.remsi %scan3A_262, %select_n3A_291 : i32
      %ne3A_293 = arith.constant 0 : i32
      %ne3A_294 = arith.cmpi ne, %rem3A_292, %ne3A_293 : i32
      %lt3A_295 = arith.constant 0 : i32
      %lt3A_296 = arith.cmpi slt, %rem3A_292, %lt3A_295 : i32
      %lt3A_297 = arith.constant 0 : i32
      %lt3A_298 = arith.cmpi slt, %select_n3A_291, %lt3A_297 : i32
      %ne3A_299 = arith.xori %lt3A_296, %lt3A_298 : i1
      %and3A_300 = arith.andi %ne3A_299, %ne3A_294 : i1
      %add3A_301 = arith.addi %rem3A_292, %select_n3A_291 : i32
      %select_n3A_302 = arith.select %and3A_300, %add3A_301, %rem3A_292 : i32
      %mul3A_303 = arith.constant 16 : i32
      %mul3A_304 = arith.muli %select_n3A_302, %mul3A_303 : i32
      %get3A_305 = arith.index_cast %select_n3A_286 : i32 to index
      %get3A_306 = arith.index_cast %mul3A_304 : i32 to index
      %get3A_307 = tpu.vector_load %arg10[%get3A_305, %get3A_306] {strides = array<i32>} : memref<16x1024xf32, #tpu.memory_space<vmem>>, vector<1x16xf32>,
      %get3A_308 = vector.shape_cast %get3A_307 : vector<1x16xf32> to vector<16xf32>
      %get3A_309 = arith.index_cast %select_n3A_286 : i32 to index
      %get3A_310 = arith.index_cast %mul3A_304 : i32 to index
      %get3A_311 = tpu.vector_load %arg11[%get3A_309, %get3A_310] {strides = array<i32>} : memref<16x1024xf32, #tpu.memory_space<vmem>>, vector<1x16xf32>,
      %get3A_312 = vector.shape_cast %get3A_311 : vector<1x16xf32> to vector<16xf32>
      %add3A_313 = arith.addf %get3A_308, %get3A_312 : vector<16xf32>
      %swap3A_314 = arith.index_cast %select_n3A_286 : i32 to index
      %swap3A_315 = arith.index_cast %mul3A_304 : i32 to index
      %swap3A_316 = tpu.vector_load %arg10[%swap3A_314, %swap3A_315] {strides = array<i32>} : memref<16x1024xf32, #tpu.memory_space<vmem>>, vector<1x16xf32>,
      %swap3A_317 = vector.shape_cast %swap3A_316 : vector<1x16xf32> to vector<16xf32>
      %swap3A_318 = vector.shape_cast %add3A_313 : vector<16xf32> to vector<1x16xf32>
      tpu.vector_store %arg10[%swap3A_314, %swap3A_315], %swap3A_318 {strides = array<i32>} : memref<16x1024xf32, #tpu.memory_space<vmem>>, vector<1x16xf32>,
      %scan3A_319 = arith.constant 3 : i32
      %scan3A_320 = arith.addi %scan3A_158, %scan3A_319 : i32
      %jit3A_321 = arith.constant 64 : i32
      %div3A_322 = arith.divsi %scan3A_320, %jit3A_321 : i32
      %sign3A_323 = arith.constant 0 : i32
      %sign3A_324 = arith.cmpi sgt, %scan3A_320, %sign3A_323 : i32
      %sign3A_325 = arith.extui %sign3A_324 : i1 to i32
      %sign3A_326 = arith.constant 0 : i32
      %sign3A_327 = arith.cmpi slt, %scan3A_320, %sign3A_326 : i32
      %sign3A_328 = arith.extui %sign3A_327 : i1 to i32
      %sign3A_329 = arith.subi %sign3A_325, %sign3A_328 : i32
      %sign3A_330 = arith.constant 0 : i32
      %sign3A_331 = arith.cmpi sgt, %jit3A_321, %sign3A_330 : i32
      %sign3A_332 = arith.extui %sign3A_331 : i1 to i32
      %sign3A_333 = arith.constant 0 : i32
      %sign3A_334 = arith.cmpi slt, %jit3A_321, %sign3A_333 : i32
      %sign3A_335 = arith.extui %sign3A_334 : i1 to i32
      %sign3A_336 = arith.subi %sign3A_332, %sign3A_335 : i32
      %ne3A_337 = arith.cmpi ne, %sign3A_329, %sign3A_336 : i32
      %rem3A_338 = arith.remsi %scan3A_320, %jit3A_321 : i32
      %ne3A_339 = arith.constant 0 : i32
      %ne3A_340 = arith.cmpi ne, %rem3A_338, %ne3A_339 : i32
      %and3A_341 = arith.andi %ne3A_337, %ne3A_340 : i1
      %sub3A_342 = arith.constant 1 : i32
      %sub3A_343 = arith.subi %div3A_322, %sub3A_342 : i32
      %select_n3A_344 = arith.select %and3A_341, %sub3A_343, %div3A_322 : i32
      %jit3A_345 = arith.constant 64 : i32
      %eq3A_346 = arith.constant 0 : i32
      %eq3A_347 = arith.cmpi eq, %jit3A_345, %eq3A_346 : i32
      %jit3A_348 = arith.constant 1 : i32
      %select_n3A_349 = arith.select %eq3A_347, %jit3A_348, %jit3A_345 : i32
      %rem3A_350 = arith.remsi %scan3A_320, %select_n3A_349 : i32
      %ne3A_351 = arith.constant 0 : i32
      %ne3A_352 = arith.cmpi ne, %rem3A_350, %ne3A_351 : i32
      %lt3A_353 = arith.constant 0 : i32
      %lt3A_354 = arith.cmpi slt, %rem3A_350, %lt3A_353 : i32
      %lt3A_355 = arith.constant 0 : i32
      %lt3A_356 = arith.cmpi slt, %select_n3A_349, %lt3A_355 : i32
      %ne3A_357 = arith.xori %lt3A_354, %lt3A_356 : i1
      %and3A_358 = arith.andi %ne3A_357, %ne3A_352 : i1
      %add3A_359 = arith.addi %rem3A_350, %select_n3A_349 : i32
      %select_n3A_360 = arith.select %and3A_358, %add3A_359, %rem3A_350 : i32
      %mul3A_361 = arith.constant 16 : i32
      %mul3A_362 = arith.muli %select_n3A_360, %mul3A_361 : i32
      %get3A_363 = arith.index_cast %select_n3A_344 : i32 to index
      %get3A_364 = arith.index_cast %mul3A_362 : i32 to index
      %get3A_365 = tpu.vector_load %arg10[%get3A_363, %get3A_364] {strides = array<i32>} : memref<16x1024xf32, #tpu.memory_space<vmem>>, vector<1x16xf32>,
      %get3A_366 = vector.shape_cast %get3A_365 : vector<1x16xf32> to vector<16xf32>
      %get3A_367 = arith.index_cast %select_n3A_344 : i32 to index
      %get3A_368 = arith.index_cast %mul3A_362 : i32 to index
      %get3A_369 = tpu.vector_load %arg11[%get3A_367, %get3A_368] {strides = array<i32>} : memref<16x1024xf32, #tpu.memory_space<vmem>>, vector<1x16xf32>,
      %get3A_370 = vector.shape_cast %get3A_369 : vector<1x16xf32> to vector<16xf32>
      %add3A_371 = arith.addf %get3A_366, %get3A_370 : vector<16xf32>
      %swap3A_372 = arith.index_cast %select_n3A_344 : i32 to index
      %swap3A_373 = arith.index_cast %mul3A_362 : i32 to index
      %swap3A_374 = tpu.vector_load %arg10[%swap3A_372, %swap3A_373] {strides = array<i32>} : memref<16x1024xf32, #tpu.memory_space<vmem>>, vector<1x16xf32>,
      %swap3A_375 = vector.shape_cast %swap3A_374 : vector<1x16xf32> to vector<16xf32>
      %swap3A_376 = vector.shape_cast %add3A_371 : vector<16xf32> to vector<1x16xf32>
      tpu.vector_store %arg10[%swap3A_372, %swap3A_373], %swap3A_376 {strides = array<i32>} : memref<16x1024xf32, #tpu.memory_space<vmem>>, vector<1x16xf32>,
      %scan3A_377 = arith.constant 4 : i32
      %scan3A_378 = arith.addi %scan3A_158, %scan3A_377 : i32
      %jit3A_379 = arith.constant 64 : i32
      %div3A_380 = arith.divsi %scan3A_378, %jit3A_379 : i32
      %sign3A_381 = arith.constant 0 : i32
      %sign3A_382 = arith.cmpi sgt, %scan3A_378, %sign3A_381 : i32
      %sign3A_383 = arith.extui %sign3A_382 : i1 to i32
      %sign3A_384 = arith.constant 0 : i32
      %sign3A_385 = arith.cmpi slt, %scan3A_378, %sign3A_384 : i32
      %sign3A_386 = arith.extui %sign3A_385 : i1 to i32
      %sign3A_387 = arith.subi %sign3A_383, %sign3A_386 : i32
      %sign3A_388 = arith.constant 0 : i32
      %sign3A_389 = arith.cmpi sgt, %jit3A_379, %sign3A_388 : i32
      %sign3A_390 = arith.extui %sign3A_389 : i1 to i32
      %sign3A_391 = arith.constant 0 : i32
      %sign3A_392 = arith.cmpi slt, %jit3A_379, %sign3A_391 : i32
      %sign3A_393 = arith.extui %sign3A_392 : i1 to i32
      %sign3A_394 = arith.subi %sign3A_390, %sign3A_393 : i32
      %ne3A_395 = arith.cmpi ne, %sign3A_387, %sign3A_394 : i32
      %rem3A_396 = arith.remsi %scan3A_378, %jit3A_379 : i32
      %ne3A_397 = arith.constant 0 : i32
      %ne3A_398 = arith.cmpi ne, %rem3A_396, %ne3A_397 : i32
      %and3A_399 = arith.andi %ne3A_395, %ne3A_398 : i1
      %sub3A_400 = arith.constant 1 : i32
      %sub3A_401 = arith.subi %div3A_380, %sub3A_400 : i32
      %select_n3A_402 = arith.select %and3A_399, %sub3A_401, %div3A_380 : i32
      %jit3A_403 = arith.constant 64 : i32
      %eq3A_404 = arith.constant 0 : i32
      %eq3A_405 = arith.cmpi eq, %jit3A_403, %eq3A_404 : i32
      %jit3A_406 = arith.constant 1 : i32
      %select_n3A_407 = arith.select %eq3A_405, %jit3A_406, %jit3A_403 : i32
      %rem3A_408 = arith.remsi %scan3A_378, %select_n3A_407 : i32
      %ne3A_409 = arith.constant 0 : i32
      %ne3A_410 = arith.cmpi ne, %rem3A_408, %ne3A_409 : i32
      %lt3A_411 = arith.constant 0 : i32
      %lt3A_412 = arith.cmpi slt, %rem3A_408, %lt3A_411 : i32
      %lt3A_413 = arith.constant 0 : i32
      %lt3A_414 = arith.cmpi slt, %select_n3A_407, %lt3A_413 : i32
      %ne3A_415 = arith.xori %lt3A_412, %lt3A_414 : i1
      %and3A_416 = arith.andi %ne3A_415, %ne3A_410 : i1
      %add3A_417 = arith.addi %rem3A_408, %select_n3A_407 : i32
      %select_n3A_418 = arith.select %and3A_416, %add3A_417, %rem3A_408 : i32
      %mul3A_419 = arith.constant 16 : i32
      %mul3A_420 = arith.muli %select_n3A_418, %mul3A_419 : i32
      %get3A_421 = arith.index_cast %select_n3A_402 : i32 to index
      %get3A_422 = arith.index_cast %mul3A_420 : i32 to index
      %get3A_423 = tpu.vector_load %arg10[%get3A_421, %get3A_422] {strides = array<i32>} : memref<16x1024xf32, #tpu.memory_space<vmem>>, vector<1x16xf32>,
      %get3A_424 = vector.shape_cast %get3A_423 : vector<1x16xf32> to vector<16xf32>
      %get3A_425 = arith.index_cast %select_n3A_402 : i32 to index
      %get3A_426 = arith.index_cast %mul3A_420 : i32 to index
      %get3A_427 = tpu.vector_load %arg11[%get3A_425, %get3A_426] {strides = array<i32>} : memref<16x1024xf32, #tpu.memory_space<vmem>>, vector<1x16xf32>,
      %get3A_428 = vector.shape_cast %get3A_427 : vector<1x16xf32> to vector<16xf32>
      %add3A_429 = arith.addf %get3A_424, %get3A_428 : vector<16xf32>
      %swap3A_430 = arith.index_cast %select_n3A_402 : i32 to index
      %swap3A_431 = arith.index_cast %mul3A_420 : i32 to index
      %swap3A_432 = tpu.vector_load %arg10[%swap3A_430, %swap3A_431] {strides = array<i32>} : memref<16x1024xf32, #tpu.memory_space<vmem>>, vector<1x16xf32>,
      %swap3A_433 = vector.shape_cast %swap3A_432 : vector<1x16xf32> to vector<16xf32>
      %swap3A_434 = vector.shape_cast %add3A_429 : vector<16xf32> to vector<1x16xf32>
      tpu.vector_store %arg10[%swap3A_430, %swap3A_431], %swap3A_434 {strides = array<i32>} : memref<16x1024xf32, #tpu.memory_space<vmem>>, vector<1x16xf32>,
      %scan3A_435 = arith.constant 5 : i32
      %scan3A_436 = arith.addi %scan3A_158, %scan3A_435 : i32
      %jit3A_437 = arith.constant 64 : i32
      %div3A_438 = arith.divsi %scan3A_436, %jit3A_437 : i32
      %sign3A_439 = arith.constant 0 : i32
      %sign3A_440 = arith.cmpi sgt, %scan3A_436, %sign3A_439 : i32
      %sign3A_441 = arith.extui %sign3A_440 : i1 to i32
      %sign3A_442 = arith.constant 0 : i32
      %sign3A_443 = arith.cmpi slt, %scan3A_436, %sign3A_442 : i32
      %sign3A_444 = arith.extui %sign3A_443 : i1 to i32
      %sign3A_445 = arith.subi %sign3A_441, %sign3A_444 : i32
      %sign3A_446 = arith.constant 0 : i32
      %sign3A_447 = arith.cmpi sgt, %jit3A_437, %sign3A_446 : i32
      %sign3A_448 = arith.extui %sign3A_447 : i1 to i32
      %sign3A_449 = arith.constant 0 : i32
      %sign3A_450 = arith.cmpi slt, %jit3A_437, %sign3A_449 : i32
      %sign3A_451 = arith.extui %sign3A_450 : i1 to i32
      %sign3A_452 = arith.subi %sign3A_448, %sign3A_451 : i32
      %ne3A_453 = arith.cmpi ne, %sign3A_445, %sign3A_452 : i32
      %rem3A_454 = arith.remsi %scan3A_436, %jit3A_437 : i32
      %ne3A_455 = arith.constant 0 : i32
      %ne3A_456 = arith.cmpi ne, %rem3A_454, %ne3A_455 : i32
      %and3A_457 = arith.andi %ne3A_453, %ne3A_456 : i1
      %sub3A_458 = arith.constant 1 : i32
      %sub3A_459 = arith.subi %div3A_438, %sub3A_458 : i32
      %select_n3A_460 = arith.select %and3A_457, %sub3A_459, %div3A_438 : i32
      %jit3A_461 = arith.constant 64 : i32
      %eq3A_462 = arith.constant 0 : i32
      %eq3A_463 = arith.cmpi eq, %jit3A_461, %eq3A_462 : i32
      %jit3A_464 = arith.constant 1 : i32
      %select_n3A_465 = arith.select %eq3A_463, %jit3A_464, %jit3A_461 : i32
      %rem3A_466 = arith.remsi %scan3A_436, %select_n3A_465 : i32
      %ne3A_467 = arith.constant 0 : i32
      %ne3A_468 = arith.cmpi ne, %rem3A_466, %ne3A_467 : i32
      %lt3A_469 = arith.constant 0 : i32
      %lt3A_470 = arith.cmpi slt, %rem3A_466, %lt3A_469 : i32
      %lt3A_471 = arith.constant 0 : i32
      %lt3A_472 = arith.cmpi slt, %select_n3A_465, %lt3A_471 : i32
      %ne3A_473 = arith.xori %lt3A_470, %lt3A_472 : i1
      %and3A_474 = arith.andi %ne3A_473, %ne3A_468 : i1
      %add3A_475 = arith.addi %rem3A_466, %select_n3A_465 : i32
      %select_n3A_476 = arith.select %and3A_474, %add3A_475, %rem3A_466 : i32
      %mul3A_477 = arith.constant 16 : i32
      %mul3A_478 = arith.muli %select_n3A_476, %mul3A_477 : i32
      %get3A_479 = arith.index_cast %select_n3A_460 : i32 to index
      %get3A_480 = arith.index_cast %mul3A_478 : i32 to index
      %get3A_481 = tpu.vector_load %arg10[%get3A_479, %get3A_480] {strides = array<i32>} : memref<16x1024xf32, #tpu.memory_space<vmem>>, vector<1x16xf32>,
      %get3A_482 = vector.shape_cast %get3A_481 : vector<1x16xf32> to vector<16xf32>
      %get3A_483 = arith.index_cast %select_n3A_460 : i32 to index
      %get3A_484 = arith.index_cast %mul3A_478 : i32 to index
      %get3A_485 = tpu.vector_load %arg11[%get3A_483, %get3A_484] {strides = array<i32>} : memref<16x1024xf32, #tpu.memory_space<vmem>>, vector<1x16xf32>,
      %get3A_486 = vector.shape_cast %get3A_485 : vector<1x16xf32> to vector<16xf32>
      %add3A_487 = arith.addf %get3A_482, %get3A_486 : vector<16xf32>
      %swap3A_488 = arith.index_cast %select_n3A_460 : i32 to index
      %swap3A_489 = arith.index_cast %mul3A_478 : i32 to index
      %swap3A_490 = tpu.vector_load %arg10[%swap3A_488, %swap3A_489] {strides = array<i32>} : memref<16x1024xf32, #tpu.memory_space<vmem>>, vector<1x16xf32>,
      %swap3A_491 = vector.shape_cast %swap3A_490 : vector<1x16xf32> to vector<16xf32>
      %swap3A_492 = vector.shape_cast %add3A_487 : vector<16xf32> to vector<1x16xf32>
      tpu.vector_store %arg10[%swap3A_488, %swap3A_489], %swap3A_492 {strides = array<i32>} : memref<16x1024xf32, #tpu.memory_space<vmem>>, vector<1x16xf32>,
      %scan3A_493 = arith.constant 6 : i32
      %scan3A_494 = arith.addi %scan3A_158, %scan3A_493 : i32
      %jit3A_495 = arith.constant 64 : i32
      %div3A_496 = arith.divsi %scan3A_494, %jit3A_495 : i32
      %sign3A_497 = arith.constant 0 : i32
      %sign3A_498 = arith.cmpi sgt, %scan3A_494, %sign3A_497 : i32
      %sign3A_499 = arith.extui %sign3A_498 : i1 to i32
      %sign3A_500 = arith.constant 0 : i32
      %sign3A_501 = arith.cmpi slt, %scan3A_494, %sign3A_500 : i32
      %sign3A_502 = arith.extui %sign3A_501 : i1 to i32
      %sign3A_503 = arith.subi %sign3A_499, %sign3A_502 : i32
      %sign3A_504 = arith.constant 0 : i32
      %sign3A_505 = arith.cmpi sgt, %jit3A_495, %sign3A_504 : i32
      %sign3A_506 = arith.extui %sign3A_505 : i1 to i32
      %sign3A_507 = arith.constant 0 : i32
      %sign3A_508 = arith.cmpi slt, %jit3A_495, %sign3A_507 : i32
      %sign3A_509 = arith.extui %sign3A_508 : i1 to i32
      %sign3A_510 = arith.subi %sign3A_506, %sign3A_509 : i32
      %ne3A_511 = arith.cmpi ne, %sign3A_503, %sign3A_510 : i32
      %rem3A_512 = arith.remsi %scan3A_494, %jit3A_495 : i32
      %ne3A_513 = arith.constant 0 : i32
      %ne3A_514 = arith.cmpi ne, %rem3A_512, %ne3A_513 : i32
      %and3A_515 = arith.andi %ne3A_511, %ne3A_514 : i1
      %sub3A_516 = arith.constant 1 : i32
      %sub3A_517 = arith.subi %div3A_496, %sub3A_516 : i32
      %select_n3A_518 = arith.select %and3A_515, %sub3A_517, %div3A_496 : i32
      %jit3A_519 = arith.constant 64 : i32
      %eq3A_520 = arith.constant 0 : i32
      %eq3A_521 = arith.cmpi eq, %jit3A_519, %eq3A_520 : i32
      %jit3A_522 = arith.constant 1 : i32
      %select_n3A_523 = arith.select %eq3A_521, %jit3A_522, %jit3A_519 : i32
      %rem3A_524 = arith.remsi %scan3A_494, %select_n3A_523 : i32
      %ne3A_525 = arith.constant 0 : i32
      %ne3A_526 = arith.cmpi ne, %rem3A_524, %ne3A_525 : i32
      %lt3A_527 = arith.constant 0 : i32
      %lt3A_528 = arith.cmpi slt, %rem3A_524, %lt3A_527 : i32
      %lt3A_529 = arith.constant 0 : i32
      %lt3A_530 = arith.cmpi slt, %select_n3A_523, %lt3A_529 : i32
      %ne3A_531 = arith.xori %lt3A_528, %lt3A_530 : i1
      %and3A_532 = arith.andi %ne3A_531, %ne3A_526 : i1
      %add3A_533 = arith.addi %rem3A_524, %select_n3A_523 : i32
      %select_n3A_534 = arith.select %and3A_532, %add3A_533, %rem3A_524 : i32
      %mul3A_535 = arith.constant 16 : i32
      %mul3A_536 = arith.muli %select_n3A_534, %mul3A_535 : i32
      %get3A_537 = arith.index_cast %select_n3A_518 : i32 to index
      %get3A_538 = arith.index_cast %mul3A_536 : i32 to index
      %get3A_539 = tpu.vector_load %arg10[%get3A_537, %get3A_538] {strides = array<i32>} : memref<16x1024xf32, #tpu.memory_space<vmem>>, vector<1x16xf32>,
      %get3A_540 = vector.shape_cast %get3A_539 : vector<1x16xf32> to vector<16xf32>
      %get3A_541 = arith.index_cast %select_n3A_518 : i32 to index
      %get3A_542 = arith.index_cast %mul3A_536 : i32 to index
      %get3A_543 = tpu.vector_load %arg11[%get3A_541, %get3A_542] {strides = array<i32>} : memref<16x1024xf32, #tpu.memory_space<vmem>>, vector<1x16xf32>,
      %get3A_544 = vector.shape_cast %get3A_543 : vector<1x16xf32> to vector<16xf32>
      %add3A_545 = arith.addf %get3A_540, %get3A_544 : vector<16xf32>
      %swap3A_546 = arith.index_cast %select_n3A_518 : i32 to index
      %swap3A_547 = arith.index_cast %mul3A_536 : i32 to index
      %swap3A_548 = tpu.vector_load %arg10[%swap3A_546, %swap3A_547] {strides = array<i32>} : memref<16x1024xf32, #tpu.memory_space<vmem>>, vector<1x16xf32>,
      %swap3A_549 = vector.shape_cast %swap3A_548 : vector<1x16xf32> to vector<16xf32>
      %swap3A_550 = vector.shape_cast %add3A_545 : vector<16xf32> to vector<1x16xf32>
      tpu.vector_store %arg10[%swap3A_546, %swap3A_547], %swap3A_550 {strides = array<i32>} : memref<16x1024xf32, #tpu.memory_space<vmem>>, vector<1x16xf32>,
      %scan3A_551 = arith.constant 7 : i32
      %scan3A_552 = arith.addi %scan3A_158, %scan3A_551 : i32
      %jit3A_553 = arith.constant 64 : i32
      %div3A_554 = arith.divsi %scan3A_552, %jit3A_553 : i32
      %sign3A_555 = arith.constant 0 : i32
      %sign3A_556 = arith.cmpi sgt, %scan3A_552, %sign3A_555 : i32
      %sign3A_557 = arith.extui %sign3A_556 : i1 to i32
      %sign3A_558 = arith.constant 0 : i32
      %sign3A_559 = arith.cmpi slt, %scan3A_552, %sign3A_558 : i32
      %sign3A_560 = arith.extui %sign3A_559 : i1 to i32
      %sign3A_561 = arith.subi %sign3A_557, %sign3A_560 : i32
      %sign3A_562 = arith.constant 0 : i32
      %sign3A_563 = arith.cmpi sgt, %jit3A_553, %sign3A_562 : i32
      %sign3A_564 = arith.extui %sign3A_563 : i1 to i32
      %sign3A_565 = arith.constant 0 : i32
      %sign3A_566 = arith.cmpi slt, %jit3A_553, %sign3A_565 : i32
      %sign3A_567 = arith.extui %sign3A_566 : i1 to i32
      %sign3A_568 = arith.subi %sign3A_564, %sign3A_567 : i32
      %ne3A_569 = arith.cmpi ne, %sign3A_561, %sign3A_568 : i32
      %rem3A_570 = arith.remsi %scan3A_552, %jit3A_553 : i32
      %ne3A_571 = arith.constant 0 : i32
      %ne3A_572 = arith.cmpi ne, %rem3A_570, %ne3A_571 : i32
      %and3A_573 = arith.andi %ne3A_569, %ne3A_572 : i1
      %sub3A_574 = arith.constant 1 : i32
      %sub3A_575 = arith.subi %div3A_554, %sub3A_574 : i32
      %select_n3A_576 = arith.select %and3A_573, %sub3A_575, %div3A_554 : i32
      %jit3A_577 = arith.constant 64 : i32
      %eq3A_578 = arith.constant 0 : i32
      %eq3A_579 = arith.cmpi eq, %jit3A_577, %eq3A_578 : i32
      %jit3A_580 = arith.constant 1 : i32
      %select_n3A_581 = arith.select %eq3A_579, %jit3A_580, %jit3A_577 : i32
      %rem3A_582 = arith.remsi %scan3A_552, %select_n3A_581 : i32
      %ne3A_583 = arith.constant 0 : i32
      %ne3A_584 = arith.cmpi ne, %rem3A_582, %ne3A_583 : i32
      %lt3A_585 = arith.constant 0 : i32
      %lt3A_586 = arith.cmpi slt, %rem3A_582, %lt3A_585 : i32
      %lt3A_587 = arith.constant 0 : i32
      %lt3A_588 = arith.cmpi slt, %select_n3A_581, %lt3A_587 : i32
      %ne3A_589 = arith.xori %lt3A_586, %lt3A_588 : i1
      %and3A_590 = arith.andi %ne3A_589, %ne3A_584 : i1
      %add3A_591 = arith.addi %rem3A_582, %select_n3A_581 : i32
      %select_n3A_592 = arith.select %and3A_590, %add3A_591, %rem3A_582 : i32
      %mul3A_593 = arith.constant 16 : i32
      %mul3A_594 = arith.muli %select_n3A_592, %mul3A_593 : i32
      %get3A_595 = arith.index_cast %select_n3A_576 : i32 to index
      %get3A_596 = arith.index_cast %mul3A_594 : i32 to index
      %get3A_597 = tpu.vector_load %arg10[%get3A_595, %get3A_596] {strides = array<i32>} : memref<16x1024xf32, #tpu.memory_space<vmem>>, vector<1x16xf32>,
      %get3A_598 = vector.shape_cast %get3A_597 : vector<1x16xf32> to vector<16xf32>
      %get3A_599 = arith.index_cast %select_n3A_576 : i32 to index
      %get3A_600 = arith.index_cast %mul3A_594 : i32 to index
      %get3A_601 = tpu.vector_load %arg11[%get3A_599, %get3A_600] {strides = array<i32>} : memref<16x1024xf32, #tpu.memory_space<vmem>>, vector<1x16xf32>,
      %get3A_602 = vector.shape_cast %get3A_601 : vector<1x16xf32> to vector<16xf32>
      %add3A_603 = arith.addf %get3A_598, %get3A_602 : vector<16xf32>
      %swap3A_604 = arith.index_cast %select_n3A_576 : i32 to index
      %swap3A_605 = arith.index_cast %mul3A_594 : i32 to index
      %swap3A_606 = tpu.vector_load %arg10[%swap3A_604, %swap3A_605] {strides = array<i32>} : memref<16x1024xf32, #tpu.memory_space<vmem>>, vector<1x16xf32>,
      %swap3A_607 = vector.shape_cast %swap3A_606 : vector<1x16xf32> to vector<16xf32>
      %swap3A_608 = vector.shape_cast %add3A_603 : vector<16xf32> to vector<1x16xf32>
      tpu.vector_store %arg10[%swap3A_604, %swap3A_605], %swap3A_608 {strides = array<i32>} : memref<16x1024xf32, #tpu.memory_space<vmem>>, vector<1x16xf32>,
    }
    %scan3A_29 = arith.constant 1024 : i32
    %mul3A_30 = arith.constant 64 : i32
    %mul3A_31 = arith.muli %add3A, %mul3A_30 : i32
    %add3A_32 = arith.constant 0 : i32
    %add3A_33 = arith.addi %mul3A_31, %add3A_32 : i32
    %dma_start3A_34 = arith.constant 0 : i32
    %dma_start3A_35 = arith.constant 0 : i32
    %dma_start3A_36 = tpu.memref_slice %arg5[%dma_start3A_34, %add3A_33, %dma_start3A_35] : memref<1x2048x1024xf32, #tpu.memory_space<hbm>> -> memref<1x16x1024xf32, #tpu.memory_space<hbm>>
    %dma_start3A_37 = tpu.memref_squeeze %dma_start3A_36 : memref<1x16x1024xf32, #tpu.memory_space<hbm>> -> memref<16x1024xf32, #tpu.memory_space<hbm>>
    %dma_start3A_38 = arith.constant 0 : i32
    %dma_start3A_39 = tpu.memref_slice %arg5[%dma_start3A_34, %add3A_33, %dma_start3A_38] : memref<1x2048x1024xf32, #tpu.memory_space<hbm>> -> memref<1x16x1024xf32, #tpu.memory_space<hbm>>
    %dma_start3A_40 = tpu.memref_squeeze %dma_start3A_39 : memref<1x16x1024xf32, #tpu.memory_space<hbm>> -> memref<16x1024xf32, #tpu.memory_space<hbm>>
    tpu.enqueue_dma source(%arg10 : memref<16x1024xf32, #tpu.memory_space<vmem>>) target(%dma_start3A_40 : memref<16x1024xf32, #tpu.memory_space<hbm>>) target_semaphore(%arg18 : memref<!tpu.dma_semaphore, #tpu.memory_space<semaphore_mem>>)
    %dma_wait3A_41 = arith.constant 0 : i32
    %dma_wait3A_42 = arith.constant 0 : i32
    %dma_wait3A_43 = tpu.memref_slice %arg5[%dma_wait3A_41, %add3A_33, %dma_wait3A_42] : memref<1x2048x1024xf32, #tpu.memory_space<hbm>> -> memref<1x16x1024xf32, #tpu.memory_space<hbm>>
    %dma_wait3A_44 = tpu.memref_squeeze %dma_wait3A_43 : memref<1x16x1024xf32, #tpu.memory_space<hbm>> -> memref<16x1024xf32, #tpu.memory_space<hbm>>
    %dma_wait3A_45 = arith.constant 0 : i32
    %dma_wait3A_46 = tpu.memref_slice %arg5[%dma_wait3A_41, %add3A_33, %dma_wait3A_45] : memref<1x2048x1024xf32, #tpu.memory_space<hbm>> -> memref<1x16x1024xf32, #tpu.memory_space<hbm>>
    %dma_wait3A_47 = tpu.memref_squeeze %dma_wait3A_46 : memref<1x16x1024xf32, #tpu.memory_space<hbm>> -> memref<16x1024xf32, #tpu.memory_space<hbm>>
    tpu.wait_dma2 semaphore(%arg18 : memref<!tpu.dma_semaphore, #tpu.memory_space<semaphore_mem>>) src(%arg10 : memref<16x1024xf32, #tpu.memory_space<vmem>>) dst(%dma_wait3A_47 : memref<16x1024xf32, #tpu.memory_space<hbm>>)
    %mul3A_48 = arith.constant 64 : i32
    %mul3A_49 = arith.muli %add3A, %mul3A_48 : i32
    %add3A_50 = arith.constant 32 : i32
    %add3A_51 = arith.addi %mul3A_49, %add3A_50 : i32
    "tpu.region"() ({
      %run_scoped3A = tpu.sem_alloc : memref<!tpu.dma_semaphore, #tpu.memory_space<semaphore_mem>>
      %dma_start3A_158 = tpu.memref_slice %arg2[%add3A_51] : memref<2048xi32, #tpu.memory_space<hbm>> -> memref<16xi32, #tpu.memory_space<hbm>>
      %dma_start3A_159 = tpu.memref_slice %arg2[%add3A_51] : memref<2048xi32, #tpu.memory_space<hbm>> -> memref<16xi32, #tpu.memory_space<hbm>>
      tpu.enqueue_dma source(%dma_start3A_159 : memref<16xi32, #tpu.memory_space<hbm>>) target(%arg6 : memref<16xi32, #tpu.memory_space<vmem>>) target_semaphore(%run_scoped3A : memref<!tpu.dma_semaphore, #tpu.memory_space<semaphore_mem>>)
      %dma_wait3A_160 = tpu.memref_slice %arg2[%add3A_51] : memref<2048xi32, #tpu.memory_space<hbm>> -> memref<16xi32, #tpu.memory_space<hbm>>
      %dma_wait3A_161 = tpu.memref_slice %arg2[%add3A_51] : memref<2048xi32, #tpu.memory_space<hbm>> -> memref<16xi32, #tpu.memory_space<hbm>>
      tpu.wait_dma2 semaphore(%run_scoped3A : memref<!tpu.dma_semaphore, #tpu.memory_space<semaphore_mem>>) src(%dma_wait3A_161 : memref<16xi32, #tpu.memory_space<hbm>>) dst(%arg6 : memref<16xi32, #tpu.memory_space<vmem>>)
      tpu.yield
    }) : () -> ()
    "tpu.region"() ({
      %run_scoped3A = tpu.sem_alloc : memref<!tpu.dma_semaphore, #tpu.memory_space<semaphore_mem>>
      %dma_start3A_158 = tpu.memref_slice %arg3[%add3A_51] : memref<2048xi32, #tpu.memory_space<hbm>> -> memref<16xi32, #tpu.memory_space<hbm>>
      %dma_start3A_159 = tpu.memref_slice %arg3[%add3A_51] : memref<2048xi32, #tpu.memory_space<hbm>> -> memref<16xi32, #tpu.memory_space<hbm>>
      tpu.enqueue_dma source(%dma_start3A_159 : memref<16xi32, #tpu.memory_space<hbm>>) target(%arg7 : memref<16xi32, #tpu.memory_space<vmem>>) target_semaphore(%run_scoped3A : memref<!tpu.dma_semaphore, #tpu.memory_space<semaphore_mem>>)
      %dma_wait3A_160 = tpu.memref_slice %arg3[%add3A_51] : memref<2048xi32, #tpu.memory_space<hbm>> -> memref<16xi32, #tpu.memory_space<hbm>>
      %dma_wait3A_161 = tpu.memref_slice %arg3[%add3A_51] : memref<2048xi32, #tpu.memory_space<hbm>> -> memref<16xi32, #tpu.memory_space<hbm>>
      tpu.wait_dma2 semaphore(%run_scoped3A : memref<!tpu.dma_semaphore, #tpu.memory_space<semaphore_mem>>) src(%dma_wait3A_161 : memref<16xi32, #tpu.memory_space<hbm>>) dst(%arg7 : memref<16xi32, #tpu.memory_space<vmem>>)
      tpu.yield
    }) : () -> ()
    %dma_start3A_52 = arith.constant 0 : i32
    %dma_start3A_53 = arith.constant 0 : i32
    %dma_start3A_54 = tpu.memref_slice %arg4[%dma_start3A_52, %dma_start3A_53] : memref<12288x1024xf32, #tpu.memory_space<hbm>> -> memref<12288x1024xf32, #tpu.memory_space<hbm>>
    tpu.enqueue_indirect_dma source(%dma_start3A_54 : memref<12288x1024xf32, #tpu.memory_space<hbm>>) target(%arg10 : memref<16x1024xf32, #tpu.memory_space<vmem>>) offsets(%arg6 : memref<16xi32, #tpu.memory_space<vmem>>) semaphore(%arg14 : memref<!tpu.dma_semaphore, #tpu.memory_space<semaphore_mem>>)
    %dma_start3A_55 = arith.constant 0 : i32
    %dma_start3A_56 = arith.constant 0 : i32
    %dma_start3A_57 = tpu.memref_slice %arg4[%dma_start3A_55, %dma_start3A_56] : memref<12288x1024xf32, #tpu.memory_space<hbm>> -> memref<12288x1024xf32, #tpu.memory_space<hbm>>
    tpu.enqueue_indirect_dma source(%dma_start3A_57 : memref<12288x1024xf32, #tpu.memory_space<hbm>>) target(%arg11 : memref<16x1024xf32, #tpu.memory_space<vmem>>) offsets(%arg7 : memref<16xi32, #tpu.memory_space<vmem>>) semaphore(%arg15 : memref<!tpu.dma_semaphore, #tpu.memory_space<semaphore_mem>>)
    %dma_wait3A_58 = arith.constant 0 : i32
    %dma_wait3A_59 = arith.constant 0 : i32
    %dma_wait3A_60 = tpu.memref_slice %arg4[%dma_wait3A_58, %dma_wait3A_59] : memref<12288x1024xf32, #tpu.memory_space<hbm>> -> memref<12288x1024xf32, #tpu.memory_space<hbm>>
    tpu.wait_indirect_dma semaphore(%arg16 : memref<!tpu.dma_semaphore, #tpu.memory_space<semaphore_mem>>) src(%dma_wait3A_60 : memref<12288x1024xf32, #tpu.memory_space<hbm>>) dst(%arg12 : memref<16x1024xf32, #tpu.memory_space<vmem>>)
    %dma_wait3A_61 = arith.constant 0 : i32
    %dma_wait3A_62 = arith.constant 0 : i32
    %dma_wait3A_63 = tpu.memref_slice %arg4[%dma_wait3A_61, %dma_wait3A_62] : memref<12288x1024xf32, #tpu.memory_space<hbm>> -> memref<12288x1024xf32, #tpu.memory_space<hbm>>
    tpu.wait_indirect_dma semaphore(%arg17 : memref<!tpu.dma_semaphore, #tpu.memory_space<semaphore_mem>>) src(%dma_wait3A_63 : memref<12288x1024xf32, #tpu.memory_space<hbm>>) dst(%arg13 : memref<16x1024xf32, #tpu.memory_space<vmem>>)
    %scan3A_64 = arith.constant 0 : i32
    %scan3A_65 = arith.constant 0 : i32
    %scan3A_66 = arith.constant 1024 : i32
    %scan3A_67 = arith.addi %scan3A_65, %scan3A_66 : i32
    %scan3A_68 = arith.constant 8 : i32
    scf.for %scan3A_158 = %scan3A_65 to %scan3A_67 step %scan3A_68  : i32 {
      %jit3A = arith.constant 64 : i32
      %div3A = arith.divsi %scan3A_158, %jit3A : i32
      %sign3A = arith.constant 0 : i32
      %sign3A_159 = arith.cmpi sgt, %scan3A_158, %sign3A : i32
      %sign3A_160 = arith.extui %sign3A_159 : i1 to i32
      %sign3A_161 = arith.constant 0 : i32
      %sign3A_162 = arith.cmpi slt, %scan3A_158, %sign3A_161 : i32
      %sign3A_163 = arith.extui %sign3A_162 : i1 to i32
      %sign3A_164 = arith.subi %sign3A_160, %sign3A_163 : i32
      %sign3A_165 = arith.constant 0 : i32
      %sign3A_166 = arith.cmpi sgt, %jit3A, %sign3A_165 : i32
      %sign3A_167 = arith.extui %sign3A_166 : i1 to i32
      %sign3A_168 = arith.constant 0 : i32
      %sign3A_169 = arith.cmpi slt, %jit3A, %sign3A_168 : i32
      %sign3A_170 = arith.extui %sign3A_169 : i1 to i32
      %sign3A_171 = arith.subi %sign3A_167, %sign3A_170 : i32
      %ne3A = arith.cmpi ne, %sign3A_164, %sign3A_171 : i32
      %rem3A = arith.remsi %scan3A_158, %jit3A : i32
      %ne3A_172 = arith.constant 0 : i32
      %ne3A_173 = arith.cmpi ne, %rem3A, %ne3A_172 : i32
      %and3A = arith.andi %ne3A, %ne3A_173 : i1
      %sub3A = arith.constant 1 : i32
      %sub3A_174 = arith.subi %div3A, %sub3A : i32
      %select_n3A = arith.select %and3A, %sub3A_174, %div3A : i32
      %jit3A_175 = arith.constant 64 : i32
      %eq3A = arith.constant 0 : i32
      %eq3A_176 = arith.cmpi eq, %jit3A_175, %eq3A : i32
      %jit3A_177 = arith.constant 1 : i32
      %select_n3A_178 = arith.select %eq3A_176, %jit3A_177, %jit3A_175 : i32
      %rem3A_179 = arith.remsi %scan3A_158, %select_n3A_178 : i32
      %ne3A_180 = arith.constant 0 : i32
      %ne3A_181 = arith.cmpi ne, %rem3A_179, %ne3A_180 : i32
      %lt3A = arith.constant 0 : i32
      %lt3A_182 = arith.cmpi slt, %rem3A_179, %lt3A : i32
      %lt3A_183 = arith.constant 0 : i32
      %lt3A_184 = arith.cmpi slt, %select_n3A_178, %lt3A_183 : i32
      %ne3A_185 = arith.xori %lt3A_182, %lt3A_184 : i1
      %and3A_186 = arith.andi %ne3A_185, %ne3A_181 : i1
      %add3A_187 = arith.addi %rem3A_179, %select_n3A_178 : i32
      %select_n3A_188 = arith.select %and3A_186, %add3A_187, %rem3A_179 : i32
      %mul3A_189 = arith.constant 16 : i32
      %mul3A_190 = arith.muli %select_n3A_188, %mul3A_189 : i32
      %get3A = arith.index_cast %select_n3A : i32 to index
      %get3A_191 = arith.index_cast %mul3A_190 : i32 to index
      %get3A_192 = tpu.vector_load %arg12[%get3A, %get3A_191] {strides = array<i32>} : memref<16x1024xf32, #tpu.memory_space<vmem>>, vector<1x16xf32>,
      %get3A_193 = vector.shape_cast %get3A_192 : vector<1x16xf32> to vector<16xf32>
      %get3A_194 = arith.index_cast %select_n3A : i32 to index
      %get3A_195 = arith.index_cast %mul3A_190 : i32 to index
      %get3A_196 = tpu.vector_load %arg13[%get3A_194, %get3A_195] {strides = array<i32>} : memref<16x1024xf32, #tpu.memory_space<vmem>>, vector<1x16xf32>,
      %get3A_197 = vector.shape_cast %get3A_196 : vector<1x16xf32> to vector<16xf32>
      %add3A_198 = arith.addf %get3A_193, %get3A_197 : vector<16xf32>
      %swap3A = arith.index_cast %select_n3A : i32 to index
      %swap3A_199 = arith.index_cast %mul3A_190 : i32 to index
      %swap3A_200 = tpu.vector_load %arg12[%swap3A, %swap3A_199] {strides = array<i32>} : memref<16x1024xf32, #tpu.memory_space<vmem>>, vector<1x16xf32>,
      %swap3A_201 = vector.shape_cast %swap3A_200 : vector<1x16xf32> to vector<16xf32>
      %swap3A_202 = vector.shape_cast %add3A_198 : vector<16xf32> to vector<1x16xf32>
      tpu.vector_store %arg12[%swap3A, %swap3A_199], %swap3A_202 {strides = array<i32>} : memref<16x1024xf32, #tpu.memory_space<vmem>>, vector<1x16xf32>,
      %scan3A_203 = arith.constant 1 : i32
      %scan3A_204 = arith.addi %scan3A_158, %scan3A_203 : i32
      %jit3A_205 = arith.constant 64 : i32
      %div3A_206 = arith.divsi %scan3A_204, %jit3A_205 : i32
      %sign3A_207 = arith.constant 0 : i32
      %sign3A_208 = arith.cmpi sgt, %scan3A_204, %sign3A_207 : i32
      %sign3A_209 = arith.extui %sign3A_208 : i1 to i32
      %sign3A_210 = arith.constant 0 : i32
      %sign3A_211 = arith.cmpi slt, %scan3A_204, %sign3A_210 : i32
      %sign3A_212 = arith.extui %sign3A_211 : i1 to i32
      %sign3A_213 = arith.subi %sign3A_209, %sign3A_212 : i32
      %sign3A_214 = arith.constant 0 : i32
      %sign3A_215 = arith.cmpi sgt, %jit3A_205, %sign3A_214 : i32
      %sign3A_216 = arith.extui %sign3A_215 : i1 to i32
      %sign3A_217 = arith.constant 0 : i32
      %sign3A_218 = arith.cmpi slt, %jit3A_205, %sign3A_217 : i32
      %sign3A_219 = arith.extui %sign3A_218 : i1 to i32
      %sign3A_220 = arith.subi %sign3A_216, %sign3A_219 : i32
      %ne3A_221 = arith.cmpi ne, %sign3A_213, %sign3A_220 : i32
      %rem3A_222 = arith.remsi %scan3A_204, %jit3A_205 : i32
      %ne3A_223 = arith.constant 0 : i32
      %ne3A_224 = arith.cmpi ne, %rem3A_222, %ne3A_223 : i32
      %and3A_225 = arith.andi %ne3A_221, %ne3A_224 : i1
      %sub3A_226 = arith.constant 1 : i32
      %sub3A_227 = arith.subi %div3A_206, %sub3A_226 : i32
      %select_n3A_228 = arith.select %and3A_225, %sub3A_227, %div3A_206 : i32
      %jit3A_229 = arith.constant 64 : i32
      %eq3A_230 = arith.constant 0 : i32
      %eq3A_231 = arith.cmpi eq, %jit3A_229, %eq3A_230 : i32
      %jit3A_232 = arith.constant 1 : i32
      %select_n3A_233 = arith.select %eq3A_231, %jit3A_232, %jit3A_229 : i32
      %rem3A_234 = arith.remsi %scan3A_204, %select_n3A_233 : i32
      %ne3A_235 = arith.constant 0 : i32
      %ne3A_236 = arith.cmpi ne, %rem3A_234, %ne3A_235 : i32
      %lt3A_237 = arith.constant 0 : i32
      %lt3A_238 = arith.cmpi slt, %rem3A_234, %lt3A_237 : i32
      %lt3A_239 = arith.constant 0 : i32
      %lt3A_240 = arith.cmpi slt, %select_n3A_233, %lt3A_239 : i32
      %ne3A_241 = arith.xori %lt3A_238, %lt3A_240 : i1
      %and3A_242 = arith.andi %ne3A_241, %ne3A_236 : i1
      %add3A_243 = arith.addi %rem3A_234, %select_n3A_233 : i32
      %select_n3A_244 = arith.select %and3A_242, %add3A_243, %rem3A_234 : i32
      %mul3A_245 = arith.constant 16 : i32
      %mul3A_246 = arith.muli %select_n3A_244, %mul3A_245 : i32
      %get3A_247 = arith.index_cast %select_n3A_228 : i32 to index
      %get3A_248 = arith.index_cast %mul3A_246 : i32 to index
      %get3A_249 = tpu.vector_load %arg12[%get3A_247, %get3A_248] {strides = array<i32>} : memref<16x1024xf32, #tpu.memory_space<vmem>>, vector<1x16xf32>,
      %get3A_250 = vector.shape_cast %get3A_249 : vector<1x16xf32> to vector<16xf32>
      %get3A_251 = arith.index_cast %select_n3A_228 : i32 to index
      %get3A_252 = arith.index_cast %mul3A_246 : i32 to index
      %get3A_253 = tpu.vector_load %arg13[%get3A_251, %get3A_252] {strides = array<i32>} : memref<16x1024xf32, #tpu.memory_space<vmem>>, vector<1x16xf32>,
      %get3A_254 = vector.shape_cast %get3A_253 : vector<1x16xf32> to vector<16xf32>
      %add3A_255 = arith.addf %get3A_250, %get3A_254 : vector<16xf32>
      %swap3A_256 = arith.index_cast %select_n3A_228 : i32 to index
      %swap3A_257 = arith.index_cast %mul3A_246 : i32 to index
      %swap3A_258 = tpu.vector_load %arg12[%swap3A_256, %swap3A_257] {strides = array<i32>} : memref<16x1024xf32, #tpu.memory_space<vmem>>, vector<1x16xf32>,
      %swap3A_259 = vector.shape_cast %swap3A_258 : vector<1x16xf32> to vector<16xf32>
      %swap3A_260 = vector.shape_cast %add3A_255 : vector<16xf32> to vector<1x16xf32>
      tpu.vector_store %arg12[%swap3A_256, %swap3A_257], %swap3A_260 {strides = array<i32>} : memref<16x1024xf32, #tpu.memory_space<vmem>>, vector<1x16xf32>,
      %scan3A_261 = arith.constant 2 : i32
      %scan3A_262 = arith.addi %scan3A_158, %scan3A_261 : i32
      %jit3A_263 = arith.constant 64 : i32
      %div3A_264 = arith.divsi %scan3A_262, %jit3A_263 : i32
      %sign3A_265 = arith.constant 0 : i32
      %sign3A_266 = arith.cmpi sgt, %scan3A_262, %sign3A_265 : i32
      %sign3A_267 = arith.extui %sign3A_266 : i1 to i32
      %sign3A_268 = arith.constant 0 : i32
      %sign3A_269 = arith.cmpi slt, %scan3A_262, %sign3A_268 : i32
      %sign3A_270 = arith.extui %sign3A_269 : i1 to i32
      %sign3A_271 = arith.subi %sign3A_267, %sign3A_270 : i32
      %sign3A_272 = arith.constant 0 : i32
      %sign3A_273 = arith.cmpi sgt, %jit3A_263, %sign3A_272 : i32
      %sign3A_274 = arith.extui %sign3A_273 : i1 to i32
      %sign3A_275 = arith.constant 0 : i32
      %sign3A_276 = arith.cmpi slt, %jit3A_263, %sign3A_275 : i32
      %sign3A_277 = arith.extui %sign3A_276 : i1 to i32
      %sign3A_278 = arith.subi %sign3A_274, %sign3A_277 : i32
      %ne3A_279 = arith.cmpi ne, %sign3A_271, %sign3A_278 : i32
      %rem3A_280 = arith.remsi %scan3A_262, %jit3A_263 : i32
      %ne3A_281 = arith.constant 0 : i32
      %ne3A_282 = arith.cmpi ne, %rem3A_280, %ne3A_281 : i32
      %and3A_283 = arith.andi %ne3A_279, %ne3A_282 : i1
      %sub3A_284 = arith.constant 1 : i32
      %sub3A_285 = arith.subi %div3A_264, %sub3A_284 : i32
      %select_n3A_286 = arith.select %and3A_283, %sub3A_285, %div3A_264 : i32
      %jit3A_287 = arith.constant 64 : i32
      %eq3A_288 = arith.constant 0 : i32
      %eq3A_289 = arith.cmpi eq, %jit3A_287, %eq3A_288 : i32
      %jit3A_290 = arith.constant 1 : i32
      %select_n3A_291 = arith.select %eq3A_289, %jit3A_290, %jit3A_287 : i32
      %rem3A_292 = arith.remsi %scan3A_262, %select_n3A_291 : i32
      %ne3A_293 = arith.constant 0 : i32
      %ne3A_294 = arith.cmpi ne, %rem3A_292, %ne3A_293 : i32
      %lt3A_295 = arith.constant 0 : i32
      %lt3A_296 = arith.cmpi slt, %rem3A_292, %lt3A_295 : i32
      %lt3A_297 = arith.constant 0 : i32
      %lt3A_298 = arith.cmpi slt, %select_n3A_291, %lt3A_297 : i32
      %ne3A_299 = arith.xori %lt3A_296, %lt3A_298 : i1
      %and3A_300 = arith.andi %ne3A_299, %ne3A_294 : i1
      %add3A_301 = arith.addi %rem3A_292, %select_n3A_291 : i32
      %select_n3A_302 = arith.select %and3A_300, %add3A_301, %rem3A_292 : i32
      %mul3A_303 = arith.constant 16 : i32
      %mul3A_304 = arith.muli %select_n3A_302, %mul3A_303 : i32
      %get3A_305 = arith.index_cast %select_n3A_286 : i32 to index
      %get3A_306 = arith.index_cast %mul3A_304 : i32 to index
      %get3A_307 = tpu.vector_load %arg12[%get3A_305, %get3A_306] {strides = array<i32>} : memref<16x1024xf32, #tpu.memory_space<vmem>>, vector<1x16xf32>,
      %get3A_308 = vector.shape_cast %get3A_307 : vector<1x16xf32> to vector<16xf32>
      %get3A_309 = arith.index_cast %select_n3A_286 : i32 to index
      %get3A_310 = arith.index_cast %mul3A_304 : i32 to index
      %get3A_311 = tpu.vector_load %arg13[%get3A_309, %get3A_310] {strides = array<i32>} : memref<16x1024xf32, #tpu.memory_space<vmem>>, vector<1x16xf32>,
      %get3A_312 = vector.shape_cast %get3A_311 : vector<1x16xf32> to vector<16xf32>
      %add3A_313 = arith.addf %get3A_308, %get3A_312 : vector<16xf32>
      %swap3A_314 = arith.index_cast %select_n3A_286 : i32 to index
      %swap3A_315 = arith.index_cast %mul3A_304 : i32 to index
      %swap3A_316 = tpu.vector_load %arg12[%swap3A_314, %swap3A_315] {strides = array<i32>} : memref<16x1024xf32, #tpu.memory_space<vmem>>, vector<1x16xf32>,
      %swap3A_317 = vector.shape_cast %swap3A_316 : vector<1x16xf32> to vector<16xf32>
      %swap3A_318 = vector.shape_cast %add3A_313 : vector<16xf32> to vector<1x16xf32>
      tpu.vector_store %arg12[%swap3A_314, %swap3A_315], %swap3A_318 {strides = array<i32>} : memref<16x1024xf32, #tpu.memory_space<vmem>>, vector<1x16xf32>,
      %scan3A_319 = arith.constant 3 : i32
      %scan3A_320 = arith.addi %scan3A_158, %scan3A_319 : i32
      %jit3A_321 = arith.constant 64 : i32
      %div3A_322 = arith.divsi %scan3A_320, %jit3A_321 : i32
      %sign3A_323 = arith.constant 0 : i32
      %sign3A_324 = arith.cmpi sgt, %scan3A_320, %sign3A_323 : i32
      %sign3A_325 = arith.extui %sign3A_324 : i1 to i32
      %sign3A_326 = arith.constant 0 : i32
      %sign3A_327 = arith.cmpi slt, %scan3A_320, %sign3A_326 : i32
      %sign3A_328 = arith.extui %sign3A_327 : i1 to i32
      %sign3A_329 = arith.subi %sign3A_325, %sign3A_328 : i32
      %sign3A_330 = arith.constant 0 : i32
      %sign3A_331 = arith.cmpi sgt, %jit3A_321, %sign3A_330 : i32
      %sign3A_332 = arith.extui %sign3A_331 : i1 to i32
      %sign3A_333 = arith.constant 0 : i32
      %sign3A_334 = arith.cmpi slt, %jit3A_321, %sign3A_333 : i32
      %sign3A_335 = arith.extui %sign3A_334 : i1 to i32
      %sign3A_336 = arith.subi %sign3A_332, %sign3A_335 : i32
      %ne3A_337 = arith.cmpi ne, %sign3A_329, %sign3A_336 : i32
      %rem3A_338 = arith.remsi %scan3A_320, %jit3A_321 : i32
      %ne3A_339 = arith.constant 0 : i32
      %ne3A_340 = arith.cmpi ne, %rem3A_338, %ne3A_339 : i32
      %and3A_341 = arith.andi %ne3A_337, %ne3A_340 : i1
      %sub3A_342 = arith.constant 1 : i32
      %sub3A_343 = arith.subi %div3A_322, %sub3A_342 : i32
      %select_n3A_344 = arith.select %and3A_341, %sub3A_343, %div3A_322 : i32
      %jit3A_345 = arith.constant 64 : i32
      %eq3A_346 = arith.constant 0 : i32
      %eq3A_347 = arith.cmpi eq, %jit3A_345, %eq3A_346 : i32
      %jit3A_348 = arith.constant 1 : i32
      %select_n3A_349 = arith.select %eq3A_347, %jit3A_348, %jit3A_345 : i32
      %rem3A_350 = arith.remsi %scan3A_320, %select_n3A_349 : i32
      %ne3A_351 = arith.constant 0 : i32
      %ne3A_352 = arith.cmpi ne, %rem3A_350, %ne3A_351 : i32
      %lt3A_353 = arith.constant 0 : i32
      %lt3A_354 = arith.cmpi slt, %rem3A_350, %lt3A_353 : i32
      %lt3A_355 = arith.constant 0 : i32
      %lt3A_356 = arith.cmpi slt, %select_n3A_349, %lt3A_355 : i32
      %ne3A_357 = arith.xori %lt3A_354, %lt3A_356 : i1
      %and3A_358 = arith.andi %ne3A_357, %ne3A_352 : i1
      %add3A_359 = arith.addi %rem3A_350, %select_n3A_349 : i32
      %select_n3A_360 = arith.select %and3A_358, %add3A_359, %rem3A_350 : i32
      %mul3A_361 = arith.constant 16 : i32
      %mul3A_362 = arith.muli %select_n3A_360, %mul3A_361 : i32
      %get3A_363 = arith.index_cast %select_n3A_344 : i32 to index
      %get3A_364 = arith.index_cast %mul3A_362 : i32 to index
      %get3A_365 = tpu.vector_load %arg12[%get3A_363, %get3A_364] {strides = array<i32>} : memref<16x1024xf32, #tpu.memory_space<vmem>>, vector<1x16xf32>,
      %get3A_366 = vector.shape_cast %get3A_365 : vector<1x16xf32> to vector<16xf32>
      %get3A_367 = arith.index_cast %select_n3A_344 : i32 to index
      %get3A_368 = arith.index_cast %mul3A_362 : i32 to index
      %get3A_369 = tpu.vector_load %arg13[%get3A_367, %get3A_368] {strides = array<i32>} : memref<16x1024xf32, #tpu.memory_space<vmem>>, vector<1x16xf32>,
      %get3A_370 = vector.shape_cast %get3A_369 : vector<1x16xf32> to vector<16xf32>
      %add3A_371 = arith.addf %get3A_366, %get3A_370 : vector<16xf32>
      %swap3A_372 = arith.index_cast %select_n3A_344 : i32 to index
      %swap3A_373 = arith.index_cast %mul3A_362 : i32 to index
      %swap3A_374 = tpu.vector_load %arg12[%swap3A_372, %swap3A_373] {strides = array<i32>} : memref<16x1024xf32, #tpu.memory_space<vmem>>, vector<1x16xf32>,
      %swap3A_375 = vector.shape_cast %swap3A_374 : vector<1x16xf32> to vector<16xf32>
      %swap3A_376 = vector.shape_cast %add3A_371 : vector<16xf32> to vector<1x16xf32>
      tpu.vector_store %arg12[%swap3A_372, %swap3A_373], %swap3A_376 {strides = array<i32>} : memref<16x1024xf32, #tpu.memory_space<vmem>>, vector<1x16xf32>,
      %scan3A_377 = arith.constant 4 : i32
      %scan3A_378 = arith.addi %scan3A_158, %scan3A_377 : i32
      %jit3A_379 = arith.constant 64 : i32
      %div3A_380 = arith.divsi %scan3A_378, %jit3A_379 : i32
      %sign3A_381 = arith.constant 0 : i32
      %sign3A_382 = arith.cmpi sgt, %scan3A_378, %sign3A_381 : i32
      %sign3A_383 = arith.extui %sign3A_382 : i1 to i32
      %sign3A_384 = arith.constant 0 : i32
      %sign3A_385 = arith.cmpi slt, %scan3A_378, %sign3A_384 : i32
      %sign3A_386 = arith.extui %sign3A_385 : i1 to i32
      %sign3A_387 = arith.subi %sign3A_383, %sign3A_386 : i32
      %sign3A_388 = arith.constant 0 : i32
      %sign3A_389 = arith.cmpi sgt, %jit3A_379, %sign3A_388 : i32
      %sign3A_390 = arith.extui %sign3A_389 : i1 to i32
      %sign3A_391 = arith.constant 0 : i32
      %sign3A_392 = arith.cmpi slt, %jit3A_379, %sign3A_391 : i32
      %sign3A_393 = arith.extui %sign3A_392 : i1 to i32
      %sign3A_394 = arith.subi %sign3A_390, %sign3A_393 : i32
      %ne3A_395 = arith.cmpi ne, %sign3A_387, %sign3A_394 : i32
      %rem3A_396 = arith.remsi %scan3A_378, %jit3A_379 : i32
      %ne3A_397 = arith.constant 0 : i32
      %ne3A_398 = arith.cmpi ne, %rem3A_396, %ne3A_397 : i32
      %and3A_399 = arith.andi %ne3A_395, %ne3A_398 : i1
      %sub3A_400 = arith.constant 1 : i32
      %sub3A_401 = arith.subi %div3A_380, %sub3A_400 : i32
      %select_n3A_402 = arith.select %and3A_399, %sub3A_401, %div3A_380 : i32
      %jit3A_403 = arith.constant 64 : i32
      %eq3A_404 = arith.constant 0 : i32
      %eq3A_405 = arith.cmpi eq, %jit3A_403, %eq3A_404 : i32
      %jit3A_406 = arith.constant 1 : i32
      %select_n3A_407 = arith.select %eq3A_405, %jit3A_406, %jit3A_403 : i32
      %rem3A_408 = arith.remsi %scan3A_378, %select_n3A_407 : i32
      %ne3A_409 = arith.constant 0 : i32
      %ne3A_410 = arith.cmpi ne, %rem3A_408, %ne3A_409 : i32
      %lt3A_411 = arith.constant 0 : i32
      %lt3A_412 = arith.cmpi slt, %rem3A_408, %lt3A_411 : i32
      %lt3A_413 = arith.constant 0 : i32
      %lt3A_414 = arith.cmpi slt, %select_n3A_407, %lt3A_413 : i32
      %ne3A_415 = arith.xori %lt3A_412, %lt3A_414 : i1
      %and3A_416 = arith.andi %ne3A_415, %ne3A_410 : i1
      %add3A_417 = arith.addi %rem3A_408, %select_n3A_407 : i32
      %select_n3A_418 = arith.select %and3A_416, %add3A_417, %rem3A_408 : i32
      %mul3A_419 = arith.constant 16 : i32
      %mul3A_420 = arith.muli %select_n3A_418, %mul3A_419 : i32
      %get3A_421 = arith.index_cast %select_n3A_402 : i32 to index
      %get3A_422 = arith.index_cast %mul3A_420 : i32 to index
      %get3A_423 = tpu.vector_load %arg12[%get3A_421, %get3A_422] {strides = array<i32>} : memref<16x1024xf32, #tpu.memory_space<vmem>>, vector<1x16xf32>,
      %get3A_424 = vector.shape_cast %get3A_423 : vector<1x16xf32> to vector<16xf32>
      %get3A_425 = arith.index_cast %select_n3A_402 : i32 to index
      %get3A_426 = arith.index_cast %mul3A_420 : i32 to index
      %get3A_427 = tpu.vector_load %arg13[%get3A_425, %get3A_426] {strides = array<i32>} : memref<16x1024xf32, #tpu.memory_space<vmem>>, vector<1x16xf32>,
      %get3A_428 = vector.shape_cast %get3A_427 : vector<1x16xf32> to vector<16xf32>
      %add3A_429 = arith.addf %get3A_424, %get3A_428 : vector<16xf32>
      %swap3A_430 = arith.index_cast %select_n3A_402 : i32 to index
      %swap3A_431 = arith.index_cast %mul3A_420 : i32 to index
      %swap3A_432 = tpu.vector_load %arg12[%swap3A_430, %swap3A_431] {strides = array<i32>} : memref<16x1024xf32, #tpu.memory_space<vmem>>, vector<1x16xf32>,
      %swap3A_433 = vector.shape_cast %swap3A_432 : vector<1x16xf32> to vector<16xf32>
      %swap3A_434 = vector.shape_cast %add3A_429 : vector<16xf32> to vector<1x16xf32>
      tpu.vector_store %arg12[%swap3A_430, %swap3A_431], %swap3A_434 {strides = array<i32>} : memref<16x1024xf32, #tpu.memory_space<vmem>>, vector<1x16xf32>,
      %scan3A_435 = arith.constant 5 : i32
      %scan3A_436 = arith.addi %scan3A_158, %scan3A_435 : i32
      %jit3A_437 = arith.constant 64 : i32
      %div3A_438 = arith.divsi %scan3A_436, %jit3A_437 : i32
      %sign3A_439 = arith.constant 0 : i32
      %sign3A_440 = arith.cmpi sgt, %scan3A_436, %sign3A_439 : i32
      %sign3A_441 = arith.extui %sign3A_440 : i1 to i32
      %sign3A_442 = arith.constant 0 : i32
      %sign3A_443 = arith.cmpi slt, %scan3A_436, %sign3A_442 : i32
      %sign3A_444 = arith.extui %sign3A_443 : i1 to i32
      %sign3A_445 = arith.subi %sign3A_441, %sign3A_444 : i32
      %sign3A_446 = arith.constant 0 : i32
      %sign3A_447 = arith.cmpi sgt, %jit3A_437, %sign3A_446 : i32
      %sign3A_448 = arith.extui %sign3A_447 : i1 to i32
      %sign3A_449 = arith.constant 0 : i32
      %sign3A_450 = arith.cmpi slt, %jit3A_437, %sign3A_449 : i32
      %sign3A_451 = arith.extui %sign3A_450 : i1 to i32
      %sign3A_452 = arith.subi %sign3A_448, %sign3A_451 : i32
      %ne3A_453 = arith.cmpi ne, %sign3A_445, %sign3A_452 : i32
      %rem3A_454 = arith.remsi %scan3A_436, %jit3A_437 : i32
      %ne3A_455 = arith.constant 0 : i32
      %ne3A_456 = arith.cmpi ne, %rem3A_454, %ne3A_455 : i32
      %and3A_457 = arith.andi %ne3A_453, %ne3A_456 : i1
      %sub3A_458 = arith.constant 1 : i32
      %sub3A_459 = arith.subi %div3A_438, %sub3A_458 : i32
      %select_n3A_460 = arith.select %and3A_457, %sub3A_459, %div3A_438 : i32
      %jit3A_461 = arith.constant 64 : i32
      %eq3A_462 = arith.constant 0 : i32
      %eq3A_463 = arith.cmpi eq, %jit3A_461, %eq3A_462 : i32
      %jit3A_464 = arith.constant 1 : i32
      %select_n3A_465 = arith.select %eq3A_463, %jit3A_464, %jit3A_461 : i32
      %rem3A_466 = arith.remsi %scan3A_436, %select_n3A_465 : i32
      %ne3A_467 = arith.constant 0 : i32
      %ne3A_468 = arith.cmpi ne, %rem3A_466, %ne3A_467 : i32
      %lt3A_469 = arith.constant 0 : i32
      %lt3A_470 = arith.cmpi slt, %rem3A_466, %lt3A_469 : i32
      %lt3A_471 = arith.constant 0 : i32
      %lt3A_472 = arith.cmpi slt, %select_n3A_465, %lt3A_471 : i32
      %ne3A_473 = arith.xori %lt3A_470, %lt3A_472 : i1
      %and3A_474 = arith.andi %ne3A_473, %ne3A_468 : i1
      %add3A_475 = arith.addi %rem3A_466, %select_n3A_465 : i32
      %select_n3A_476 = arith.select %and3A_474, %add3A_475, %rem3A_466 : i32
      %mul3A_477 = arith.constant 16 : i32
      %mul3A_478 = arith.muli %select_n3A_476, %mul3A_477 : i32
      %get3A_479 = arith.index_cast %select_n3A_460 : i32 to index
      %get3A_480 = arith.index_cast %mul3A_478 : i32 to index
      %get3A_481 = tpu.vector_load %arg12[%get3A_479, %get3A_480] {strides = array<i32>} : memref<16x1024xf32, #tpu.memory_space<vmem>>, vector<1x16xf32>,
      %get3A_482 = vector.shape_cast %get3A_481 : vector<1x16xf32> to vector<16xf32>
      %get3A_483 = arith.index_cast %select_n3A_460 : i32 to index
      %get3A_484 = arith.index_cast %mul3A_478 : i32 to index
      %get3A_485 = tpu.vector_load %arg13[%get3A_483, %get3A_484] {strides = array<i32>} : memref<16x1024xf32, #tpu.memory_space<vmem>>, vector<1x16xf32>,
      %get3A_486 = vector.shape_cast %get3A_485 : vector<1x16xf32> to vector<16xf32>
      %add3A_487 = arith.addf %get3A_482, %get3A_486 : vector<16xf32>
      %swap3A_488 = arith.index_cast %select_n3A_460 : i32 to index
      %swap3A_489 = arith.index_cast %mul3A_478 : i32 to index
      %swap3A_490 = tpu.vector_load %arg12[%swap3A_488, %swap3A_489] {strides = array<i32>} : memref<16x1024xf32, #tpu.memory_space<vmem>>, vector<1x16xf32>,
      %swap3A_491 = vector.shape_cast %swap3A_490 : vector<1x16xf32> to vector<16xf32>
      %swap3A_492 = vector.shape_cast %add3A_487 : vector<16xf32> to vector<1x16xf32>
      tpu.vector_store %arg12[%swap3A_488, %swap3A_489], %swap3A_492 {strides = array<i32>} : memref<16x1024xf32, #tpu.memory_space<vmem>>, vector<1x16xf32>,
      %scan3A_493 = arith.constant 6 : i32
      %scan3A_494 = arith.addi %scan3A_158, %scan3A_493 : i32
      %jit3A_495 = arith.constant 64 : i32
      %div3A_496 = arith.divsi %scan3A_494, %jit3A_495 : i32
      %sign3A_497 = arith.constant 0 : i32
      %sign3A_498 = arith.cmpi sgt, %scan3A_494, %sign3A_497 : i32
      %sign3A_499 = arith.extui %sign3A_498 : i1 to i32
      %sign3A_500 = arith.constant 0 : i32
      %sign3A_501 = arith.cmpi slt, %scan3A_494, %sign3A_500 : i32
      %sign3A_502 = arith.extui %sign3A_501 : i1 to i32
      %sign3A_503 = arith.subi %sign3A_499, %sign3A_502 : i32
      %sign3A_504 = arith.constant 0 : i32
      %sign3A_505 = arith.cmpi sgt, %jit3A_495, %sign3A_504 : i32
      %sign3A_506 = arith.extui %sign3A_505 : i1 to i32
      %sign3A_507 = arith.constant 0 : i32
      %sign3A_508 = arith.cmpi slt, %jit3A_495, %sign3A_507 : i32
      %sign3A_509 = arith.extui %sign3A_508 : i1 to i32
      %sign3A_510 = arith.subi %sign3A_506, %sign3A_509 : i32
      %ne3A_511 = arith.cmpi ne, %sign3A_503, %sign3A_510 : i32
      %rem3A_512 = arith.remsi %scan3A_494, %jit3A_495 : i32
      %ne3A_513 = arith.constant 0 : i32
      %ne3A_514 = arith.cmpi ne, %rem3A_512, %ne3A_513 : i32
      %and3A_515 = arith.andi %ne3A_511, %ne3A_514 : i1
      %sub3A_516 = arith.constant 1 : i32
      %sub3A_517 = arith.subi %div3A_496, %sub3A_516 : i32
      %select_n3A_518 = arith.select %and3A_515, %sub3A_517, %div3A_496 : i32
      %jit3A_519 = arith.constant 64 : i32
      %eq3A_520 = arith.constant 0 : i32
      %eq3A_521 = arith.cmpi eq, %jit3A_519, %eq3A_520 : i32
      %jit3A_522 = arith.constant 1 : i32
      %select_n3A_523 = arith.select %eq3A_521, %jit3A_522, %jit3A_519 : i32
      %rem3A_524 = arith.remsi %scan3A_494, %select_n3A_523 : i32
      %ne3A_525 = arith.constant 0 : i32
      %ne3A_526 = arith.cmpi ne, %rem3A_524, %ne3A_525 : i32
      %lt3A_527 = arith.constant 0 : i32
      %lt3A_528 = arith.cmpi slt, %rem3A_524, %lt3A_527 : i32
      %lt3A_529 = arith.constant 0 : i32
      %lt3A_530 = arith.cmpi slt, %select_n3A_523, %lt3A_529 : i32
      %ne3A_531 = arith.xori %lt3A_528, %lt3A_530 : i1
      %and3A_532 = arith.andi %ne3A_531, %ne3A_526 : i1
      %add3A_533 = arith.addi %rem3A_524, %select_n3A_523 : i32
      %select_n3A_534 = arith.select %and3A_532, %add3A_533, %rem3A_524 : i32
      %mul3A_535 = arith.constant 16 : i32
      %mul3A_536 = arith.muli %select_n3A_534, %mul3A_535 : i32
      %get3A_537 = arith.index_cast %select_n3A_518 : i32 to index
      %get3A_538 = arith.index_cast %mul3A_536 : i32 to index
      %get3A_539 = tpu.vector_load %arg12[%get3A_537, %get3A_538] {strides = array<i32>} : memref<16x1024xf32, #tpu.memory_space<vmem>>, vector<1x16xf32>,
      %get3A_540 = vector.shape_cast %get3A_539 : vector<1x16xf32> to vector<16xf32>
      %get3A_541 = arith.index_cast %select_n3A_518 : i32 to index
      %get3A_542 = arith.index_cast %mul3A_536 : i32 to index
      %get3A_543 = tpu.vector_load %arg13[%get3A_541, %get3A_542] {strides = array<i32>} : memref<16x1024xf32, #tpu.memory_space<vmem>>, vector<1x16xf32>,
      %get3A_544 = vector.shape_cast %get3A_543 : vector<1x16xf32> to vector<16xf32>
      %add3A_545 = arith.addf %get3A_540, %get3A_544 : vector<16xf32>
      %swap3A_546 = arith.index_cast %select_n3A_518 : i32 to index
      %swap3A_547 = arith.index_cast %mul3A_536 : i32 to index
      %swap3A_548 = tpu.vector_load %arg12[%swap3A_546, %swap3A_547] {strides = array<i32>} : memref<16x1024xf32, #tpu.memory_space<vmem>>, vector<1x16xf32>,
      %swap3A_549 = vector.shape_cast %swap3A_548 : vector<1x16xf32> to vector<16xf32>
      %swap3A_550 = vector.shape_cast %add3A_545 : vector<16xf32> to vector<1x16xf32>
      tpu.vector_store %arg12[%swap3A_546, %swap3A_547], %swap3A_550 {strides = array<i32>} : memref<16x1024xf32, #tpu.memory_space<vmem>>, vector<1x16xf32>,
      %scan3A_551 = arith.constant 7 : i32
      %scan3A_552 = arith.addi %scan3A_158, %scan3A_551 : i32
      %jit3A_553 = arith.constant 64 : i32
      %div3A_554 = arith.divsi %scan3A_552, %jit3A_553 : i32
      %sign3A_555 = arith.constant 0 : i32
      %sign3A_556 = arith.cmpi sgt, %scan3A_552, %sign3A_555 : i32
      %sign3A_557 = arith.extui %sign3A_556 : i1 to i32
      %sign3A_558 = arith.constant 0 : i32
      %sign3A_559 = arith.cmpi slt, %scan3A_552, %sign3A_558 : i32
      %sign3A_560 = arith.extui %sign3A_559 : i1 to i32
      %sign3A_561 = arith.subi %sign3A_557, %sign3A_560 : i32
      %sign3A_562 = arith.constant 0 : i32
      %sign3A_563 = arith.cmpi sgt, %jit3A_553, %sign3A_562 : i32
      %sign3A_564 = arith.extui %sign3A_563 : i1 to i32
      %sign3A_565 = arith.constant 0 : i32
      %sign3A_566 = arith.cmpi slt, %jit3A_553, %sign3A_565 : i32
      %sign3A_567 = arith.extui %sign3A_566 : i1 to i32
      %sign3A_568 = arith.subi %sign3A_564, %sign3A_567 : i32
      %ne3A_569 = arith.cmpi ne, %sign3A_561, %sign3A_568 : i32
      %rem3A_570 = arith.remsi %scan3A_552, %jit3A_553 : i32
      %ne3A_571 = arith.constant 0 : i32
      %ne3A_572 = arith.cmpi ne, %rem3A_570, %ne3A_571 : i32
      %and3A_573 = arith.andi %ne3A_569, %ne3A_572 : i1
      %sub3A_574 = arith.constant 1 : i32
      %sub3A_575 = arith.subi %div3A_554, %sub3A_574 : i32
      %select_n3A_576 = arith.select %and3A_573, %sub3A_575, %div3A_554 : i32
      %jit3A_577 = arith.constant 64 : i32
      %eq3A_578 = arith.constant 0 : i32
      %eq3A_579 = arith.cmpi eq, %jit3A_577, %eq3A_578 : i32
      %jit3A_580 = arith.constant 1 : i32
      %select_n3A_581 = arith.select %eq3A_579, %jit3A_580, %jit3A_577 : i32
      %rem3A_582 = arith.remsi %scan3A_552, %select_n3A_581 : i32
      %ne3A_583 = arith.constant 0 : i32
      %ne3A_584 = arith.cmpi ne, %rem3A_582, %ne3A_583 : i32
      %lt3A_585 = arith.constant 0 : i32
      %lt3A_586 = arith.cmpi slt, %rem3A_582, %lt3A_585 : i32
      %lt3A_587 = arith.constant 0 : i32
      %lt3A_588 = arith.cmpi slt, %select_n3A_581, %lt3A_587 : i32
      %ne3A_589 = arith.xori %lt3A_586, %lt3A_588 : i1
      %and3A_590 = arith.andi %ne3A_589, %ne3A_584 : i1
      %add3A_591 = arith.addi %rem3A_582, %select_n3A_581 : i32
      %select_n3A_592 = arith.select %and3A_590, %add3A_591, %rem3A_582 : i32
      %mul3A_593 = arith.constant 16 : i32
      %mul3A_594 = arith.muli %select_n3A_592, %mul3A_593 : i32
      %get3A_595 = arith.index_cast %select_n3A_576 : i32 to index
      %get3A_596 = arith.index_cast %mul3A_594 : i32 to index
      %get3A_597 = tpu.vector_load %arg12[%get3A_595, %get3A_596] {strides = array<i32>} : memref<16x1024xf32, #tpu.memory_space<vmem>>, vector<1x16xf32>,
      %get3A_598 = vector.shape_cast %get3A_597 : vector<1x16xf32> to vector<16xf32>
      %get3A_599 = arith.index_cast %select_n3A_576 : i32 to index
      %get3A_600 = arith.index_cast %mul3A_594 : i32 to index
      %get3A_601 = tpu.vector_load %arg13[%get3A_599, %get3A_600] {strides = array<i32>} : memref<16x1024xf32, #tpu.memory_space<vmem>>, vector<1x16xf32>,
      %get3A_602 = vector.shape_cast %get3A_601 : vector<1x16xf32> to vector<16xf32>
      %add3A_603 = arith.addf %get3A_598, %get3A_602 : vector<16xf32>
      %swap3A_604 = arith.index_cast %select_n3A_576 : i32 to index
      %swap3A_605 = arith.index_cast %mul3A_594 : i32 to index
      %swap3A_606 = tpu.vector_load %arg12[%swap3A_604, %swap3A_605] {strides = array<i32>} : memref<16x1024xf32, #tpu.memory_space<vmem>>, vector<1x16xf32>,
      %swap3A_607 = vector.shape_cast %swap3A_606 : vector<1x16xf32> to vector<16xf32>
      %swap3A_608 = vector.shape_cast %add3A_603 : vector<16xf32> to vector<1x16xf32>
      tpu.vector_store %arg12[%swap3A_604, %swap3A_605], %swap3A_608 {strides = array<i32>} : memref<16x1024xf32, #tpu.memory_space<vmem>>, vector<1x16xf32>,
    }
    %scan3A_69 = arith.constant 1024 : i32
    %mul3A_70 = arith.constant 64 : i32
    %mul3A_71 = arith.muli %add3A, %mul3A_70 : i32
    %add3A_72 = arith.constant 16 : i32
    %add3A_73 = arith.addi %mul3A_71, %add3A_72 : i32
    %dma_start3A_74 = arith.constant 0 : i32
    %dma_start3A_75 = arith.constant 0 : i32
    %dma_start3A_76 = tpu.memref_slice %arg5[%dma_start3A_74, %add3A_73, %dma_start3A_75] : memref<1x2048x1024xf32, #tpu.memory_space<hbm>> -> memref<1x16x1024xf32, #tpu.memory_space<hbm>>
    %dma_start3A_77 = tpu.memref_squeeze %dma_start3A_76 : memref<1x16x1024xf32, #tpu.memory_space<hbm>> -> memref<16x1024xf32, #tpu.memory_space<hbm>>
    %dma_start3A_78 = arith.constant 0 : i32
    %dma_start3A_79 = tpu.memref_slice %arg5[%dma_start3A_74, %add3A_73, %dma_start3A_78] : memref<1x2048x1024xf32, #tpu.memory_space<hbm>> -> memref<1x16x1024xf32, #tpu.memory_space<hbm>>
    %dma_start3A_80 = tpu.memref_squeeze %dma_start3A_79 : memref<1x16x1024xf32, #tpu.memory_space<hbm>> -> memref<16x1024xf32, #tpu.memory_space<hbm>>
    tpu.enqueue_dma source(%arg12 : memref<16x1024xf32, #tpu.memory_space<vmem>>) target(%dma_start3A_80 : memref<16x1024xf32, #tpu.memory_space<hbm>>) target_semaphore(%arg19 : memref<!tpu.dma_semaphore, #tpu.memory_space<semaphore_mem>>)
    %dma_wait3A_81 = arith.constant 0 : i32
    %dma_wait3A_82 = arith.constant 0 : i32
    %dma_wait3A_83 = tpu.memref_slice %arg5[%dma_wait3A_81, %add3A_73, %dma_wait3A_82] : memref<1x2048x1024xf32, #tpu.memory_space<hbm>> -> memref<1x16x1024xf32, #tpu.memory_space<hbm>>
    %dma_wait3A_84 = tpu.memref_squeeze %dma_wait3A_83 : memref<1x16x1024xf32, #tpu.memory_space<hbm>> -> memref<16x1024xf32, #tpu.memory_space<hbm>>
    %dma_wait3A_85 = arith.constant 0 : i32
    %dma_wait3A_86 = tpu.memref_slice %arg5[%dma_wait3A_81, %add3A_73, %dma_wait3A_85] : memref<1x2048x1024xf32, #tpu.memory_space<hbm>> -> memref<1x16x1024xf32, #tpu.memory_space<hbm>>
    %dma_wait3A_87 = tpu.memref_squeeze %dma_wait3A_86 : memref<1x16x1024xf32, #tpu.memory_space<hbm>> -> memref<16x1024xf32, #tpu.memory_space<hbm>>
    tpu.wait_dma2 semaphore(%arg19 : memref<!tpu.dma_semaphore, #tpu.memory_space<semaphore_mem>>) src(%arg12 : memref<16x1024xf32, #tpu.memory_space<vmem>>) dst(%dma_wait3A_87 : memref<16x1024xf32, #tpu.memory_space<hbm>>)
    %mul3A_88 = arith.constant 64 : i32
    %mul3A_89 = arith.muli %add3A, %mul3A_88 : i32
    %add3A_90 = arith.constant 48 : i32
    %add3A_91 = arith.addi %mul3A_89, %add3A_90 : i32
    "tpu.region"() ({
      %run_scoped3A = tpu.sem_alloc : memref<!tpu.dma_semaphore, #tpu.memory_space<semaphore_mem>>
      %dma_start3A_158 = tpu.memref_slice %arg2[%add3A_91] : memref<2048xi32, #tpu.memory_space<hbm>> -> memref<16xi32, #tpu.memory_space<hbm>>
      %dma_start3A_159 = tpu.memref_slice %arg2[%add3A_91] : memref<2048xi32, #tpu.memory_space<hbm>> -> memref<16xi32, #tpu.memory_space<hbm>>
      tpu.enqueue_dma source(%dma_start3A_159 : memref<16xi32, #tpu.memory_space<hbm>>) target(%arg8 : memref<16xi32, #tpu.memory_space<vmem>>) target_semaphore(%run_scoped3A : memref<!tpu.dma_semaphore, #tpu.memory_space<semaphore_mem>>)
      %dma_wait3A_160 = tpu.memref_slice %arg2[%add3A_91] : memref<2048xi32, #tpu.memory_space<hbm>> -> memref<16xi32, #tpu.memory_space<hbm>>
      %dma_wait3A_161 = tpu.memref_slice %arg2[%add3A_91] : memref<2048xi32, #tpu.memory_space<hbm>> -> memref<16xi32, #tpu.memory_space<hbm>>
      tpu.wait_dma2 semaphore(%run_scoped3A : memref<!tpu.dma_semaphore, #tpu.memory_space<semaphore_mem>>) src(%dma_wait3A_161 : memref<16xi32, #tpu.memory_space<hbm>>) dst(%arg8 : memref<16xi32, #tpu.memory_space<vmem>>)
      tpu.yield
    }) : () -> ()
    "tpu.region"() ({
      %run_scoped3A = tpu.sem_alloc : memref<!tpu.dma_semaphore, #tpu.memory_space<semaphore_mem>>
      %dma_start3A_158 = tpu.memref_slice %arg3[%add3A_91] : memref<2048xi32, #tpu.memory_space<hbm>> -> memref<16xi32, #tpu.memory_space<hbm>>
      %dma_start3A_159 = tpu.memref_slice %arg3[%add3A_91] : memref<2048xi32, #tpu.memory_space<hbm>> -> memref<16xi32, #tpu.memory_space<hbm>>
      tpu.enqueue_dma source(%dma_start3A_159 : memref<16xi32, #tpu.memory_space<hbm>>) target(%arg9 : memref<16xi32, #tpu.memory_space<vmem>>) target_semaphore(%run_scoped3A : memref<!tpu.dma_semaphore, #tpu.memory_space<semaphore_mem>>)
      %dma_wait3A_160 = tpu.memref_slice %arg3[%add3A_91] : memref<2048xi32, #tpu.memory_space<hbm>> -> memref<16xi32, #tpu.memory_space<hbm>>
      %dma_wait3A_161 = tpu.memref_slice %arg3[%add3A_91] : memref<2048xi32, #tpu.memory_space<hbm>> -> memref<16xi32, #tpu.memory_space<hbm>>
      tpu.wait_dma2 semaphore(%run_scoped3A : memref<!tpu.dma_semaphore, #tpu.memory_space<semaphore_mem>>) src(%dma_wait3A_161 : memref<16xi32, #tpu.memory_space<hbm>>) dst(%arg9 : memref<16xi32, #tpu.memory_space<vmem>>)
      tpu.yield
    }) : () -> ()
    %dma_start3A_92 = arith.constant 0 : i32
    %dma_start3A_93 = arith.constant 0 : i32
    %dma_start3A_94 = tpu.memref_slice %arg4[%dma_start3A_92, %dma_start3A_93] : memref<12288x1024xf32, #tpu.memory_space<hbm>> -> memref<12288x1024xf32, #tpu.memory_space<hbm>>
    tpu.enqueue_indirect_dma source(%dma_start3A_94 : memref<12288x1024xf32, #tpu.memory_space<hbm>>) target(%arg12 : memref<16x1024xf32, #tpu.memory_space<vmem>>) offsets(%arg8 : memref<16xi32, #tpu.memory_space<vmem>>) semaphore(%arg16 : memref<!tpu.dma_semaphore, #tpu.memory_space<semaphore_mem>>)
    %dma_start3A_95 = arith.constant 0 : i32
    %dma_start3A_96 = arith.constant 0 : i32
    %dma_start3A_97 = tpu.memref_slice %arg4[%dma_start3A_95, %dma_start3A_96] : memref<12288x1024xf32, #tpu.memory_space<hbm>> -> memref<12288x1024xf32, #tpu.memory_space<hbm>>
    tpu.enqueue_indirect_dma source(%dma_start3A_97 : memref<12288x1024xf32, #tpu.memory_space<hbm>>) target(%arg13 : memref<16x1024xf32, #tpu.memory_space<vmem>>) offsets(%arg9 : memref<16xi32, #tpu.memory_space<vmem>>) semaphore(%arg17 : memref<!tpu.dma_semaphore, #tpu.memory_space<semaphore_mem>>)
    %dma_wait3A_98 = arith.constant 0 : i32
    %dma_wait3A_99 = arith.constant 0 : i32
    %dma_wait3A_100 = tpu.memref_slice %arg4[%dma_wait3A_98, %dma_wait3A_99] : memref<12288x1024xf32, #tpu.memory_space<hbm>> -> memref<12288x1024xf32, #tpu.memory_space<hbm>>
    tpu.wait_indirect_dma semaphore(%arg14 : memref<!tpu.dma_semaphore, #tpu.memory_space<semaphore_mem>>) src(%dma_wait3A_100 : memref<12288x1024xf32, #tpu.memory_space<hbm>>) dst(%arg10 : memref<16x1024xf32, #tpu.memory_space<vmem>>)
    %dma_wait3A_101 = arith.constant 0 : i32
    %dma_wait3A_102 = arith.constant 0 : i32
    %dma_wait3A_103 = tpu.memref_slice %arg4[%dma_wait3A_101, %dma_wait3A_102] : memref<12288x1024xf32, #tpu.memory_space<hbm>> -> memref<12288x1024xf32, #tpu.memory_space<hbm>>
    tpu.wait_indirect_dma semaphore(%arg15 : memref<!tpu.dma_semaphore, #tpu.memory_space<semaphore_mem>>) src(%dma_wait3A_103 : memref<12288x1024xf32, #tpu.memory_space<hbm>>) dst(%arg11 : memref<16x1024xf32, #tpu.memory_space<vmem>>)
    %scan3A_104 = arith.constant 0 : i32
    %scan3A_105 = arith.constant 0 : i32
    %scan3A_106 = arith.constant 1024 : i32
    %scan3A_107 = arith.addi %scan3A_105, %scan3A_106 : i32
    %scan3A_108 = arith.constant 8 : i32
    scf.for %scan3A_158 = %scan3A_105 to %scan3A_107 step %scan3A_108  : i32 {
      %jit3A = arith.constant 64 : i32
      %div3A = arith.divsi %scan3A_158, %jit3A : i32
      %sign3A = arith.constant 0 : i32
      %sign3A_159 = arith.cmpi sgt, %scan3A_158, %sign3A : i32
      %sign3A_160 = arith.extui %sign3A_159 : i1 to i32
      %sign3A_161 = arith.constant 0 : i32
      %sign3A_162 = arith.cmpi slt, %scan3A_158, %sign3A_161 : i32
      %sign3A_163 = arith.extui %sign3A_162 : i1 to i32
      %sign3A_164 = arith.subi %sign3A_160, %sign3A_163 : i32
      %sign3A_165 = arith.constant 0 : i32
      %sign3A_166 = arith.cmpi sgt, %jit3A, %sign3A_165 : i32
      %sign3A_167 = arith.extui %sign3A_166 : i1 to i32
      %sign3A_168 = arith.constant 0 : i32
      %sign3A_169 = arith.cmpi slt, %jit3A, %sign3A_168 : i32
      %sign3A_170 = arith.extui %sign3A_169 : i1 to i32
      %sign3A_171 = arith.subi %sign3A_167, %sign3A_170 : i32
      %ne3A = arith.cmpi ne, %sign3A_164, %sign3A_171 : i32
      %rem3A = arith.remsi %scan3A_158, %jit3A : i32
      %ne3A_172 = arith.constant 0 : i32
      %ne3A_173 = arith.cmpi ne, %rem3A, %ne3A_172 : i32
      %and3A = arith.andi %ne3A, %ne3A_173 : i1
      %sub3A = arith.constant 1 : i32
      %sub3A_174 = arith.subi %div3A, %sub3A : i32
      %select_n3A = arith.select %and3A, %sub3A_174, %div3A : i32
      %jit3A_175 = arith.constant 64 : i32
      %eq3A = arith.constant 0 : i32
      %eq3A_176 = arith.cmpi eq, %jit3A_175, %eq3A : i32
      %jit3A_177 = arith.constant 1 : i32
      %select_n3A_178 = arith.select %eq3A_176, %jit3A_177, %jit3A_175 : i32
      %rem3A_179 = arith.remsi %scan3A_158, %select_n3A_178 : i32
      %ne3A_180 = arith.constant 0 : i32
      %ne3A_181 = arith.cmpi ne, %rem3A_179, %ne3A_180 : i32
      %lt3A = arith.constant 0 : i32
      %lt3A_182 = arith.cmpi slt, %rem3A_179, %lt3A : i32
      %lt3A_183 = arith.constant 0 : i32
      %lt3A_184 = arith.cmpi slt, %select_n3A_178, %lt3A_183 : i32
      %ne3A_185 = arith.xori %lt3A_182, %lt3A_184 : i1
      %and3A_186 = arith.andi %ne3A_185, %ne3A_181 : i1
      %add3A_187 = arith.addi %rem3A_179, %select_n3A_178 : i32
      %select_n3A_188 = arith.select %and3A_186, %add3A_187, %rem3A_179 : i32
      %mul3A_189 = arith.constant 16 : i32
      %mul3A_190 = arith.muli %select_n3A_188, %mul3A_189 : i32
      %get3A = arith.index_cast %select_n3A : i32 to index
      %get3A_191 = arith.index_cast %mul3A_190 : i32 to index
      %get3A_192 = tpu.vector_load %arg10[%get3A, %get3A_191] {strides = array<i32>} : memref<16x1024xf32, #tpu.memory_space<vmem>>, vector<1x16xf32>,
      %get3A_193 = vector.shape_cast %get3A_192 : vector<1x16xf32> to vector<16xf32>
      %get3A_194 = arith.index_cast %select_n3A : i32 to index
      %get3A_195 = arith.index_cast %mul3A_190 : i32 to index
      %get3A_196 = tpu.vector_load %arg11[%get3A_194, %get3A_195] {strides = array<i32>} : memref<16x1024xf32, #tpu.memory_space<vmem>>, vector<1x16xf32>,
      %get3A_197 = vector.shape_cast %get3A_196 : vector<1x16xf32> to vector<16xf32>
      %add3A_198 = arith.addf %get3A_193, %get3A_197 : vector<16xf32>
      %swap3A = arith.index_cast %select_n3A : i32 to index
      %swap3A_199 = arith.index_cast %mul3A_190 : i32 to index
      %swap3A_200 = tpu.vector_load %arg10[%swap3A, %swap3A_199] {strides = array<i32>} : memref<16x1024xf32, #tpu.memory_space<vmem>>, vector<1x16xf32>,
      %swap3A_201 = vector.shape_cast %swap3A_200 : vector<1x16xf32> to vector<16xf32>
      %swap3A_202 = vector.shape_cast %add3A_198 : vector<16xf32> to vector<1x16xf32>
      tpu.vector_store %arg10[%swap3A, %swap3A_199], %swap3A_202 {strides = array<i32>} : memref<16x1024xf32, #tpu.memory_space<vmem>>, vector<1x16xf32>,
      %scan3A_203 = arith.constant 1 : i32
      %scan3A_204 = arith.addi %scan3A_158, %scan3A_203 : i32
      %jit3A_205 = arith.constant 64 : i32
      %div3A_206 = arith.divsi %scan3A_204, %jit3A_205 : i32
      %sign3A_207 = arith.constant 0 : i32
      %sign3A_208 = arith.cmpi sgt, %scan3A_204, %sign3A_207 : i32
      %sign3A_209 = arith.extui %sign3A_208 : i1 to i32
      %sign3A_210 = arith.constant 0 : i32
      %sign3A_211 = arith.cmpi slt, %scan3A_204, %sign3A_210 : i32
      %sign3A_212 = arith.extui %sign3A_211 : i1 to i32
      %sign3A_213 = arith.subi %sign3A_209, %sign3A_212 : i32
      %sign3A_214 = arith.constant 0 : i32
      %sign3A_215 = arith.cmpi sgt, %jit3A_205, %sign3A_214 : i32
      %sign3A_216 = arith.extui %sign3A_215 : i1 to i32
      %sign3A_217 = arith.constant 0 : i32
      %sign3A_218 = arith.cmpi slt, %jit3A_205, %sign3A_217 : i32
      %sign3A_219 = arith.extui %sign3A_218 : i1 to i32
      %sign3A_220 = arith.subi %sign3A_216, %sign3A_219 : i32
      %ne3A_221 = arith.cmpi ne, %sign3A_213, %sign3A_220 : i32
      %rem3A_222 = arith.remsi %scan3A_204, %jit3A_205 : i32
      %ne3A_223 = arith.constant 0 : i32
      %ne3A_224 = arith.cmpi ne, %rem3A_222, %ne3A_223 : i32
      %and3A_225 = arith.andi %ne3A_221, %ne3A_224 : i1
      %sub3A_226 = arith.constant 1 : i32
      %sub3A_227 = arith.subi %div3A_206, %sub3A_226 : i32
      %select_n3A_228 = arith.select %and3A_225, %sub3A_227, %div3A_206 : i32
      %jit3A_229 = arith.constant 64 : i32
      %eq3A_230 = arith.constant 0 : i32
      %eq3A_231 = arith.cmpi eq, %jit3A_229, %eq3A_230 : i32
      %jit3A_232 = arith.constant 1 : i32
      %select_n3A_233 = arith.select %eq3A_231, %jit3A_232, %jit3A_229 : i32
      %rem3A_234 = arith.remsi %scan3A_204, %select_n3A_233 : i32
      %ne3A_235 = arith.constant 0 : i32
      %ne3A_236 = arith.cmpi ne, %rem3A_234, %ne3A_235 : i32
      %lt3A_237 = arith.constant 0 : i32
      %lt3A_238 = arith.cmpi slt, %rem3A_234, %lt3A_237 : i32
      %lt3A_239 = arith.constant 0 : i32
      %lt3A_240 = arith.cmpi slt, %select_n3A_233, %lt3A_239 : i32
      %ne3A_241 = arith.xori %lt3A_238, %lt3A_240 : i1
      %and3A_242 = arith.andi %ne3A_241, %ne3A_236 : i1
      %add3A_243 = arith.addi %rem3A_234, %select_n3A_233 : i32
      %select_n3A_244 = arith.select %and3A_242, %add3A_243, %rem3A_234 : i32
      %mul3A_245 = arith.constant 16 : i32
      %mul3A_246 = arith.muli %select_n3A_244, %mul3A_245 : i32
      %get3A_247 = arith.index_cast %select_n3A_228 : i32 to index
      %get3A_248 = arith.index_cast %mul3A_246 : i32 to index
      %get3A_249 = tpu.vector_load %arg10[%get3A_247, %get3A_248] {strides = array<i32>} : memref<16x1024xf32, #tpu.memory_space<vmem>>, vector<1x16xf32>,
      %get3A_250 = vector.shape_cast %get3A_249 : vector<1x16xf32> to vector<16xf32>
      %get3A_251 = arith.index_cast %select_n3A_228 : i32 to index
      %get3A_252 = arith.index_cast %mul3A_246 : i32 to index
      %get3A_253 = tpu.vector_load %arg11[%get3A_251, %get3A_252] {strides = array<i32>} : memref<16x1024xf32, #tpu.memory_space<vmem>>, vector<1x16xf32>,
      %get3A_254 = vector.shape_cast %get3A_253 : vector<1x16xf32> to vector<16xf32>
      %add3A_255 = arith.addf %get3A_250, %get3A_254 : vector<16xf32>
      %swap3A_256 = arith.index_cast %select_n3A_228 : i32 to index
      %swap3A_257 = arith.index_cast %mul3A_246 : i32 to index
      %swap3A_258 = tpu.vector_load %arg10[%swap3A_256, %swap3A_257] {strides = array<i32>} : memref<16x1024xf32, #tpu.memory_space<vmem>>, vector<1x16xf32>,
      %swap3A_259 = vector.shape_cast %swap3A_258 : vector<1x16xf32> to vector<16xf32>
      %swap3A_260 = vector.shape_cast %add3A_255 : vector<16xf32> to vector<1x16xf32>
      tpu.vector_store %arg10[%swap3A_256, %swap3A_257], %swap3A_260 {strides = array<i32>} : memref<16x1024xf32, #tpu.memory_space<vmem>>, vector<1x16xf32>,
      %scan3A_261 = arith.constant 2 : i32
      %scan3A_262 = arith.addi %scan3A_158, %scan3A_261 : i32
      %jit3A_263 = arith.constant 64 : i32
      %div3A_264 = arith.divsi %scan3A_262, %jit3A_263 : i32
      %sign3A_265 = arith.constant 0 : i32
      %sign3A_266 = arith.cmpi sgt, %scan3A_262, %sign3A_265 : i32
      %sign3A_267 = arith.extui %sign3A_266 : i1 to i32
      %sign3A_268 = arith.constant 0 : i32
      %sign3A_269 = arith.cmpi slt, %scan3A_262, %sign3A_268 : i32
      %sign3A_270 = arith.extui %sign3A_269 : i1 to i32
      %sign3A_271 = arith.subi %sign3A_267, %sign3A_270 : i32
      %sign3A_272 = arith.constant 0 : i32
      %sign3A_273 = arith.cmpi sgt, %jit3A_263, %sign3A_272 : i32
      %sign3A_274 = arith.extui %sign3A_273 : i1 to i32
      %sign3A_275 = arith.constant 0 : i32
      %sign3A_276 = arith.cmpi slt, %jit3A_263, %sign3A_275 : i32
      %sign3A_277 = arith.extui %sign3A_276 : i1 to i32
      %sign3A_278 = arith.subi %sign3A_274, %sign3A_277 : i32
      %ne3A_279 = arith.cmpi ne, %sign3A_271, %sign3A_278 : i32
      %rem3A_280 = arith.remsi %scan3A_262, %jit3A_263 : i32
      %ne3A_281 = arith.constant 0 : i32
      %ne3A_282 = arith.cmpi ne, %rem3A_280, %ne3A_281 : i32
      %and3A_283 = arith.andi %ne3A_279, %ne3A_282 : i1
      %sub3A_284 = arith.constant 1 : i32
      %sub3A_285 = arith.subi %div3A_264, %sub3A_284 : i32
      %select_n3A_286 = arith.select %and3A_283, %sub3A_285, %div3A_264 : i32
      %jit3A_287 = arith.constant 64 : i32
      %eq3A_288 = arith.constant 0 : i32
      %eq3A_289 = arith.cmpi eq, %jit3A_287, %eq3A_288 : i32
      %jit3A_290 = arith.constant 1 : i32
      %select_n3A_291 = arith.select %eq3A_289, %jit3A_290, %jit3A_287 : i32
      %rem3A_292 = arith.remsi %scan3A_262, %select_n3A_291 : i32
      %ne3A_293 = arith.constant 0 : i32
      %ne3A_294 = arith.cmpi ne, %rem3A_292, %ne3A_293 : i32
      %lt3A_295 = arith.constant 0 : i32
      %lt3A_296 = arith.cmpi slt, %rem3A_292, %lt3A_295 : i32
      %lt3A_297 = arith.constant 0 : i32
      %lt3A_298 = arith.cmpi slt, %select_n3A_291, %lt3A_297 : i32
      %ne3A_299 = arith.xori %lt3A_296, %lt3A_298 : i1
      %and3A_300 = arith.andi %ne3A_299, %ne3A_294 : i1
      %add3A_301 = arith.addi %rem3A_292, %select_n3A_291 : i32
      %select_n3A_302 = arith.select %and3A_300, %add3A_301, %rem3A_292 : i32
      %mul3A_303 = arith.constant 16 : i32
      %mul3A_304 = arith.muli %select_n3A_302, %mul3A_303 : i32
      %get3A_305 = arith.index_cast %select_n3A_286 : i32 to index
      %get3A_306 = arith.index_cast %mul3A_304 : i32 to index
      %get3A_307 = tpu.vector_load %arg10[%get3A_305, %get3A_306] {strides = array<i32>} : memref<16x1024xf32, #tpu.memory_space<vmem>>, vector<1x16xf32>,
      %get3A_308 = vector.shape_cast %get3A_307 : vector<1x16xf32> to vector<16xf32>
      %get3A_309 = arith.index_cast %select_n3A_286 : i32 to index
      %get3A_310 = arith.index_cast %mul3A_304 : i32 to index
      %get3A_311 = tpu.vector_load %arg11[%get3A_309, %get3A_310] {strides = array<i32>} : memref<16x1024xf32, #tpu.memory_space<vmem>>, vector<1x16xf32>,
      %get3A_312 = vector.shape_cast %get3A_311 : vector<1x16xf32> to vector<16xf32>
      %add3A_313 = arith.addf %get3A_308, %get3A_312 : vector<16xf32>
      %swap3A_314 = arith.index_cast %select_n3A_286 : i32 to index
      %swap3A_315 = arith.index_cast %mul3A_304 : i32 to index
      %swap3A_316 = tpu.vector_load %arg10[%swap3A_314, %swap3A_315] {strides = array<i32>} : memref<16x1024xf32, #tpu.memory_space<vmem>>, vector<1x16xf32>,
      %swap3A_317 = vector.shape_cast %swap3A_316 : vector<1x16xf32> to vector<16xf32>
      %swap3A_318 = vector.shape_cast %add3A_313 : vector<16xf32> to vector<1x16xf32>
      tpu.vector_store %arg10[%swap3A_314, %swap3A_315], %swap3A_318 {strides = array<i32>} : memref<16x1024xf32, #tpu.memory_space<vmem>>, vector<1x16xf32>,
      %scan3A_319 = arith.constant 3 : i32
      %scan3A_320 = arith.addi %scan3A_158, %scan3A_319 : i32
      %jit3A_321 = arith.constant 64 : i32
      %div3A_322 = arith.divsi %scan3A_320, %jit3A_321 : i32
      %sign3A_323 = arith.constant 0 : i32
      %sign3A_324 = arith.cmpi sgt, %scan3A_320, %sign3A_323 : i32
      %sign3A_325 = arith.extui %sign3A_324 : i1 to i32
      %sign3A_326 = arith.constant 0 : i32
      %sign3A_327 = arith.cmpi slt, %scan3A_320, %sign3A_326 : i32
      %sign3A_328 = arith.extui %sign3A_327 : i1 to i32
      %sign3A_329 = arith.subi %sign3A_325, %sign3A_328 : i32
      %sign3A_330 = arith.constant 0 : i32
      %sign3A_331 = arith.cmpi sgt, %jit3A_321, %sign3A_330 : i32
      %sign3A_332 = arith.extui %sign3A_331 : i1 to i32
      %sign3A_333 = arith.constant 0 : i32
      %sign3A_334 = arith.cmpi slt, %jit3A_321, %sign3A_333 : i32
      %sign3A_335 = arith.extui %sign3A_334 : i1 to i32
      %sign3A_336 = arith.subi %sign3A_332, %sign3A_335 : i32
      %ne3A_337 = arith.cmpi ne, %sign3A_329, %sign3A_336 : i32
      %rem3A_338 = arith.remsi %scan3A_320, %jit3A_321 : i32
      %ne3A_339 = arith.constant 0 : i32
      %ne3A_340 = arith.cmpi ne, %rem3A_338, %ne3A_339 : i32
      %and3A_341 = arith.andi %ne3A_337, %ne3A_340 : i1
      %sub3A_342 = arith.constant 1 : i32
      %sub3A_343 = arith.subi %div3A_322, %sub3A_342 : i32
      %select_n3A_344 = arith.select %and3A_341, %sub3A_343, %div3A_322 : i32
      %jit3A_345 = arith.constant 64 : i32
      %eq3A_346 = arith.constant 0 : i32
      %eq3A_347 = arith.cmpi eq, %jit3A_345, %eq3A_346 : i32
      %jit3A_348 = arith.constant 1 : i32
      %select_n3A_349 = arith.select %eq3A_347, %jit3A_348, %jit3A_345 : i32
      %rem3A_350 = arith.remsi %scan3A_320, %select_n3A_349 : i32
      %ne3A_351 = arith.constant 0 : i32
      %ne3A_352 = arith.cmpi ne, %rem3A_350, %ne3A_351 : i32
      %lt3A_353 = arith.constant 0 : i32
      %lt3A_354 = arith.cmpi slt, %rem3A_350, %lt3A_353 : i32
      %lt3A_355 = arith.constant 0 : i32
      %lt3A_356 = arith.cmpi slt, %select_n3A_349, %lt3A_355 : i32
      %ne3A_357 = arith.xori %lt3A_354, %lt3A_356 : i1
      %and3A_358 = arith.andi %ne3A_357, %ne3A_352 : i1
      %add3A_359 = arith.addi %rem3A_350, %select_n3A_349 : i32
      %select_n3A_360 = arith.select %and3A_358, %add3A_359, %rem3A_350 : i32
      %mul3A_361 = arith.constant 16 : i32
      %mul3A_362 = arith.muli %select_n3A_360, %mul3A_361 : i32
      %get3A_363 = arith.index_cast %select_n3A_344 : i32 to index
      %get3A_364 = arith.index_cast %mul3A_362 : i32 to index
      %get3A_365 = tpu.vector_load %arg10[%get3A_363, %get3A_364] {strides = array<i32>} : memref<16x1024xf32, #tpu.memory_space<vmem>>, vector<1x16xf32>,
      %get3A_366 = vector.shape_cast %get3A_365 : vector<1x16xf32> to vector<16xf32>
      %get3A_367 = arith.index_cast %select_n3A_344 : i32 to index
      %get3A_368 = arith.index_cast %mul3A_362 : i32 to index
      %get3A_369 = tpu.vector_load %arg11[%get3A_367, %get3A_368] {strides = array<i32>} : memref<16x1024xf32, #tpu.memory_space<vmem>>, vector<1x16xf32>,
      %get3A_370 = vector.shape_cast %get3A_369 : vector<1x16xf32> to vector<16xf32>
      %add3A_371 = arith.addf %get3A_366, %get3A_370 : vector<16xf32>
      %swap3A_372 = arith.index_cast %select_n3A_344 : i32 to index
      %swap3A_373 = arith.index_cast %mul3A_362 : i32 to index
      %swap3A_374 = tpu.vector_load %arg10[%swap3A_372, %swap3A_373] {strides = array<i32>} : memref<16x1024xf32, #tpu.memory_space<vmem>>, vector<1x16xf32>,
      %swap3A_375 = vector.shape_cast %swap3A_374 : vector<1x16xf32> to vector<16xf32>
      %swap3A_376 = vector.shape_cast %add3A_371 : vector<16xf32> to vector<1x16xf32>
      tpu.vector_store %arg10[%swap3A_372, %swap3A_373], %swap3A_376 {strides = array<i32>} : memref<16x1024xf32, #tpu.memory_space<vmem>>, vector<1x16xf32>,
      %scan3A_377 = arith.constant 4 : i32
      %scan3A_378 = arith.addi %scan3A_158, %scan3A_377 : i32
      %jit3A_379 = arith.constant 64 : i32
      %div3A_380 = arith.divsi %scan3A_378, %jit3A_379 : i32
      %sign3A_381 = arith.constant 0 : i32
      %sign3A_382 = arith.cmpi sgt, %scan3A_378, %sign3A_381 : i32
      %sign3A_383 = arith.extui %sign3A_382 : i1 to i32
      %sign3A_384 = arith.constant 0 : i32
      %sign3A_385 = arith.cmpi slt, %scan3A_378, %sign3A_384 : i32
      %sign3A_386 = arith.extui %sign3A_385 : i1 to i32
      %sign3A_387 = arith.subi %sign3A_383, %sign3A_386 : i32
      %sign3A_388 = arith.constant 0 : i32
      %sign3A_389 = arith.cmpi sgt, %jit3A_379, %sign3A_388 : i32
      %sign3A_390 = arith.extui %sign3A_389 : i1 to i32
      %sign3A_391 = arith.constant 0 : i32
      %sign3A_392 = arith.cmpi slt, %jit3A_379, %sign3A_391 : i32
      %sign3A_393 = arith.extui %sign3A_392 : i1 to i32
      %sign3A_394 = arith.subi %sign3A_390, %sign3A_393 : i32
      %ne3A_395 = arith.cmpi ne, %sign3A_387, %sign3A_394 : i32
      %rem3A_396 = arith.remsi %scan3A_378, %jit3A_379 : i32
      %ne3A_397 = arith.constant 0 : i32
      %ne3A_398 = arith.cmpi ne, %rem3A_396, %ne3A_397 : i32
      %and3A_399 = arith.andi %ne3A_395, %ne3A_398 : i1
      %sub3A_400 = arith.constant 1 : i32
      %sub3A_401 = arith.subi %div3A_380, %sub3A_400 : i32
      %select_n3A_402 = arith.select %and3A_399, %sub3A_401, %div3A_380 : i32
      %jit3A_403 = arith.constant 64 : i32
      %eq3A_404 = arith.constant 0 : i32
      %eq3A_405 = arith.cmpi eq, %jit3A_403, %eq3A_404 : i32
      %jit3A_406 = arith.constant 1 : i32
      %select_n3A_407 = arith.select %eq3A_405, %jit3A_406, %jit3A_403 : i32
      %rem3A_408 = arith.remsi %scan3A_378, %select_n3A_407 : i32
      %ne3A_409 = arith.constant 0 : i32
      %ne3A_410 = arith.cmpi ne, %rem3A_408, %ne3A_409 : i32
      %lt3A_411 = arith.constant 0 : i32
      %lt3A_412 = arith.cmpi slt, %rem3A_408, %lt3A_411 : i32
      %lt3A_413 = arith.constant 0 : i32
      %lt3A_414 = arith.cmpi slt, %select_n3A_407, %lt3A_413 : i32
      %ne3A_415 = arith.xori %lt3A_412, %lt3A_414 : i1
      %and3A_416 = arith.andi %ne3A_415, %ne3A_410 : i1
      %add3A_417 = arith.addi %rem3A_408, %select_n3A_407 : i32
      %select_n3A_418 = arith.select %and3A_416, %add3A_417, %rem3A_408 : i32
      %mul3A_419 = arith.constant 16 : i32
      %mul3A_420 = arith.muli %select_n3A_418, %mul3A_419 : i32
      %get3A_421 = arith.index_cast %select_n3A_402 : i32 to index
      %get3A_422 = arith.index_cast %mul3A_420 : i32 to index
      %get3A_423 = tpu.vector_load %arg10[%get3A_421, %get3A_422] {strides = array<i32>} : memref<16x1024xf32, #tpu.memory_space<vmem>>, vector<1x16xf32>,
      %get3A_424 = vector.shape_cast %get3A_423 : vector<1x16xf32> to vector<16xf32>
      %get3A_425 = arith.index_cast %select_n3A_402 : i32 to index
      %get3A_426 = arith.index_cast %mul3A_420 : i32 to index
      %get3A_427 = tpu.vector_load %arg11[%get3A_425, %get3A_426] {strides = array<i32>} : memref<16x1024xf32, #tpu.memory_space<vmem>>, vector<1x16xf32>,
      %get3A_428 = vector.shape_cast %get3A_427 : vector<1x16xf32> to vector<16xf32>
      %add3A_429 = arith.addf %get3A_424, %get3A_428 : vector<16xf32>
      %swap3A_430 = arith.index_cast %select_n3A_402 : i32 to index
      %swap3A_431 = arith.index_cast %mul3A_420 : i32 to index
      %swap3A_432 = tpu.vector_load %arg10[%swap3A_430, %swap3A_431] {strides = array<i32>} : memref<16x1024xf32, #tpu.memory_space<vmem>>, vector<1x16xf32>,
      %swap3A_433 = vector.shape_cast %swap3A_432 : vector<1x16xf32> to vector<16xf32>
      %swap3A_434 = vector.shape_cast %add3A_429 : vector<16xf32> to vector<1x16xf32>
      tpu.vector_store %arg10[%swap3A_430, %swap3A_431], %swap3A_434 {strides = array<i32>} : memref<16x1024xf32, #tpu.memory_space<vmem>>, vector<1x16xf32>,
      %scan3A_435 = arith.constant 5 : i32
      %scan3A_436 = arith.addi %scan3A_158, %scan3A_435 : i32
      %jit3A_437 = arith.constant 64 : i32
      %div3A_438 = arith.divsi %scan3A_436, %jit3A_437 : i32
      %sign3A_439 = arith.constant 0 : i32
      %sign3A_440 = arith.cmpi sgt, %scan3A_436, %sign3A_439 : i32
      %sign3A_441 = arith.extui %sign3A_440 : i1 to i32
      %sign3A_442 = arith.constant 0 : i32
      %sign3A_443 = arith.cmpi slt, %scan3A_436, %sign3A_442 : i32
      %sign3A_444 = arith.extui %sign3A_443 : i1 to i32
      %sign3A_445 = arith.subi %sign3A_441, %sign3A_444 : i32
      %sign3A_446 = arith.constant 0 : i32
      %sign3A_447 = arith.cmpi sgt, %jit3A_437, %sign3A_446 : i32
      %sign3A_448 = arith.extui %sign3A_447 : i1 to i32
      %sign3A_449 = arith.constant 0 : i32
      %sign3A_450 = arith.cmpi slt, %jit3A_437, %sign3A_449 : i32
      %sign3A_451 = arith.extui %sign3A_450 : i1 to i32
      %sign3A_452 = arith.subi %sign3A_448, %sign3A_451 : i32
      %ne3A_453 = arith.cmpi ne, %sign3A_445, %sign3A_452 : i32
      %rem3A_454 = arith.remsi %scan3A_436, %jit3A_437 : i32
      %ne3A_455 = arith.constant 0 : i32
      %ne3A_456 = arith.cmpi ne, %rem3A_454, %ne3A_455 : i32
      %and3A_457 = arith.andi %ne3A_453, %ne3A_456 : i1
      %sub3A_458 = arith.constant 1 : i32
      %sub3A_459 = arith.subi %div3A_438, %sub3A_458 : i32
      %select_n3A_460 = arith.select %and3A_457, %sub3A_459, %div3A_438 : i32
      %jit3A_461 = arith.constant 64 : i32
      %eq3A_462 = arith.constant 0 : i32
      %eq3A_463 = arith.cmpi eq, %jit3A_461, %eq3A_462 : i32
      %jit3A_464 = arith.constant 1 : i32
      %select_n3A_465 = arith.select %eq3A_463, %jit3A_464, %jit3A_461 : i32
      %rem3A_466 = arith.remsi %scan3A_436, %select_n3A_465 : i32
      %ne3A_467 = arith.constant 0 : i32
      %ne3A_468 = arith.cmpi ne, %rem3A_466, %ne3A_467 : i32
      %lt3A_469 = arith.constant 0 : i32
      %lt3A_470 = arith.cmpi slt, %rem3A_466, %lt3A_469 : i32
      %lt3A_471 = arith.constant 0 : i32
      %lt3A_472 = arith.cmpi slt, %select_n3A_465, %lt3A_471 : i32
      %ne3A_473 = arith.xori %lt3A_470, %lt3A_472 : i1
      %and3A_474 = arith.andi %ne3A_473, %ne3A_468 : i1
      %add3A_475 = arith.addi %rem3A_466, %select_n3A_465 : i32
      %select_n3A_476 = arith.select %and3A_474, %add3A_475, %rem3A_466 : i32
      %mul3A_477 = arith.constant 16 : i32
      %mul3A_478 = arith.muli %select_n3A_476, %mul3A_477 : i32
      %get3A_479 = arith.index_cast %select_n3A_460 : i32 to index
      %get3A_480 = arith.index_cast %mul3A_478 : i32 to index
      %get3A_481 = tpu.vector_load %arg10[%get3A_479, %get3A_480] {strides = array<i32>} : memref<16x1024xf32, #tpu.memory_space<vmem>>, vector<1x16xf32>,
      %get3A_482 = vector.shape_cast %get3A_481 : vector<1x16xf32> to vector<16xf32>
      %get3A_483 = arith.index_cast %select_n3A_460 : i32 to index
      %get3A_484 = arith.index_cast %mul3A_478 : i32 to index
      %get3A_485 = tpu.vector_load %arg11[%get3A_483, %get3A_484] {strides = array<i32>} : memref<16x1024xf32, #tpu.memory_space<vmem>>, vector<1x16xf32>,
      %get3A_486 = vector.shape_cast %get3A_485 : vector<1x16xf32> to vector<16xf32>
      %add3A_487 = arith.addf %get3A_482, %get3A_486 : vector<16xf32>
      %swap3A_488 = arith.index_cast %select_n3A_460 : i32 to index
      %swap3A_489 = arith.index_cast %mul3A_478 : i32 to index
      %swap3A_490 = tpu.vector_load %arg10[%swap3A_488, %swap3A_489] {strides = array<i32>} : memref<16x1024xf32, #tpu.memory_space<vmem>>, vector<1x16xf32>,
      %swap3A_491 = vector.shape_cast %swap3A_490 : vector<1x16xf32> to vector<16xf32>
      %swap3A_492 = vector.shape_cast %add3A_487 : vector<16xf32> to vector<1x16xf32>
      tpu.vector_store %arg10[%swap3A_488, %swap3A_489], %swap3A_492 {strides = array<i32>} : memref<16x1024xf32, #tpu.memory_space<vmem>>, vector<1x16xf32>,
      %scan3A_493 = arith.constant 6 : i32
      %scan3A_494 = arith.addi %scan3A_158, %scan3A_493 : i32
      %jit3A_495 = arith.constant 64 : i32
      %div3A_496 = arith.divsi %scan3A_494, %jit3A_495 : i32
      %sign3A_497 = arith.constant 0 : i32
      %sign3A_498 = arith.cmpi sgt, %scan3A_494, %sign3A_497 : i32
      %sign3A_499 = arith.extui %sign3A_498 : i1 to i32
      %sign3A_500 = arith.constant 0 : i32
      %sign3A_501 = arith.cmpi slt, %scan3A_494, %sign3A_500 : i32
      %sign3A_502 = arith.extui %sign3A_501 : i1 to i32
      %sign3A_503 = arith.subi %sign3A_499, %sign3A_502 : i32
      %sign3A_504 = arith.constant 0 : i32
      %sign3A_505 = arith.cmpi sgt, %jit3A_495, %sign3A_504 : i32
      %sign3A_506 = arith.extui %sign3A_505 : i1 to i32
      %sign3A_507 = arith.constant 0 : i32
      %sign3A_508 = arith.cmpi slt, %jit3A_495, %sign3A_507 : i32
      %sign3A_509 = arith.extui %sign3A_508 : i1 to i32
      %sign3A_510 = arith.subi %sign3A_506, %sign3A_509 : i32
      %ne3A_511 = arith.cmpi ne, %sign3A_503, %sign3A_510 : i32
      %rem3A_512 = arith.remsi %scan3A_494, %jit3A_495 : i32
      %ne3A_513 = arith.constant 0 : i32
      %ne3A_514 = arith.cmpi ne, %rem3A_512, %ne3A_513 : i32
      %and3A_515 = arith.andi %ne3A_511, %ne3A_514 : i1
      %sub3A_516 = arith.constant 1 : i32
      %sub3A_517 = arith.subi %div3A_496, %sub3A_516 : i32
      %select_n3A_518 = arith.select %and3A_515, %sub3A_517, %div3A_496 : i32
      %jit3A_519 = arith.constant 64 : i32
      %eq3A_520 = arith.constant 0 : i32
      %eq3A_521 = arith.cmpi eq, %jit3A_519, %eq3A_520 : i32
      %jit3A_522 = arith.constant 1 : i32
      %select_n3A_523 = arith.select %eq3A_521, %jit3A_522, %jit3A_519 : i32
      %rem3A_524 = arith.remsi %scan3A_494, %select_n3A_523 : i32
      %ne3A_525 = arith.constant 0 : i32
      %ne3A_526 = arith.cmpi ne, %rem3A_524, %ne3A_525 : i32
      %lt3A_527 = arith.constant 0 : i32
      %lt3A_528 = arith.cmpi slt, %rem3A_524, %lt3A_527 : i32
      %lt3A_529 = arith.constant 0 : i32
      %lt3A_530 = arith.cmpi slt, %select_n3A_523, %lt3A_529 : i32
      %ne3A_531 = arith.xori %lt3A_528, %lt3A_530 : i1
      %and3A_532 = arith.andi %ne3A_531, %ne3A_526 : i1
      %add3A_533 = arith.addi %rem3A_524, %select_n3A_523 : i32
      %select_n3A_534 = arith.select %and3A_532, %add3A_533, %rem3A_524 : i32
      %mul3A_535 = arith.constant 16 : i32
      %mul3A_536 = arith.muli %select_n3A_534, %mul3A_535 : i32
      %get3A_537 = arith.index_cast %select_n3A_518 : i32 to index
      %get3A_538 = arith.index_cast %mul3A_536 : i32 to index
      %get3A_539 = tpu.vector_load %arg10[%get3A_537, %get3A_538] {strides = array<i32>} : memref<16x1024xf32, #tpu.memory_space<vmem>>, vector<1x16xf32>,
      %get3A_540 = vector.shape_cast %get3A_539 : vector<1x16xf32> to vector<16xf32>
      %get3A_541 = arith.index_cast %select_n3A_518 : i32 to index
      %get3A_542 = arith.index_cast %mul3A_536 : i32 to index
      %get3A_543 = tpu.vector_load %arg11[%get3A_541, %get3A_542] {strides = array<i32>} : memref<16x1024xf32, #tpu.memory_space<vmem>>, vector<1x16xf32>,
      %get3A_544 = vector.shape_cast %get3A_543 : vector<1x16xf32> to vector<16xf32>
      %add3A_545 = arith.addf %get3A_540, %get3A_544 : vector<16xf32>
      %swap3A_546 = arith.index_cast %select_n3A_518 : i32 to index
      %swap3A_547 = arith.index_cast %mul3A_536 : i32 to index
      %swap3A_548 = tpu.vector_load %arg10[%swap3A_546, %swap3A_547] {strides = array<i32>} : memref<16x1024xf32, #tpu.memory_space<vmem>>, vector<1x16xf32>,
      %swap3A_549 = vector.shape_cast %swap3A_548 : vector<1x16xf32> to vector<16xf32>
      %swap3A_550 = vector.shape_cast %add3A_545 : vector<16xf32> to vector<1x16xf32>
      tpu.vector_store %arg10[%swap3A_546, %swap3A_547], %swap3A_550 {strides = array<i32>} : memref<16x1024xf32, #tpu.memory_space<vmem>>, vector<1x16xf32>,
      %scan3A_551 = arith.constant 7 : i32
      %scan3A_552 = arith.addi %scan3A_158, %scan3A_551 : i32
      %jit3A_553 = arith.constant 64 : i32
      %div3A_554 = arith.divsi %scan3A_552, %jit3A_553 : i32
      %sign3A_555 = arith.constant 0 : i32
      %sign3A_556 = arith.cmpi sgt, %scan3A_552, %sign3A_555 : i32
      %sign3A_557 = arith.extui %sign3A_556 : i1 to i32
      %sign3A_558 = arith.constant 0 : i32
      %sign3A_559 = arith.cmpi slt, %scan3A_552, %sign3A_558 : i32
      %sign3A_560 = arith.extui %sign3A_559 : i1 to i32
      %sign3A_561 = arith.subi %sign3A_557, %sign3A_560 : i32
      %sign3A_562 = arith.constant 0 : i32
      %sign3A_563 = arith.cmpi sgt, %jit3A_553, %sign3A_562 : i32
      %sign3A_564 = arith.extui %sign3A_563 : i1 to i32
      %sign3A_565 = arith.constant 0 : i32
      %sign3A_566 = arith.cmpi slt, %jit3A_553, %sign3A_565 : i32
      %sign3A_567 = arith.extui %sign3A_566 : i1 to i32
      %sign3A_568 = arith.subi %sign3A_564, %sign3A_567 : i32
      %ne3A_569 = arith.cmpi ne, %sign3A_561, %sign3A_568 : i32
      %rem3A_570 = arith.remsi %scan3A_552, %jit3A_553 : i32
      %ne3A_571 = arith.constant 0 : i32
      %ne3A_572 = arith.cmpi ne, %rem3A_570, %ne3A_571 : i32
      %and3A_573 = arith.andi %ne3A_569, %ne3A_572 : i1
      %sub3A_574 = arith.constant 1 : i32
      %sub3A_575 = arith.subi %div3A_554, %sub3A_574 : i32
      %select_n3A_576 = arith.select %and3A_573, %sub3A_575, %div3A_554 : i32
      %jit3A_577 = arith.constant 64 : i32
      %eq3A_578 = arith.constant 0 : i32
      %eq3A_579 = arith.cmpi eq, %jit3A_577, %eq3A_578 : i32
      %jit3A_580 = arith.constant 1 : i32
      %select_n3A_581 = arith.select %eq3A_579, %jit3A_580, %jit3A_577 : i32
      %rem3A_582 = arith.remsi %scan3A_552, %select_n3A_581 : i32
      %ne3A_583 = arith.constant 0 : i32
      %ne3A_584 = arith.cmpi ne, %rem3A_582, %ne3A_583 : i32
      %lt3A_585 = arith.constant 0 : i32
      %lt3A_586 = arith.cmpi slt, %rem3A_582, %lt3A_585 : i32
      %lt3A_587 = arith.constant 0 : i32
      %lt3A_588 = arith.cmpi slt, %select_n3A_581, %lt3A_587 : i32
      %ne3A_589 = arith.xori %lt3A_586, %lt3A_588 : i1
      %and3A_590 = arith.andi %ne3A_589, %ne3A_584 : i1
      %add3A_591 = arith.addi %rem3A_582, %select_n3A_581 : i32
      %select_n3A_592 = arith.select %and3A_590, %add3A_591, %rem3A_582 : i32
      %mul3A_593 = arith.constant 16 : i32
      %mul3A_594 = arith.muli %select_n3A_592, %mul3A_593 : i32
      %get3A_595 = arith.index_cast %select_n3A_576 : i32 to index
      %get3A_596 = arith.index_cast %mul3A_594 : i32 to index
      %get3A_597 = tpu.vector_load %arg10[%get3A_595, %get3A_596] {strides = array<i32>} : memref<16x1024xf32, #tpu.memory_space<vmem>>, vector<1x16xf32>,
      %get3A_598 = vector.shape_cast %get3A_597 : vector<1x16xf32> to vector<16xf32>
      %get3A_599 = arith.index_cast %select_n3A_576 : i32 to index
      %get3A_600 = arith.index_cast %mul3A_594 : i32 to index
      %get3A_601 = tpu.vector_load %arg11[%get3A_599, %get3A_600] {strides = array<i32>} : memref<16x1024xf32, #tpu.memory_space<vmem>>, vector<1x16xf32>,
      %get3A_602 = vector.shape_cast %get3A_601 : vector<1x16xf32> to vector<16xf32>
      %add3A_603 = arith.addf %get3A_598, %get3A_602 : vector<16xf32>
      %swap3A_604 = arith.index_cast %select_n3A_576 : i32 to index
      %swap3A_605 = arith.index_cast %mul3A_594 : i32 to index
      %swap3A_606 = tpu.vector_load %arg10[%swap3A_604, %swap3A_605] {strides = array<i32>} : memref<16x1024xf32, #tpu.memory_space<vmem>>, vector<1x16xf32>,
      %swap3A_607 = vector.shape_cast %swap3A_606 : vector<1x16xf32> to vector<16xf32>
      %swap3A_608 = vector.shape_cast %add3A_603 : vector<16xf32> to vector<1x16xf32>
      tpu.vector_store %arg10[%swap3A_604, %swap3A_605], %swap3A_608 {strides = array<i32>} : memref<16x1024xf32, #tpu.memory_space<vmem>>, vector<1x16xf32>,
    }
    %scan3A_109 = arith.constant 1024 : i32
    %mul3A_110 = arith.constant 64 : i32
    %mul3A_111 = arith.muli %add3A, %mul3A_110 : i32
    %add3A_112 = arith.constant 32 : i32
    %add3A_113 = arith.addi %mul3A_111, %add3A_112 : i32
    %dma_start3A_114 = arith.constant 0 : i32
    %dma_start3A_115 = arith.constant 0 : i32
    %dma_start3A_116 = tpu.memref_slice %arg5[%dma_start3A_114, %add3A_113, %dma_start3A_115] : memref<1x2048x1024xf32, #tpu.memory_space<hbm>> -> memref<1x16x1024xf32, #tpu.memory_space<hbm>>
    %dma_start3A_117 = tpu.memref_squeeze %dma_start3A_116 : memref<1x16x1024xf32, #tpu.memory_space<hbm>> -> memref<16x1024xf32, #tpu.memory_space<hbm>>
    %dma_start3A_118 = arith.constant 0 : i32
    %dma_start3A_119 = tpu.memref_slice %arg5[%dma_start3A_114, %add3A_113, %dma_start3A_118] : memref<1x2048x1024xf32, #tpu.memory_space<hbm>> -> memref<1x16x1024xf32, #tpu.memory_space<hbm>>
    %dma_start3A_120 = tpu.memref_squeeze %dma_start3A_119 : memref<1x16x1024xf32, #tpu.memory_space<hbm>> -> memref<16x1024xf32, #tpu.memory_space<hbm>>
    tpu.enqueue_dma source(%arg10 : memref<16x1024xf32, #tpu.memory_space<vmem>>) target(%dma_start3A_120 : memref<16x1024xf32, #tpu.memory_space<hbm>>) target_semaphore(%arg18 : memref<!tpu.dma_semaphore, #tpu.memory_space<semaphore_mem>>)
    %dma_wait3A_121 = arith.constant 0 : i32
    %dma_wait3A_122 = arith.constant 0 : i32
    %dma_wait3A_123 = tpu.memref_slice %arg4[%dma_wait3A_121, %dma_wait3A_122] : memref<12288x1024xf32, #tpu.memory_space<hbm>> -> memref<12288x1024xf32, #tpu.memory_space<hbm>>
    tpu.wait_indirect_dma semaphore(%arg16 : memref<!tpu.dma_semaphore, #tpu.memory_space<semaphore_mem>>) src(%dma_wait3A_123 : memref<12288x1024xf32, #tpu.memory_space<hbm>>) dst(%arg12 : memref<16x1024xf32, #tpu.memory_space<vmem>>)
    %dma_wait3A_124 = arith.constant 0 : i32
    %dma_wait3A_125 = arith.constant 0 : i32
    %dma_wait3A_126 = tpu.memref_slice %arg4[%dma_wait3A_124, %dma_wait3A_125] : memref<12288x1024xf32, #tpu.memory_space<hbm>> -> memref<12288x1024xf32, #tpu.memory_space<hbm>>
    tpu.wait_indirect_dma semaphore(%arg17 : memref<!tpu.dma_semaphore, #tpu.memory_space<semaphore_mem>>) src(%dma_wait3A_126 : memref<12288x1024xf32, #tpu.memory_space<hbm>>) dst(%arg13 : memref<16x1024xf32, #tpu.memory_space<vmem>>)
    %scan3A_127 = arith.constant 0 : i32
    %scan3A_128 = arith.constant 0 : i32
    %scan3A_129 = arith.constant 1024 : i32
    %scan3A_130 = arith.addi %scan3A_128, %scan3A_129 : i32
    %scan3A_131 = arith.constant 8 : i32
    scf.for %scan3A_158 = %scan3A_128 to %scan3A_130 step %scan3A_131  : i32 {
      %jit3A = arith.constant 64 : i32
      %div3A = arith.divsi %scan3A_158, %jit3A : i32
      %sign3A = arith.constant 0 : i32
      %sign3A_159 = arith.cmpi sgt, %scan3A_158, %sign3A : i32
      %sign3A_160 = arith.extui %sign3A_159 : i1 to i32
      %sign3A_161 = arith.constant 0 : i32
      %sign3A_162 = arith.cmpi slt, %scan3A_158, %sign3A_161 : i32
      %sign3A_163 = arith.extui %sign3A_162 : i1 to i32
      %sign3A_164 = arith.subi %sign3A_160, %sign3A_163 : i32
      %sign3A_165 = arith.constant 0 : i32
      %sign3A_166 = arith.cmpi sgt, %jit3A, %sign3A_165 : i32
      %sign3A_167 = arith.extui %sign3A_166 : i1 to i32
      %sign3A_168 = arith.constant 0 : i32
      %sign3A_169 = arith.cmpi slt, %jit3A, %sign3A_168 : i32
      %sign3A_170 = arith.extui %sign3A_169 : i1 to i32
      %sign3A_171 = arith.subi %sign3A_167, %sign3A_170 : i32
      %ne3A = arith.cmpi ne, %sign3A_164, %sign3A_171 : i32
      %rem3A = arith.remsi %scan3A_158, %jit3A : i32
      %ne3A_172 = arith.constant 0 : i32
      %ne3A_173 = arith.cmpi ne, %rem3A, %ne3A_172 : i32
      %and3A = arith.andi %ne3A, %ne3A_173 : i1
      %sub3A = arith.constant 1 : i32
      %sub3A_174 = arith.subi %div3A, %sub3A : i32
      %select_n3A = arith.select %and3A, %sub3A_174, %div3A : i32
      %jit3A_175 = arith.constant 64 : i32
      %eq3A = arith.constant 0 : i32
      %eq3A_176 = arith.cmpi eq, %jit3A_175, %eq3A : i32
      %jit3A_177 = arith.constant 1 : i32
      %select_n3A_178 = arith.select %eq3A_176, %jit3A_177, %jit3A_175 : i32
      %rem3A_179 = arith.remsi %scan3A_158, %select_n3A_178 : i32
      %ne3A_180 = arith.constant 0 : i32
      %ne3A_181 = arith.cmpi ne, %rem3A_179, %ne3A_180 : i32
      %lt3A = arith.constant 0 : i32
      %lt3A_182 = arith.cmpi slt, %rem3A_179, %lt3A : i32
      %lt3A_183 = arith.constant 0 : i32
      %lt3A_184 = arith.cmpi slt, %select_n3A_178, %lt3A_183 : i32
      %ne3A_185 = arith.xori %lt3A_182, %lt3A_184 : i1
      %and3A_186 = arith.andi %ne3A_185, %ne3A_181 : i1
      %add3A_187 = arith.addi %rem3A_179, %select_n3A_178 : i32
      %select_n3A_188 = arith.select %and3A_186, %add3A_187, %rem3A_179 : i32
      %mul3A_189 = arith.constant 16 : i32
      %mul3A_190 = arith.muli %select_n3A_188, %mul3A_189 : i32
      %get3A = arith.index_cast %select_n3A : i32 to index
      %get3A_191 = arith.index_cast %mul3A_190 : i32 to index
      %get3A_192 = tpu.vector_load %arg12[%get3A, %get3A_191] {strides = array<i32>} : memref<16x1024xf32, #tpu.memory_space<vmem>>, vector<1x16xf32>,
      %get3A_193 = vector.shape_cast %get3A_192 : vector<1x16xf32> to vector<16xf32>
      %get3A_194 = arith.index_cast %select_n3A : i32 to index
      %get3A_195 = arith.index_cast %mul3A_190 : i32 to index
      %get3A_196 = tpu.vector_load %arg13[%get3A_194, %get3A_195] {strides = array<i32>} : memref<16x1024xf32, #tpu.memory_space<vmem>>, vector<1x16xf32>,
      %get3A_197 = vector.shape_cast %get3A_196 : vector<1x16xf32> to vector<16xf32>
      %add3A_198 = arith.addf %get3A_193, %get3A_197 : vector<16xf32>
      %swap3A = arith.index_cast %select_n3A : i32 to index
      %swap3A_199 = arith.index_cast %mul3A_190 : i32 to index
      %swap3A_200 = tpu.vector_load %arg12[%swap3A, %swap3A_199] {strides = array<i32>} : memref<16x1024xf32, #tpu.memory_space<vmem>>, vector<1x16xf32>,
      %swap3A_201 = vector.shape_cast %swap3A_200 : vector<1x16xf32> to vector<16xf32>
      %swap3A_202 = vector.shape_cast %add3A_198 : vector<16xf32> to vector<1x16xf32>
      tpu.vector_store %arg12[%swap3A, %swap3A_199], %swap3A_202 {strides = array<i32>} : memref<16x1024xf32, #tpu.memory_space<vmem>>, vector<1x16xf32>,
      %scan3A_203 = arith.constant 1 : i32
      %scan3A_204 = arith.addi %scan3A_158, %scan3A_203 : i32
      %jit3A_205 = arith.constant 64 : i32
      %div3A_206 = arith.divsi %scan3A_204, %jit3A_205 : i32
      %sign3A_207 = arith.constant 0 : i32
      %sign3A_208 = arith.cmpi sgt, %scan3A_204, %sign3A_207 : i32
      %sign3A_209 = arith.extui %sign3A_208 : i1 to i32
      %sign3A_210 = arith.constant 0 : i32
      %sign3A_211 = arith.cmpi slt, %scan3A_204, %sign3A_210 : i32
      %sign3A_212 = arith.extui %sign3A_211 : i1 to i32
      %sign3A_213 = arith.subi %sign3A_209, %sign3A_212 : i32
      %sign3A_214 = arith.constant 0 : i32
      %sign3A_215 = arith.cmpi sgt, %jit3A_205, %sign3A_214 : i32
      %sign3A_216 = arith.extui %sign3A_215 : i1 to i32
      %sign3A_217 = arith.constant 0 : i32
      %sign3A_218 = arith.cmpi slt, %jit3A_205, %sign3A_217 : i32
      %sign3A_219 = arith.extui %sign3A_218 : i1 to i32
      %sign3A_220 = arith.subi %sign3A_216, %sign3A_219 : i32
      %ne3A_221 = arith.cmpi ne, %sign3A_213, %sign3A_220 : i32
      %rem3A_222 = arith.remsi %scan3A_204, %jit3A_205 : i32
      %ne3A_223 = arith.constant 0 : i32
      %ne3A_224 = arith.cmpi ne, %rem3A_222, %ne3A_223 : i32
      %and3A_225 = arith.andi %ne3A_221, %ne3A_224 : i1
      %sub3A_226 = arith.constant 1 : i32
      %sub3A_227 = arith.subi %div3A_206, %sub3A_226 : i32
      %select_n3A_228 = arith.select %and3A_225, %sub3A_227, %div3A_206 : i32
      %jit3A_229 = arith.constant 64 : i32
      %eq3A_230 = arith.constant 0 : i32
      %eq3A_231 = arith.cmpi eq, %jit3A_229, %eq3A_230 : i32
      %jit3A_232 = arith.constant 1 : i32
      %select_n3A_233 = arith.select %eq3A_231, %jit3A_232, %jit3A_229 : i32
      %rem3A_234 = arith.remsi %scan3A_204, %select_n3A_233 : i32
      %ne3A_235 = arith.constant 0 : i32
      %ne3A_236 = arith.cmpi ne, %rem3A_234, %ne3A_235 : i32
      %lt3A_237 = arith.constant 0 : i32
      %lt3A_238 = arith.cmpi slt, %rem3A_234, %lt3A_237 : i32
      %lt3A_239 = arith.constant 0 : i32
      %lt3A_240 = arith.cmpi slt, %select_n3A_233, %lt3A_239 : i32
      %ne3A_241 = arith.xori %lt3A_238, %lt3A_240 : i1
      %and3A_242 = arith.andi %ne3A_241, %ne3A_236 : i1
      %add3A_243 = arith.addi %rem3A_234, %select_n3A_233 : i32
      %select_n3A_244 = arith.select %and3A_242, %add3A_243, %rem3A_234 : i32
      %mul3A_245 = arith.constant 16 : i32
      %mul3A_246 = arith.muli %select_n3A_244, %mul3A_245 : i32
      %get3A_247 = arith.index_cast %select_n3A_228 : i32 to index
      %get3A_248 = arith.index_cast %mul3A_246 : i32 to index
      %get3A_249 = tpu.vector_load %arg12[%get3A_247, %get3A_248] {strides = array<i32>} : memref<16x1024xf32, #tpu.memory_space<vmem>>, vector<1x16xf32>,
      %get3A_250 = vector.shape_cast %get3A_249 : vector<1x16xf32> to vector<16xf32>
      %get3A_251 = arith.index_cast %select_n3A_228 : i32 to index
      %get3A_252 = arith.index_cast %mul3A_246 : i32 to index
      %get3A_253 = tpu.vector_load %arg13[%get3A_251, %get3A_252] {strides = array<i32>} : memref<16x1024xf32, #tpu.memory_space<vmem>>, vector<1x16xf32>,
      %get3A_254 = vector.shape_cast %get3A_253 : vector<1x16xf32> to vector<16xf32>
      %add3A_255 = arith.addf %get3A_250, %get3A_254 : vector<16xf32>
      %swap3A_256 = arith.index_cast %select_n3A_228 : i32 to index
      %swap3A_257 = arith.index_cast %mul3A_246 : i32 to index
      %swap3A_258 = tpu.vector_load %arg12[%swap3A_256, %swap3A_257] {strides = array<i32>} : memref<16x1024xf32, #tpu.memory_space<vmem>>, vector<1x16xf32>,
      %swap3A_259 = vector.shape_cast %swap3A_258 : vector<1x16xf32> to vector<16xf32>
      %swap3A_260 = vector.shape_cast %add3A_255 : vector<16xf32> to vector<1x16xf32>
      tpu.vector_store %arg12[%swap3A_256, %swap3A_257], %swap3A_260 {strides = array<i32>} : memref<16x1024xf32, #tpu.memory_space<vmem>>, vector<1x16xf32>,
      %scan3A_261 = arith.constant 2 : i32
      %scan3A_262 = arith.addi %scan3A_158, %scan3A_261 : i32
      %jit3A_263 = arith.constant 64 : i32
      %div3A_264 = arith.divsi %scan3A_262, %jit3A_263 : i32
      %sign3A_265 = arith.constant 0 : i32
      %sign3A_266 = arith.cmpi sgt, %scan3A_262, %sign3A_265 : i32
      %sign3A_267 = arith.extui %sign3A_266 : i1 to i32
      %sign3A_268 = arith.constant 0 : i32
      %sign3A_269 = arith.cmpi slt, %scan3A_262, %sign3A_268 : i32
      %sign3A_270 = arith.extui %sign3A_269 : i1 to i32
      %sign3A_271 = arith.subi %sign3A_267, %sign3A_270 : i32
      %sign3A_272 = arith.constant 0 : i32
      %sign3A_273 = arith.cmpi sgt, %jit3A_263, %sign3A_272 : i32
      %sign3A_274 = arith.extui %sign3A_273 : i1 to i32
      %sign3A_275 = arith.constant 0 : i32
      %sign3A_276 = arith.cmpi slt, %jit3A_263, %sign3A_275 : i32
      %sign3A_277 = arith.extui %sign3A_276 : i1 to i32
      %sign3A_278 = arith.subi %sign3A_274, %sign3A_277 : i32
      %ne3A_279 = arith.cmpi ne, %sign3A_271, %sign3A_278 : i32
      %rem3A_280 = arith.remsi %scan3A_262, %jit3A_263 : i32
      %ne3A_281 = arith.constant 0 : i32
      %ne3A_282 = arith.cmpi ne, %rem3A_280, %ne3A_281 : i32
      %and3A_283 = arith.andi %ne3A_279, %ne3A_282 : i1
      %sub3A_284 = arith.constant 1 : i32
      %sub3A_285 = arith.subi %div3A_264, %sub3A_284 : i32
      %select_n3A_286 = arith.select %and3A_283, %sub3A_285, %div3A_264 : i32
      %jit3A_287 = arith.constant 64 : i32
      %eq3A_288 = arith.constant 0 : i32
      %eq3A_289 = arith.cmpi eq, %jit3A_287, %eq3A_288 : i32
      %jit3A_290 = arith.constant 1 : i32
      %select_n3A_291 = arith.select %eq3A_289, %jit3A_290, %jit3A_287 : i32
      %rem3A_292 = arith.remsi %scan3A_262, %select_n3A_291 : i32
      %ne3A_293 = arith.constant 0 : i32
      %ne3A_294 = arith.cmpi ne, %rem3A_292, %ne3A_293 : i32
      %lt3A_295 = arith.constant 0 : i32
      %lt3A_296 = arith.cmpi slt, %rem3A_292, %lt3A_295 : i32
      %lt3A_297 = arith.constant 0 : i32
      %lt3A_298 = arith.cmpi slt, %select_n3A_291, %lt3A_297 : i32
      %ne3A_299 = arith.xori %lt3A_296, %lt3A_298 : i1
      %and3A_300 = arith.andi %ne3A_299, %ne3A_294 : i1
      %add3A_301 = arith.addi %rem3A_292, %select_n3A_291 : i32
      %select_n3A_302 = arith.select %and3A_300, %add3A_301, %rem3A_292 : i32
      %mul3A_303 = arith.constant 16 : i32
      %mul3A_304 = arith.muli %select_n3A_302, %mul3A_303 : i32
      %get3A_305 = arith.index_cast %select_n3A_286 : i32 to index
      %get3A_306 = arith.index_cast %mul3A_304 : i32 to index
      %get3A_307 = tpu.vector_load %arg12[%get3A_305, %get3A_306] {strides = array<i32>} : memref<16x1024xf32, #tpu.memory_space<vmem>>, vector<1x16xf32>,
      %get3A_308 = vector.shape_cast %get3A_307 : vector<1x16xf32> to vector<16xf32>
      %get3A_309 = arith.index_cast %select_n3A_286 : i32 to index
      %get3A_310 = arith.index_cast %mul3A_304 : i32 to index
      %get3A_311 = tpu.vector_load %arg13[%get3A_309, %get3A_310] {strides = array<i32>} : memref<16x1024xf32, #tpu.memory_space<vmem>>, vector<1x16xf32>,
      %get3A_312 = vector.shape_cast %get3A_311 : vector<1x16xf32> to vector<16xf32>
      %add3A_313 = arith.addf %get3A_308, %get3A_312 : vector<16xf32>
      %swap3A_314 = arith.index_cast %select_n3A_286 : i32 to index
      %swap3A_315 = arith.index_cast %mul3A_304 : i32 to index
      %swap3A_316 = tpu.vector_load %arg12[%swap3A_314, %swap3A_315] {strides = array<i32>} : memref<16x1024xf32, #tpu.memory_space<vmem>>, vector<1x16xf32>,
      %swap3A_317 = vector.shape_cast %swap3A_316 : vector<1x16xf32> to vector<16xf32>
      %swap3A_318 = vector.shape_cast %add3A_313 : vector<16xf32> to vector<1x16xf32>
      tpu.vector_store %arg12[%swap3A_314, %swap3A_315], %swap3A_318 {strides = array<i32>} : memref<16x1024xf32, #tpu.memory_space<vmem>>, vector<1x16xf32>,
      %scan3A_319 = arith.constant 3 : i32
      %scan3A_320 = arith.addi %scan3A_158, %scan3A_319 : i32
      %jit3A_321 = arith.constant 64 : i32
      %div3A_322 = arith.divsi %scan3A_320, %jit3A_321 : i32
      %sign3A_323 = arith.constant 0 : i32
      %sign3A_324 = arith.cmpi sgt, %scan3A_320, %sign3A_323 : i32
      %sign3A_325 = arith.extui %sign3A_324 : i1 to i32
      %sign3A_326 = arith.constant 0 : i32
      %sign3A_327 = arith.cmpi slt, %scan3A_320, %sign3A_326 : i32
      %sign3A_328 = arith.extui %sign3A_327 : i1 to i32
      %sign3A_329 = arith.subi %sign3A_325, %sign3A_328 : i32
      %sign3A_330 = arith.constant 0 : i32
      %sign3A_331 = arith.cmpi sgt, %jit3A_321, %sign3A_330 : i32
      %sign3A_332 = arith.extui %sign3A_331 : i1 to i32
      %sign3A_333 = arith.constant 0 : i32
      %sign3A_334 = arith.cmpi slt, %jit3A_321, %sign3A_333 : i32
      %sign3A_335 = arith.extui %sign3A_334 : i1 to i32
      %sign3A_336 = arith.subi %sign3A_332, %sign3A_335 : i32
      %ne3A_337 = arith.cmpi ne, %sign3A_329, %sign3A_336 : i32
      %rem3A_338 = arith.remsi %scan3A_320, %jit3A_321 : i32
      %ne3A_339 = arith.constant 0 : i32
      %ne3A_340 = arith.cmpi ne, %rem3A_338, %ne3A_339 : i32
      %and3A_341 = arith.andi %ne3A_337, %ne3A_340 : i1
      %sub3A_342 = arith.constant 1 : i32
      %sub3A_343 = arith.subi %div3A_322, %sub3A_342 : i32
      %select_n3A_344 = arith.select %and3A_341, %sub3A_343, %div3A_322 : i32
      %jit3A_345 = arith.constant 64 : i32
      %eq3A_346 = arith.constant 0 : i32
      %eq3A_347 = arith.cmpi eq, %jit3A_345, %eq3A_346 : i32
      %jit3A_348 = arith.constant 1 : i32
      %select_n3A_349 = arith.select %eq3A_347, %jit3A_348, %jit3A_345 : i32
      %rem3A_350 = arith.remsi %scan3A_320, %select_n3A_349 : i32
      %ne3A_351 = arith.constant 0 : i32
      %ne3A_352 = arith.cmpi ne, %rem3A_350, %ne3A_351 : i32
      %lt3A_353 = arith.constant 0 : i32
      %lt3A_354 = arith.cmpi slt, %rem3A_350, %lt3A_353 : i32
      %lt3A_355 = arith.constant 0 : i32
      %lt3A_356 = arith.cmpi slt, %select_n3A_349, %lt3A_355 : i32
      %ne3A_357 = arith.xori %lt3A_354, %lt3A_356 : i1
      %and3A_358 = arith.andi %ne3A_357, %ne3A_352 : i1
      %add3A_359 = arith.addi %rem3A_350, %select_n3A_349 : i32
      %select_n3A_360 = arith.select %and3A_358, %add3A_359, %rem3A_350 : i32
      %mul3A_361 = arith.constant 16 : i32
      %mul3A_362 = arith.muli %select_n3A_360, %mul3A_361 : i32
      %get3A_363 = arith.index_cast %select_n3A_344 : i32 to index
      %get3A_364 = arith.index_cast %mul3A_362 : i32 to index
      %get3A_365 = tpu.vector_load %arg12[%get3A_363, %get3A_364] {strides = array<i32>} : memref<16x1024xf32, #tpu.memory_space<vmem>>, vector<1x16xf32>,
      %get3A_366 = vector.shape_cast %get3A_365 : vector<1x16xf32> to vector<16xf32>
      %get3A_367 = arith.index_cast %select_n3A_344 : i32 to index
      %get3A_368 = arith.index_cast %mul3A_362 : i32 to index
      %get3A_369 = tpu.vector_load %arg13[%get3A_367, %get3A_368] {strides = array<i32>} : memref<16x1024xf32, #tpu.memory_space<vmem>>, vector<1x16xf32>,
      %get3A_370 = vector.shape_cast %get3A_369 : vector<1x16xf32> to vector<16xf32>
      %add3A_371 = arith.addf %get3A_366, %get3A_370 : vector<16xf32>
      %swap3A_372 = arith.index_cast %select_n3A_344 : i32 to index
      %swap3A_373 = arith.index_cast %mul3A_362 : i32 to index
      %swap3A_374 = tpu.vector_load %arg12[%swap3A_372, %swap3A_373] {strides = array<i32>} : memref<16x1024xf32, #tpu.memory_space<vmem>>, vector<1x16xf32>,
      %swap3A_375 = vector.shape_cast %swap3A_374 : vector<1x16xf32> to vector<16xf32>
      %swap3A_376 = vector.shape_cast %add3A_371 : vector<16xf32> to vector<1x16xf32>
      tpu.vector_store %arg12[%swap3A_372, %swap3A_373], %swap3A_376 {strides = array<i32>} : memref<16x1024xf32, #tpu.memory_space<vmem>>, vector<1x16xf32>,
      %scan3A_377 = arith.constant 4 : i32
      %scan3A_378 = arith.addi %scan3A_158, %scan3A_377 : i32
      %jit3A_379 = arith.constant 64 : i32
      %div3A_380 = arith.divsi %scan3A_378, %jit3A_379 : i32
      %sign3A_381 = arith.constant 0 : i32
      %sign3A_382 = arith.cmpi sgt, %scan3A_378, %sign3A_381 : i32
      %sign3A_383 = arith.extui %sign3A_382 : i1 to i32
      %sign3A_384 = arith.constant 0 : i32
      %sign3A_385 = arith.cmpi slt, %scan3A_378, %sign3A_384 : i32
      %sign3A_386 = arith.extui %sign3A_385 : i1 to i32
      %sign3A_387 = arith.subi %sign3A_383, %sign3A_386 : i32
      %sign3A_388 = arith.constant 0 : i32
      %sign3A_389 = arith.cmpi sgt, %jit3A_379, %sign3A_388 : i32
      %sign3A_390 = arith.extui %sign3A_389 : i1 to i32
      %sign3A_391 = arith.constant 0 : i32
      %sign3A_392 = arith.cmpi slt, %jit3A_379, %sign3A_391 : i32
      %sign3A_393 = arith.extui %sign3A_392 : i1 to i32
      %sign3A_394 = arith.subi %sign3A_390, %sign3A_393 : i32
      %ne3A_395 = arith.cmpi ne, %sign3A_387, %sign3A_394 : i32
      %rem3A_396 = arith.remsi %scan3A_378, %jit3A_379 : i32
      %ne3A_397 = arith.constant 0 : i32
      %ne3A_398 = arith.cmpi ne, %rem3A_396, %ne3A_397 : i32
      %and3A_399 = arith.andi %ne3A_395, %ne3A_398 : i1
      %sub3A_400 = arith.constant 1 : i32
      %sub3A_401 = arith.subi %div3A_380, %sub3A_400 : i32
      %select_n3A_402 = arith.select %and3A_399, %sub3A_401, %div3A_380 : i32
      %jit3A_403 = arith.constant 64 : i32
      %eq3A_404 = arith.constant 0 : i32
      %eq3A_405 = arith.cmpi eq, %jit3A_403, %eq3A_404 : i32
      %jit3A_406 = arith.constant 1 : i32
      %select_n3A_407 = arith.select %eq3A_405, %jit3A_406, %jit3A_403 : i32
      %rem3A_408 = arith.remsi %scan3A_378, %select_n3A_407 : i32
      %ne3A_409 = arith.constant 0 : i32
      %ne3A_410 = arith.cmpi ne, %rem3A_408, %ne3A_409 : i32
      %lt3A_411 = arith.constant 0 : i32
      %lt3A_412 = arith.cmpi slt, %rem3A_408, %lt3A_411 : i32
      %lt3A_413 = arith.constant 0 : i32
      %lt3A_414 = arith.cmpi slt, %select_n3A_407, %lt3A_413 : i32
      %ne3A_415 = arith.xori %lt3A_412, %lt3A_414 : i1
      %and3A_416 = arith.andi %ne3A_415, %ne3A_410 : i1
      %add3A_417 = arith.addi %rem3A_408, %select_n3A_407 : i32
      %select_n3A_418 = arith.select %and3A_416, %add3A_417, %rem3A_408 : i32
      %mul3A_419 = arith.constant 16 : i32
      %mul3A_420 = arith.muli %select_n3A_418, %mul3A_419 : i32
      %get3A_421 = arith.index_cast %select_n3A_402 : i32 to index
      %get3A_422 = arith.index_cast %mul3A_420 : i32 to index
      %get3A_423 = tpu.vector_load %arg12[%get3A_421, %get3A_422] {strides = array<i32>} : memref<16x1024xf32, #tpu.memory_space<vmem>>, vector<1x16xf32>,
      %get3A_424 = vector.shape_cast %get3A_423 : vector<1x16xf32> to vector<16xf32>
      %get3A_425 = arith.index_cast %select_n3A_402 : i32 to index
      %get3A_426 = arith.index_cast %mul3A_420 : i32 to index
      %get3A_427 = tpu.vector_load %arg13[%get3A_425, %get3A_426] {strides = array<i32>} : memref<16x1024xf32, #tpu.memory_space<vmem>>, vector<1x16xf32>,
      %get3A_428 = vector.shape_cast %get3A_427 : vector<1x16xf32> to vector<16xf32>
      %add3A_429 = arith.addf %get3A_424, %get3A_428 : vector<16xf32>
      %swap3A_430 = arith.index_cast %select_n3A_402 : i32 to index
      %swap3A_431 = arith.index_cast %mul3A_420 : i32 to index
      %swap3A_432 = tpu.vector_load %arg12[%swap3A_430, %swap3A_431] {strides = array<i32>} : memref<16x1024xf32, #tpu.memory_space<vmem>>, vector<1x16xf32>,
      %swap3A_433 = vector.shape_cast %swap3A_432 : vector<1x16xf32> to vector<16xf32>
      %swap3A_434 = vector.shape_cast %add3A_429 : vector<16xf32> to vector<1x16xf32>
      tpu.vector_store %arg12[%swap3A_430, %swap3A_431], %swap3A_434 {strides = array<i32>} : memref<16x1024xf32, #tpu.memory_space<vmem>>, vector<1x16xf32>,
      %scan3A_435 = arith.constant 5 : i32
      %scan3A_436 = arith.addi %scan3A_158, %scan3A_435 : i32
      %jit3A_437 = arith.constant 64 : i32
      %div3A_438 = arith.divsi %scan3A_436, %jit3A_437 : i32
      %sign3A_439 = arith.constant 0 : i32
      %sign3A_440 = arith.cmpi sgt, %scan3A_436, %sign3A_439 : i32
      %sign3A_441 = arith.extui %sign3A_440 : i1 to i32
      %sign3A_442 = arith.constant 0 : i32
      %sign3A_443 = arith.cmpi slt, %scan3A_436, %sign3A_442 : i32
      %sign3A_444 = arith.extui %sign3A_443 : i1 to i32
      %sign3A_445 = arith.subi %sign3A_441, %sign3A_444 : i32
      %sign3A_446 = arith.constant 0 : i32
      %sign3A_447 = arith.cmpi sgt, %jit3A_437, %sign3A_446 : i32
      %sign3A_448 = arith.extui %sign3A_447 : i1 to i32
      %sign3A_449 = arith.constant 0 : i32
      %sign3A_450 = arith.cmpi slt, %jit3A_437, %sign3A_449 : i32
      %sign3A_451 = arith.extui %sign3A_450 : i1 to i32
      %sign3A_452 = arith.subi %sign3A_448, %sign3A_451 : i32
      %ne3A_453 = arith.cmpi ne, %sign3A_445, %sign3A_452 : i32
      %rem3A_454 = arith.remsi %scan3A_436, %jit3A_437 : i32
      %ne3A_455 = arith.constant 0 : i32
      %ne3A_456 = arith.cmpi ne, %rem3A_454, %ne3A_455 : i32
      %and3A_457 = arith.andi %ne3A_453, %ne3A_456 : i1
      %sub3A_458 = arith.constant 1 : i32
      %sub3A_459 = arith.subi %div3A_438, %sub3A_458 : i32
      %select_n3A_460 = arith.select %and3A_457, %sub3A_459, %div3A_438 : i32
      %jit3A_461 = arith.constant 64 : i32
      %eq3A_462 = arith.constant 0 : i32
      %eq3A_463 = arith.cmpi eq, %jit3A_461, %eq3A_462 : i32
      %jit3A_464 = arith.constant 1 : i32
      %select_n3A_465 = arith.select %eq3A_463, %jit3A_464, %jit3A_461 : i32
      %rem3A_466 = arith.remsi %scan3A_436, %select_n3A_465 : i32
      %ne3A_467 = arith.constant 0 : i32
      %ne3A_468 = arith.cmpi ne, %rem3A_466, %ne3A_467 : i32
      %lt3A_469 = arith.constant 0 : i32
      %lt3A_470 = arith.cmpi slt, %rem3A_466, %lt3A_469 : i32
      %lt3A_471 = arith.constant 0 : i32
      %lt3A_472 = arith.cmpi slt, %select_n3A_465, %lt3A_471 : i32
      %ne3A_473 = arith.xori %lt3A_470, %lt3A_472 : i1
      %and3A_474 = arith.andi %ne3A_473, %ne3A_468 : i1
      %add3A_475 = arith.addi %rem3A_466, %select_n3A_465 : i32
      %select_n3A_476 = arith.select %and3A_474, %add3A_475, %rem3A_466 : i32
      %mul3A_477 = arith.constant 16 : i32
      %mul3A_478 = arith.muli %select_n3A_476, %mul3A_477 : i32
      %get3A_479 = arith.index_cast %select_n3A_460 : i32 to index
      %get3A_480 = arith.index_cast %mul3A_478 : i32 to index
      %get3A_481 = tpu.vector_load %arg12[%get3A_479, %get3A_480] {strides = array<i32>} : memref<16x1024xf32, #tpu.memory_space<vmem>>, vector<1x16xf32>,
      %get3A_482 = vector.shape_cast %get3A_481 : vector<1x16xf32> to vector<16xf32>
      %get3A_483 = arith.index_cast %select_n3A_460 : i32 to index
      %get3A_484 = arith.index_cast %mul3A_478 : i32 to index
      %get3A_485 = tpu.vector_load %arg13[%get3A_483, %get3A_484] {strides = array<i32>} : memref<16x1024xf32, #tpu.memory_space<vmem>>, vector<1x16xf32>,
      %get3A_486 = vector.shape_cast %get3A_485 : vector<1x16xf32> to vector<16xf32>
      %add3A_487 = arith.addf %get3A_482, %get3A_486 : vector<16xf32>
      %swap3A_488 = arith.index_cast %select_n3A_460 : i32 to index
      %swap3A_489 = arith.index_cast %mul3A_478 : i32 to index
      %swap3A_490 = tpu.vector_load %arg12[%swap3A_488, %swap3A_489] {strides = array<i32>} : memref<16x1024xf32, #tpu.memory_space<vmem>>, vector<1x16xf32>,
      %swap3A_491 = vector.shape_cast %swap3A_490 : vector<1x16xf32> to vector<16xf32>
      %swap3A_492 = vector.shape_cast %add3A_487 : vector<16xf32> to vector<1x16xf32>
      tpu.vector_store %arg12[%swap3A_488, %swap3A_489], %swap3A_492 {strides = array<i32>} : memref<16x1024xf32, #tpu.memory_space<vmem>>, vector<1x16xf32>,
      %scan3A_493 = arith.constant 6 : i32
      %scan3A_494 = arith.addi %scan3A_158, %scan3A_493 : i32
      %jit3A_495 = arith.constant 64 : i32
      %div3A_496 = arith.divsi %scan3A_494, %jit3A_495 : i32
      %sign3A_497 = arith.constant 0 : i32
      %sign3A_498 = arith.cmpi sgt, %scan3A_494, %sign3A_497 : i32
      %sign3A_499 = arith.extui %sign3A_498 : i1 to i32
      %sign3A_500 = arith.constant 0 : i32
      %sign3A_501 = arith.cmpi slt, %scan3A_494, %sign3A_500 : i32
      %sign3A_502 = arith.extui %sign3A_501 : i1 to i32
      %sign3A_503 = arith.subi %sign3A_499, %sign3A_502 : i32
      %sign3A_504 = arith.constant 0 : i32
      %sign3A_505 = arith.cmpi sgt, %jit3A_495, %sign3A_504 : i32
      %sign3A_506 = arith.extui %sign3A_505 : i1 to i32
      %sign3A_507 = arith.constant 0 : i32
      %sign3A_508 = arith.cmpi slt, %jit3A_495, %sign3A_507 : i32
      %sign3A_509 = arith.extui %sign3A_508 : i1 to i32
      %sign3A_510 = arith.subi %sign3A_506, %sign3A_509 : i32
      %ne3A_511 = arith.cmpi ne, %sign3A_503, %sign3A_510 : i32
      %rem3A_512 = arith.remsi %scan3A_494, %jit3A_495 : i32
      %ne3A_513 = arith.constant 0 : i32
      %ne3A_514 = arith.cmpi ne, %rem3A_512, %ne3A_513 : i32
      %and3A_515 = arith.andi %ne3A_511, %ne3A_514 : i1
      %sub3A_516 = arith.constant 1 : i32
      %sub3A_517 = arith.subi %div3A_496, %sub3A_516 : i32
      %select_n3A_518 = arith.select %and3A_515, %sub3A_517, %div3A_496 : i32
      %jit3A_519 = arith.constant 64 : i32
      %eq3A_520 = arith.constant 0 : i32
      %eq3A_521 = arith.cmpi eq, %jit3A_519, %eq3A_520 : i32
      %jit3A_522 = arith.constant 1 : i32
      %select_n3A_523 = arith.select %eq3A_521, %jit3A_522, %jit3A_519 : i32
      %rem3A_524 = arith.remsi %scan3A_494, %select_n3A_523 : i32
      %ne3A_525 = arith.constant 0 : i32
      %ne3A_526 = arith.cmpi ne, %rem3A_524, %ne3A_525 : i32
      %lt3A_527 = arith.constant 0 : i32
      %lt3A_528 = arith.cmpi slt, %rem3A_524, %lt3A_527 : i32
      %lt3A_529 = arith.constant 0 : i32
      %lt3A_530 = arith.cmpi slt, %select_n3A_523, %lt3A_529 : i32
      %ne3A_531 = arith.xori %lt3A_528, %lt3A_530 : i1
      %and3A_532 = arith.andi %ne3A_531, %ne3A_526 : i1
      %add3A_533 = arith.addi %rem3A_524, %select_n3A_523 : i32
      %select_n3A_534 = arith.select %and3A_532, %add3A_533, %rem3A_524 : i32
      %mul3A_535 = arith.constant 16 : i32
      %mul3A_536 = arith.muli %select_n3A_534, %mul3A_535 : i32
      %get3A_537 = arith.index_cast %select_n3A_518 : i32 to index
      %get3A_538 = arith.index_cast %mul3A_536 : i32 to index
      %get3A_539 = tpu.vector_load %arg12[%get3A_537, %get3A_538] {strides = array<i32>} : memref<16x1024xf32, #tpu.memory_space<vmem>>, vector<1x16xf32>,
      %get3A_540 = vector.shape_cast %get3A_539 : vector<1x16xf32> to vector<16xf32>
      %get3A_541 = arith.index_cast %select_n3A_518 : i32 to index
      %get3A_542 = arith.index_cast %mul3A_536 : i32 to index
      %get3A_543 = tpu.vector_load %arg13[%get3A_541, %get3A_542] {strides = array<i32>} : memref<16x1024xf32, #tpu.memory_space<vmem>>, vector<1x16xf32>,
      %get3A_544 = vector.shape_cast %get3A_543 : vector<1x16xf32> to vector<16xf32>
      %add3A_545 = arith.addf %get3A_540, %get3A_544 : vector<16xf32>
      %swap3A_546 = arith.index_cast %select_n3A_518 : i32 to index
      %swap3A_547 = arith.index_cast %mul3A_536 : i32 to index
      %swap3A_548 = tpu.vector_load %arg12[%swap3A_546, %swap3A_547] {strides = array<i32>} : memref<16x1024xf32, #tpu.memory_space<vmem>>, vector<1x16xf32>,
      %swap3A_549 = vector.shape_cast %swap3A_548 : vector<1x16xf32> to vector<16xf32>
      %swap3A_550 = vector.shape_cast %add3A_545 : vector<16xf32> to vector<1x16xf32>
      tpu.vector_store %arg12[%swap3A_546, %swap3A_547], %swap3A_550 {strides = array<i32>} : memref<16x1024xf32, #tpu.memory_space<vmem>>, vector<1x16xf32>,
      %scan3A_551 = arith.constant 7 : i32
      %scan3A_552 = arith.addi %scan3A_158, %scan3A_551 : i32
      %jit3A_553 = arith.constant 64 : i32
      %div3A_554 = arith.divsi %scan3A_552, %jit3A_553 : i32
      %sign3A_555 = arith.constant 0 : i32
      %sign3A_556 = arith.cmpi sgt, %scan3A_552, %sign3A_555 : i32
      %sign3A_557 = arith.extui %sign3A_556 : i1 to i32
      %sign3A_558 = arith.constant 0 : i32
      %sign3A_559 = arith.cmpi slt, %scan3A_552, %sign3A_558 : i32
      %sign3A_560 = arith.extui %sign3A_559 : i1 to i32
      %sign3A_561 = arith.subi %sign3A_557, %sign3A_560 : i32
      %sign3A_562 = arith.constant 0 : i32
      %sign3A_563 = arith.cmpi sgt, %jit3A_553, %sign3A_562 : i32
      %sign3A_564 = arith.extui %sign3A_563 : i1 to i32
      %sign3A_565 = arith.constant 0 : i32
      %sign3A_566 = arith.cmpi slt, %jit3A_553, %sign3A_565 : i32
      %sign3A_567 = arith.extui %sign3A_566 : i1 to i32
      %sign3A_568 = arith.subi %sign3A_564, %sign3A_567 : i32
      %ne3A_569 = arith.cmpi ne, %sign3A_561, %sign3A_568 : i32
      %rem3A_570 = arith.remsi %scan3A_552, %jit3A_553 : i32
      %ne3A_571 = arith.constant 0 : i32
      %ne3A_572 = arith.cmpi ne, %rem3A_570, %ne3A_571 : i32
      %and3A_573 = arith.andi %ne3A_569, %ne3A_572 : i1
      %sub3A_574 = arith.constant 1 : i32
      %sub3A_575 = arith.subi %div3A_554, %sub3A_574 : i32
      %select_n3A_576 = arith.select %and3A_573, %sub3A_575, %div3A_554 : i32
      %jit3A_577 = arith.constant 64 : i32
      %eq3A_578 = arith.constant 0 : i32
      %eq3A_579 = arith.cmpi eq, %jit3A_577, %eq3A_578 : i32
      %jit3A_580 = arith.constant 1 : i32
      %select_n3A_581 = arith.select %eq3A_579, %jit3A_580, %jit3A_577 : i32
      %rem3A_582 = arith.remsi %scan3A_552, %select_n3A_581 : i32
      %ne3A_583 = arith.constant 0 : i32
      %ne3A_584 = arith.cmpi ne, %rem3A_582, %ne3A_583 : i32
      %lt3A_585 = arith.constant 0 : i32
      %lt3A_586 = arith.cmpi slt, %rem3A_582, %lt3A_585 : i32
      %lt3A_587 = arith.constant 0 : i32
      %lt3A_588 = arith.cmpi slt, %select_n3A_581, %lt3A_587 : i32
      %ne3A_589 = arith.xori %lt3A_586, %lt3A_588 : i1
      %and3A_590 = arith.andi %ne3A_589, %ne3A_584 : i1
      %add3A_591 = arith.addi %rem3A_582, %select_n3A_581 : i32
      %select_n3A_592 = arith.select %and3A_590, %add3A_591, %rem3A_582 : i32
      %mul3A_593 = arith.constant 16 : i32
      %mul3A_594 = arith.muli %select_n3A_592, %mul3A_593 : i32
      %get3A_595 = arith.index_cast %select_n3A_576 : i32 to index
      %get3A_596 = arith.index_cast %mul3A_594 : i32 to index
      %get3A_597 = tpu.vector_load %arg12[%get3A_595, %get3A_596] {strides = array<i32>} : memref<16x1024xf32, #tpu.memory_space<vmem>>, vector<1x16xf32>,
      %get3A_598 = vector.shape_cast %get3A_597 : vector<1x16xf32> to vector<16xf32>
      %get3A_599 = arith.index_cast %select_n3A_576 : i32 to index
      %get3A_600 = arith.index_cast %mul3A_594 : i32 to index
      %get3A_601 = tpu.vector_load %arg13[%get3A_599, %get3A_600] {strides = array<i32>} : memref<16x1024xf32, #tpu.memory_space<vmem>>, vector<1x16xf32>,
      %get3A_602 = vector.shape_cast %get3A_601 : vector<1x16xf32> to vector<16xf32>
      %add3A_603 = arith.addf %get3A_598, %get3A_602 : vector<16xf32>
      %swap3A_604 = arith.index_cast %select_n3A_576 : i32 to index
      %swap3A_605 = arith.index_cast %mul3A_594 : i32 to index
      %swap3A_606 = tpu.vector_load %arg12[%swap3A_604, %swap3A_605] {strides = array<i32>} : memref<16x1024xf32, #tpu.memory_space<vmem>>, vector<1x16xf32>,
      %swap3A_607 = vector.shape_cast %swap3A_606 : vector<1x16xf32> to vector<16xf32>
      %swap3A_608 = vector.shape_cast %add3A_603 : vector<16xf32> to vector<1x16xf32>
      tpu.vector_store %arg12[%swap3A_604, %swap3A_605], %swap3A_608 {strides = array<i32>} : memref<16x1024xf32, #tpu.memory_space<vmem>>, vector<1x16xf32>,
    }
    %scan3A_132 = arith.constant 1024 : i32
    %mul3A_133 = arith.constant 64 : i32
    %mul3A_134 = arith.muli %add3A, %mul3A_133 : i32
    %add3A_135 = arith.constant 48 : i32
    %add3A_136 = arith.addi %mul3A_134, %add3A_135 : i32
    %dma_start3A_137 = arith.constant 0 : i32
    %dma_start3A_138 = arith.constant 0 : i32
    %dma_start3A_139 = tpu.memref_slice %arg5[%dma_start3A_137, %add3A_136, %dma_start3A_138] : memref<1x2048x1024xf32, #tpu.memory_space<hbm>> -> memref<1x16x1024xf32, #tpu.memory_space<hbm>>
    %dma_start3A_140 = tpu.memref_squeeze %dma_start3A_139 : memref<1x16x1024xf32, #tpu.memory_space<hbm>> -> memref<16x1024xf32, #tpu.memory_space<hbm>>
    %dma_start3A_141 = arith.constant 0 : i32
    %dma_start3A_142 = tpu.memref_slice %arg5[%dma_start3A_137, %add3A_136, %dma_start3A_141] : memref<1x2048x1024xf32, #tpu.memory_space<hbm>> -> memref<1x16x1024xf32, #tpu.memory_space<hbm>>
    %dma_start3A_143 = tpu.memref_squeeze %dma_start3A_142 : memref<1x16x1024xf32, #tpu.memory_space<hbm>> -> memref<16x1024xf32, #tpu.memory_space<hbm>>
    tpu.enqueue_dma source(%arg12 : memref<16x1024xf32, #tpu.memory_space<vmem>>) target(%dma_start3A_143 : memref<16x1024xf32, #tpu.memory_space<hbm>>) target_semaphore(%arg19 : memref<!tpu.dma_semaphore, #tpu.memory_space<semaphore_mem>>)
    %dma_wait3A_144 = arith.constant 0 : i32
    %dma_wait3A_145 = arith.constant 0 : i32
    %dma_wait3A_146 = tpu.memref_slice %arg5[%dma_wait3A_144, %add3A_113, %dma_wait3A_145] : memref<1x2048x1024xf32, #tpu.memory_space<hbm>> -> memref<1x16x1024xf32, #tpu.memory_space<hbm>>
    %dma_wait3A_147 = tpu.memref_squeeze %dma_wait3A_146 : memref<1x16x1024xf32, #tpu.memory_space<hbm>> -> memref<16x1024xf32, #tpu.memory_space<hbm>>
    %dma_wait3A_148 = arith.constant 0 : i32
    %dma_wait3A_149 = tpu.memref_slice %arg5[%dma_wait3A_144, %add3A_113, %dma_wait3A_148] : memref<1x2048x1024xf32, #tpu.memory_space<hbm>> -> memref<1x16x1024xf32, #tpu.memory_space<hbm>>
    %dma_wait3A_150 = tpu.memref_squeeze %dma_wait3A_149 : memref<1x16x1024xf32, #tpu.memory_space<hbm>> -> memref<16x1024xf32, #tpu.memory_space<hbm>>
    tpu.wait_dma2 semaphore(%arg18 : memref<!tpu.dma_semaphore, #tpu.memory_space<semaphore_mem>>) src(%arg10 : memref<16x1024xf32, #tpu.memory_space<vmem>>) dst(%dma_wait3A_150 : memref<16x1024xf32, #tpu.memory_space<hbm>>)
    %dma_wait3A_151 = arith.constant 0 : i32
    %dma_wait3A_152 = arith.constant 0 : i32
    %dma_wait3A_153 = tpu.memref_slice %arg5[%dma_wait3A_151, %add3A_136, %dma_wait3A_152] : memref<1x2048x1024xf32, #tpu.memory_space<hbm>> -> memref<1x16x1024xf32, #tpu.memory_space<hbm>>
    %dma_wait3A_154 = tpu.memref_squeeze %dma_wait3A_153 : memref<1x16x1024xf32, #tpu.memory_space<hbm>> -> memref<16x1024xf32, #tpu.memory_space<hbm>>
    %dma_wait3A_155 = arith.constant 0 : i32
    %dma_wait3A_156 = tpu.memref_slice %arg5[%dma_wait3A_151, %add3A_136, %dma_wait3A_155] : memref<1x2048x1024xf32, #tpu.memory_space<hbm>> -> memref<1x16x1024xf32, #tpu.memory_space<hbm>>
    %dma_wait3A_157 = tpu.memref_squeeze %dma_wait3A_156 : memref<1x16x1024xf32, #tpu.memory_space<hbm>> -> memref<16x1024xf32, #tpu.memory_space<hbm>>
    tpu.wait_dma2 semaphore(%arg19 : memref<!tpu.dma_semaphore, #tpu.memory_space<semaphore_mem>>) src(%arg12 : memref<16x1024xf32, #tpu.memory_space<vmem>>) dst(%dma_wait3A_157 : memref<16x1024xf32, #tpu.memory_space<hbm>>)
    return
  }
}

module attributes {stable_mosaic.version = 14 : i64} {
  func.func @_router_body(%arg0: memref<1x2048x1024xf32, #tpu.memory_space<vmem>>, %arg1: memref<1024x64xf32, #tpu.memory_space<vmem>>, %arg2: memref<2048xi32, #tpu.memory_space<vmem>>, %arg3: memref<2048xi32, #tpu.memory_space<vmem>>, %arg4: memref<2048xf32, #tpu.memory_space<vmem>>, %arg5: memref<2048xf32, #tpu.memory_space<vmem>>, %arg6: memref<96xi32, #tpu.memory_space<vmem>>, %arg7: memref<96xi32, #tpu.memory_space<vmem>>, %arg8: memref<96xi32, #tpu.memory_space<vmem>>, %arg9: memref<96xi32, #tpu.memory_space<vmem>>) attributes {dimension_semantics = [], scalar_prefetch = 0 : i64, scratch_operands = 0 : i64, tpu.core_type = #tpu.core_type<tc>} {
    %get3A = arith.constant 0 : index
    %get3A_0 = arith.constant 0 : index
    %get3A_1 = arith.constant 0 : index
    %get3A_2 = vector.load %arg0[%get3A, %get3A_0, %get3A_1] : memref<1x2048x1024xf32, #tpu.memory_space<vmem>>, vector<1x2048x1024xf32>
    %get3A_3 = vector.shape_cast %get3A_2 : vector<1x2048x1024xf32> to vector<2048x1024xf32>
    %get3A_4 = arith.constant 0 : index
    %get3A_5 = arith.constant 0 : index
    %get3A_6 = vector.load %arg1[%get3A_4, %get3A_5] : memref<1024x64xf32, #tpu.memory_space<vmem>>, vector<1024x64xf32>
    %dot_general3A = arith.constant dense<0.000000e+00> : vector<2048x64xf32>
    %dot_general3A_7 = tpu.matmul %get3A_3, %get3A_6, %dot_general3A {dimension_numbers = #tpu.dot_dimension_numbers<[1], [0], [0], [1], [0, 0, 1, 1], [], []>, transpose_lhs_hint = false} : vector<2048x1024xf32>, vector<1024x64xf32>, vector<2048x64xf32> -> vector<2048x64xf32>
    %iota3A = tpu.iota {dimensions = array<i32: 1>} : vector<2048x64xi32>
    %reduce_max3A = arith.constant dense<0xFF800000> : vector<2048xf32>
    %reduce_max3A_8 = vector.multi_reduction <maximumf>, %dot_general3A_7, %reduce_max3A [1] : vector<2048x64xf32> to vector<2048xf32>
    %broadcast_in_dim3A = vector.shape_cast %reduce_max3A_8 : vector<2048xf32> to vector<2048x1xf32>
    %eq3A = vector.broadcast %broadcast_in_dim3A : vector<2048x1xf32> to vector<2048x64xf32>
    %eq3A_9 = arith.cmpf oeq, %dot_general3A_7, %eq3A : vector<2048x64xf32>
    %jit3A = arith.constant 64 : i32
    %broadcast_in_dim3A_10 = vector.broadcast %jit3A : i32 to vector<2048x64xi32>
    %select_n3A = arith.select %eq3A_9, %iota3A, %broadcast_in_dim3A_10 : vector<2048x64xi1>, vector<2048x64xi32>
    %reduce_min3A = arith.constant dense<2147483647> : vector<2048xi32>
    %reduce_min3A_11 = vector.multi_reduction <minsi>, %select_n3A, %reduce_min3A [1] : vector<2048x64xi32> to vector<2048xi32>
    %broadcast_in_dim3A_12 = vector.shape_cast %reduce_min3A_11 : vector<2048xi32> to vector<2048x1xi32>
    %eq3A_13 = vector.broadcast %broadcast_in_dim3A_12 : vector<2048x1xi32> to vector<2048x64xi32>
    %eq3A_14 = arith.cmpi eq, %iota3A, %eq3A_13 : vector<2048x64xi32>
    %jit3A_15 = arith.constant 0xFF800000 : f32
    %broadcast_in_dim3A_16 = vector.broadcast %jit3A_15 : f32 to vector<2048x64xf32>
    %select_n3A_17 = arith.select %eq3A_14, %broadcast_in_dim3A_16, %dot_general3A_7 : vector<2048x64xi1>, vector<2048x64xf32>
    %reduce_max3A_18 = arith.constant dense<0xFF800000> : vector<2048xf32>
    %reduce_max3A_19 = vector.multi_reduction <maximumf>, %select_n3A_17, %reduce_max3A_18 [1] : vector<2048x64xf32> to vector<2048xf32>
    %broadcast_in_dim3A_20 = vector.shape_cast %reduce_max3A_19 : vector<2048xf32> to vector<2048x1xf32>
    %eq3A_21 = vector.broadcast %broadcast_in_dim3A_20 : vector<2048x1xf32> to vector<2048x64xf32>
    %eq3A_22 = arith.cmpf oeq, %select_n3A_17, %eq3A_21 : vector<2048x64xf32>
    %jit3A_23 = arith.constant 64 : i32
    %broadcast_in_dim3A_24 = vector.broadcast %jit3A_23 : i32 to vector<2048x64xi32>
    %select_n3A_25 = arith.select %eq3A_22, %iota3A, %broadcast_in_dim3A_24 : vector<2048x64xi1>, vector<2048x64xi32>
    %reduce_min3A_26 = arith.constant dense<2147483647> : vector<2048xi32>
    %reduce_min3A_27 = vector.multi_reduction <minsi>, %select_n3A_25, %reduce_min3A_26 [1] : vector<2048x64xi32> to vector<2048xi32>
    %broadcast_in_dim3A_28 = vector.shape_cast %reduce_min3A_27 : vector<2048xi32> to vector<2048x1xi32>
    %sub3A = arith.subf %broadcast_in_dim3A_20, %broadcast_in_dim3A : vector<2048x1xf32>
    %exp3A = math.exp %sub3A : vector<2048x1xf32>
    %add3A = arith.constant 1.000000e+00 : f32
    %add3A_29 = vector.broadcast %add3A : f32 to vector<2048x1xf32>
    %add3A_30 = arith.addf %add3A_29, %exp3A : vector<2048x1xf32>
    %div3A = arith.constant 1.000000e+00 : f32
    %div3A_31 = vector.broadcast %div3A : f32 to vector<2048x1xf32>
    %div3A_32 = arith.divf %div3A_31, %add3A_30 : vector<2048x1xf32>
    %reduce_sum3A = arith.constant dense<0.000000e+00> : vector<2048xf32>
    %reduce_sum3A_33 = vector.multi_reduction <add>, %div3A_32, %reduce_sum3A [1] : vector<2048x1xf32> to vector<2048xf32>
    %swap3A = arith.constant 0 : index
    %swap3A_34 = vector.load %arg4[%swap3A] : memref<2048xf32, #tpu.memory_space<vmem>>, vector<2048xf32>
    tpu.vector_store %arg4[%swap3A], %reduce_sum3A_33 {strides = array<i32>} : memref<2048xf32, #tpu.memory_space<vmem>>, vector<2048xf32>,
    %sub3A_35 = arith.constant 1.000000e+00 : f32
    %sub3A_36 = vector.broadcast %sub3A_35 : f32 to vector<2048xf32>
    %sub3A_37 = arith.subf %sub3A_36, %reduce_sum3A_33 : vector<2048xf32>
    %swap3A_38 = arith.constant 0 : index
    %swap3A_39 = vector.load %arg5[%swap3A_38] : memref<2048xf32, #tpu.memory_space<vmem>>, vector<2048xf32>
    tpu.vector_store %arg5[%swap3A_38], %sub3A_37 {strides = array<i32>} : memref<2048xf32, #tpu.memory_space<vmem>>, vector<2048xf32>,
    %eq3A_40 = vector.broadcast %broadcast_in_dim3A_12 : vector<2048x1xi32> to vector<2048x64xi32>
    %eq3A_41 = arith.cmpi eq, %iota3A, %eq3A_40 : vector<2048x64xi32>
    %convert_element_type3A = arith.extui %eq3A_41 : vector<2048x64xi1> to vector<2048x64xi32>
    %convert_element_type3A_42 = arith.sitofp %convert_element_type3A : vector<2048x64xi32> to vector<2048x64xf32>
    %eq3A_43 = vector.broadcast %broadcast_in_dim3A_28 : vector<2048x1xi32> to vector<2048x64xi32>
    %eq3A_44 = arith.cmpi eq, %iota3A, %eq3A_43 : vector<2048x64xi32>
    %convert_element_type3A_45 = arith.extui %eq3A_44 : vector<2048x64xi1> to vector<2048x64xi32>
    %convert_element_type3A_46 = arith.sitofp %convert_element_type3A_45 : vector<2048x64xi32> to vector<2048x64xf32>
    %iota3A_47 = tpu.iota {dimensions = array<i32: 0>} : vector<512x512xi32>
    %iota3A_48 = tpu.iota {dimensions = array<i32: 1>} : vector<512x512xi32>
    %ge3A = arith.cmpi sge, %iota3A_47, %iota3A_48 : vector<512x512xi32>
    %convert_element_type3A_49 = arith.extui %ge3A : vector<512x512xi1> to vector<512x512xi32>
    %convert_element_type3A_50 = arith.sitofp %convert_element_type3A_49 : vector<512x512xi32> to vector<512x512xf32>
    %broadcast_in_dim3A_51 = arith.constant 0.000000e+00 : f32
    %broadcast_in_dim3A_52 = vector.broadcast %broadcast_in_dim3A_51 : f32 to vector<1x64xf32>
    %slice3A = vector.extract_strided_slice %convert_element_type3A_42 {offsets = [0, 0], sizes = [512, 64], strides = [1, 1]} : vector<2048x64xf32> to vector<512x64xf32>
    %dot_general3A_53 = arith.constant dense<0.000000e+00> : vector<512x64xf32>
    %dot_general3A_54 = tpu.matmul %convert_element_type3A_50, %slice3A, %dot_general3A_53 {dimension_numbers = #tpu.dot_dimension_numbers<[1], [0], [0], [1], [0, 0, 1, 1], [], []>, transpose_lhs_hint = false} : vector<512x512xf32>, vector<512x64xf32>, vector<512x64xf32> -> vector<512x64xf32>
    %add3A_55 = vector.broadcast %broadcast_in_dim3A_52 : vector<1x64xf32> to vector<512x64xf32>
    %add3A_56 = arith.addf %dot_general3A_54, %add3A_55 : vector<512x64xf32>
    %slice3A_57 = vector.extract_strided_slice %add3A_56 {offsets = [511, 0], sizes = [1, 64], strides = [1, 1]} : vector<512x64xf32> to vector<1x64xf32>
    %slice3A_58 = vector.extract_strided_slice %convert_element_type3A_42 {offsets = [512, 0], sizes = [512, 64], strides = [1, 1]} : vector<2048x64xf32> to vector<512x64xf32>
    %dot_general3A_59 = arith.constant dense<0.000000e+00> : vector<512x64xf32>
    %dot_general3A_60 = tpu.matmul %convert_element_type3A_50, %slice3A_58, %dot_general3A_59 {dimension_numbers = #tpu.dot_dimension_numbers<[1], [0], [0], [1], [0, 0, 1, 1], [], []>, transpose_lhs_hint = false} : vector<512x512xf32>, vector<512x64xf32>, vector<512x64xf32> -> vector<512x64xf32>
    %add3A_61 = vector.broadcast %slice3A_57 : vector<1x64xf32> to vector<512x64xf32>
    %add3A_62 = arith.addf %dot_general3A_60, %add3A_61 : vector<512x64xf32>
    %slice3A_63 = vector.extract_strided_slice %add3A_62 {offsets = [511, 0], sizes = [1, 64], strides = [1, 1]} : vector<512x64xf32> to vector<1x64xf32>
    %slice3A_64 = vector.extract_strided_slice %convert_element_type3A_42 {offsets = [1024, 0], sizes = [512, 64], strides = [1, 1]} : vector<2048x64xf32> to vector<512x64xf32>
    %dot_general3A_65 = arith.constant dense<0.000000e+00> : vector<512x64xf32>
    %dot_general3A_66 = tpu.matmul %convert_element_type3A_50, %slice3A_64, %dot_general3A_65 {dimension_numbers = #tpu.dot_dimension_numbers<[1], [0], [0], [1], [0, 0, 1, 1], [], []>, transpose_lhs_hint = false} : vector<512x512xf32>, vector<512x64xf32>, vector<512x64xf32> -> vector<512x64xf32>
    %add3A_67 = vector.broadcast %slice3A_63 : vector<1x64xf32> to vector<512x64xf32>
    %add3A_68 = arith.addf %dot_general3A_66, %add3A_67 : vector<512x64xf32>
    %slice3A_69 = vector.extract_strided_slice %add3A_68 {offsets = [511, 0], sizes = [1, 64], strides = [1, 1]} : vector<512x64xf32> to vector<1x64xf32>
    %slice3A_70 = vector.extract_strided_slice %convert_element_type3A_42 {offsets = [1536, 0], sizes = [512, 64], strides = [1, 1]} : vector<2048x64xf32> to vector<512x64xf32>
    %dot_general3A_71 = arith.constant dense<0.000000e+00> : vector<512x64xf32>
    %dot_general3A_72 = tpu.matmul %convert_element_type3A_50, %slice3A_70, %dot_general3A_71 {dimension_numbers = #tpu.dot_dimension_numbers<[1], [0], [0], [1], [0, 0, 1, 1], [], []>, transpose_lhs_hint = false} : vector<512x512xf32>, vector<512x64xf32>, vector<512x64xf32> -> vector<512x64xf32>
    %add3A_73 = vector.broadcast %slice3A_69 : vector<1x64xf32> to vector<512x64xf32>
    %add3A_74 = arith.addf %dot_general3A_72, %add3A_73 : vector<512x64xf32>
    %slice3A_75 = vector.extract_strided_slice %add3A_74 {offsets = [511, 0], sizes = [1, 64], strides = [1, 1]} : vector<512x64xf32> to vector<1x64xf32>
    %slice3A_76 = vector.extract_strided_slice %convert_element_type3A_46 {offsets = [0, 0], sizes = [512, 64], strides = [1, 1]} : vector<2048x64xf32> to vector<512x64xf32>
    %dot_general3A_77 = arith.constant dense<0.000000e+00> : vector<512x64xf32>
    %dot_general3A_78 = tpu.matmul %convert_element_type3A_50, %slice3A_76, %dot_general3A_77 {dimension_numbers = #tpu.dot_dimension_numbers<[1], [0], [0], [1], [0, 0, 1, 1], [], []>, transpose_lhs_hint = false} : vector<512x512xf32>, vector<512x64xf32>, vector<512x64xf32> -> vector<512x64xf32>
    %add3A_79 = vector.broadcast %slice3A_75 : vector<1x64xf32> to vector<512x64xf32>
    %add3A_80 = arith.addf %dot_general3A_78, %add3A_79 : vector<512x64xf32>
    %slice3A_81 = vector.extract_strided_slice %add3A_80 {offsets = [511, 0], sizes = [1, 64], strides = [1, 1]} : vector<512x64xf32> to vector<1x64xf32>
    %slice3A_82 = vector.extract_strided_slice %convert_element_type3A_46 {offsets = [512, 0], sizes = [512, 64], strides = [1, 1]} : vector<2048x64xf32> to vector<512x64xf32>
    %dot_general3A_83 = arith.constant dense<0.000000e+00> : vector<512x64xf32>
    %dot_general3A_84 = tpu.matmul %convert_element_type3A_50, %slice3A_82, %dot_general3A_83 {dimension_numbers = #tpu.dot_dimension_numbers<[1], [0], [0], [1], [0, 0, 1, 1], [], []>, transpose_lhs_hint = false} : vector<512x512xf32>, vector<512x64xf32>, vector<512x64xf32> -> vector<512x64xf32>
    %add3A_85 = vector.broadcast %slice3A_81 : vector<1x64xf32> to vector<512x64xf32>
    %add3A_86 = arith.addf %dot_general3A_84, %add3A_85 : vector<512x64xf32>
    %slice3A_87 = vector.extract_strided_slice %add3A_86 {offsets = [511, 0], sizes = [1, 64], strides = [1, 1]} : vector<512x64xf32> to vector<1x64xf32>
    %slice3A_88 = vector.extract_strided_slice %convert_element_type3A_46 {offsets = [1024, 0], sizes = [512, 64], strides = [1, 1]} : vector<2048x64xf32> to vector<512x64xf32>
    %dot_general3A_89 = arith.constant dense<0.000000e+00> : vector<512x64xf32>
    %dot_general3A_90 = tpu.matmul %convert_element_type3A_50, %slice3A_88, %dot_general3A_89 {dimension_numbers = #tpu.dot_dimension_numbers<[1], [0], [0], [1], [0, 0, 1, 1], [], []>, transpose_lhs_hint = false} : vector<512x512xf32>, vector<512x64xf32>, vector<512x64xf32> -> vector<512x64xf32>
    %add3A_91 = vector.broadcast %slice3A_87 : vector<1x64xf32> to vector<512x64xf32>
    %add3A_92 = arith.addf %dot_general3A_90, %add3A_91 : vector<512x64xf32>
    %slice3A_93 = vector.extract_strided_slice %add3A_92 {offsets = [511, 0], sizes = [1, 64], strides = [1, 1]} : vector<512x64xf32> to vector<1x64xf32>
    %slice3A_94 = vector.extract_strided_slice %convert_element_type3A_46 {offsets = [1536, 0], sizes = [512, 64], strides = [1, 1]} : vector<2048x64xf32> to vector<512x64xf32>
    %dot_general3A_95 = arith.constant dense<0.000000e+00> : vector<512x64xf32>
    %dot_general3A_96 = tpu.matmul %convert_element_type3A_50, %slice3A_94, %dot_general3A_95 {dimension_numbers = #tpu.dot_dimension_numbers<[1], [0], [0], [1], [0, 0, 1, 1], [], []>, transpose_lhs_hint = false} : vector<512x512xf32>, vector<512x64xf32>, vector<512x64xf32> -> vector<512x64xf32>
    %add3A_97 = vector.broadcast %slice3A_93 : vector<1x64xf32> to vector<512x64xf32>
    %add3A_98 = arith.addf %dot_general3A_96, %add3A_97 : vector<512x64xf32>
    %slice3A_99 = vector.extract_strided_slice %add3A_98 {offsets = [511, 0], sizes = [1, 64], strides = [1, 1]} : vector<512x64xf32> to vector<1x64xf32>
    %div3A_100 = arith.constant 1.280000e+02 : f32
    %div3A_101 = vector.broadcast %div3A_100 : f32 to vector<1x64xf32>
    %div3A_102 = arith.divf %slice3A_99, %div3A_101 : vector<1x64xf32>
    %ceil3A = math.ceil %div3A_102 : vector<1x64xf32>
    %iota3A_103 = tpu.iota {dimensions = array<i32: 0>} : vector<64x64xi32>
    %iota3A_104 = tpu.iota {dimensions = array<i32: 1>} : vector<64x64xi32>
    %lt3A = arith.cmpi slt, %iota3A_103, %iota3A_104 : vector<64x64xi32>
    %convert_element_type3A_105 = arith.extui %lt3A : vector<64x64xi1> to vector<64x64xi32>
    %convert_element_type3A_106 = arith.sitofp %convert_element_type3A_105 : vector<64x64xi32> to vector<64x64xf32>
    %dot_general3A_107 = arith.constant dense<0.000000e+00> : vector<1x64xf32>
    %dot_general3A_108 = tpu.matmul %ceil3A, %convert_element_type3A_106, %dot_general3A_107 {dimension_numbers = #tpu.dot_dimension_numbers<[1], [0], [0], [1], [0, 0, 1, 1], [], []>, transpose_lhs_hint = false} : vector<1x64xf32>, vector<64x64xf32>, vector<1x64xf32> -> vector<1x64xf32>
    %mul3A = arith.constant 1.280000e+02 : f32
    %mul3A_109 = vector.broadcast %mul3A : f32 to vector<1x64xf32>
    %mul3A_110 = arith.mulf %dot_general3A_108, %mul3A_109 : vector<1x64xf32>
    %reduce_sum3A_111 = vector.shape_cast %ceil3A : vector<1x64xf32> to vector<1x1x64xf32>
    %reduce_sum3A_112 = arith.constant dense<0.000000e+00> : vector<1xf32>
    %reduce_sum3A_113 = vector.multi_reduction <add>, %reduce_sum3A_111, %reduce_sum3A_112 [1, 2] : vector<1x1x64xf32> to vector<1xf32>
    %reduce_sum3A_114 = vector.shape_cast %reduce_sum3A_113 : vector<1xf32> to vector<1x1x1xf32>
    %reduce_sum3A_115 = vector.extract %reduce_sum3A_114[0, 0, 0] : f32 from vector<1x1x1xf32>
    %mul3A_116 = arith.constant 1.280000e+02 : f32
    %mul3A_117 = arith.mulf %reduce_sum3A_115, %mul3A_116 : f32
    %add3A_118 = vector.broadcast %mul3A_110 : vector<1x64xf32> to vector<512x64xf32>
    %add3A_119 = arith.addf %add3A_56, %add3A_118 : vector<512x64xf32>
    %mul3A_120 = arith.mulf %add3A_119, %slice3A : vector<512x64xf32>
    %reduce_sum3A_121 = arith.constant dense<0.000000e+00> : vector<512xf32>
    %reduce_sum3A_122 = vector.multi_reduction <add>, %mul3A_120, %reduce_sum3A_121 [1] : vector<512x64xf32> to vector<512xf32>
    %sub3A_123 = arith.constant 1.000000e+00 : f32
    %sub3A_124 = vector.broadcast %sub3A_123 : f32 to vector<512xf32>
    %sub3A_125 = arith.subf %reduce_sum3A_122, %sub3A_124 : vector<512xf32>
    %convert_element_type3A_126 = arith.fptosi %sub3A_125 : vector<512xf32> to vector<512xi32>
    %swap3A_127 = arith.constant 0 : index
    %swap3A_128 = vector.load %arg2[%swap3A_127] : memref<2048xi32, #tpu.memory_space<vmem>>, vector<512xi32>
    tpu.vector_store %arg2[%swap3A_127], %convert_element_type3A_126 {strides = array<i32>} : memref<2048xi32, #tpu.memory_space<vmem>>, vector<512xi32>,
    %add3A_129 = vector.broadcast %mul3A_110 : vector<1x64xf32> to vector<512x64xf32>
    %add3A_130 = arith.addf %add3A_62, %add3A_129 : vector<512x64xf32>
    %mul3A_131 = arith.mulf %add3A_130, %slice3A_58 : vector<512x64xf32>
    %reduce_sum3A_132 = arith.constant dense<0.000000e+00> : vector<512xf32>
    %reduce_sum3A_133 = vector.multi_reduction <add>, %mul3A_131, %reduce_sum3A_132 [1] : vector<512x64xf32> to vector<512xf32>
    %sub3A_134 = arith.constant 1.000000e+00 : f32
    %sub3A_135 = vector.broadcast %sub3A_134 : f32 to vector<512xf32>
    %sub3A_136 = arith.subf %reduce_sum3A_133, %sub3A_135 : vector<512xf32>
    %convert_element_type3A_137 = arith.fptosi %sub3A_136 : vector<512xf32> to vector<512xi32>
    %swap3A_138 = arith.constant 512 : index
    %swap3A_139 = vector.load %arg2[%swap3A_138] : memref<2048xi32, #tpu.memory_space<vmem>>, vector<512xi32>
    tpu.vector_store %arg2[%swap3A_138], %convert_element_type3A_137 {strides = array<i32>} : memref<2048xi32, #tpu.memory_space<vmem>>, vector<512xi32>,
    %add3A_140 = vector.broadcast %mul3A_110 : vector<1x64xf32> to vector<512x64xf32>
    %add3A_141 = arith.addf %add3A_68, %add3A_140 : vector<512x64xf32>
    %mul3A_142 = arith.mulf %add3A_141, %slice3A_64 : vector<512x64xf32>
    %reduce_sum3A_143 = arith.constant dense<0.000000e+00> : vector<512xf32>
    %reduce_sum3A_144 = vector.multi_reduction <add>, %mul3A_142, %reduce_sum3A_143 [1] : vector<512x64xf32> to vector<512xf32>
    %sub3A_145 = arith.constant 1.000000e+00 : f32
    %sub3A_146 = vector.broadcast %sub3A_145 : f32 to vector<512xf32>
    %sub3A_147 = arith.subf %reduce_sum3A_144, %sub3A_146 : vector<512xf32>
    %convert_element_type3A_148 = arith.fptosi %sub3A_147 : vector<512xf32> to vector<512xi32>
    %swap3A_149 = arith.constant 1024 : index
    %swap3A_150 = vector.load %arg2[%swap3A_149] : memref<2048xi32, #tpu.memory_space<vmem>>, vector<512xi32>
    tpu.vector_store %arg2[%swap3A_149], %convert_element_type3A_148 {strides = array<i32>} : memref<2048xi32, #tpu.memory_space<vmem>>, vector<512xi32>,
    %add3A_151 = vector.broadcast %mul3A_110 : vector<1x64xf32> to vector<512x64xf32>
    %add3A_152 = arith.addf %add3A_74, %add3A_151 : vector<512x64xf32>
    %mul3A_153 = arith.mulf %add3A_152, %slice3A_70 : vector<512x64xf32>
    %reduce_sum3A_154 = arith.constant dense<0.000000e+00> : vector<512xf32>
    %reduce_sum3A_155 = vector.multi_reduction <add>, %mul3A_153, %reduce_sum3A_154 [1] : vector<512x64xf32> to vector<512xf32>
    %sub3A_156 = arith.constant 1.000000e+00 : f32
    %sub3A_157 = vector.broadcast %sub3A_156 : f32 to vector<512xf32>
    %sub3A_158 = arith.subf %reduce_sum3A_155, %sub3A_157 : vector<512xf32>
    %convert_element_type3A_159 = arith.fptosi %sub3A_158 : vector<512xf32> to vector<512xi32>
    %swap3A_160 = arith.constant 1536 : index
    %swap3A_161 = vector.load %arg2[%swap3A_160] : memref<2048xi32, #tpu.memory_space<vmem>>, vector<512xi32>
    tpu.vector_store %arg2[%swap3A_160], %convert_element_type3A_159 {strides = array<i32>} : memref<2048xi32, #tpu.memory_space<vmem>>, vector<512xi32>,
    %add3A_162 = vector.broadcast %mul3A_110 : vector<1x64xf32> to vector<512x64xf32>
    %add3A_163 = arith.addf %add3A_80, %add3A_162 : vector<512x64xf32>
    %mul3A_164 = arith.mulf %add3A_163, %slice3A_76 : vector<512x64xf32>
    %reduce_sum3A_165 = arith.constant dense<0.000000e+00> : vector<512xf32>
    %reduce_sum3A_166 = vector.multi_reduction <add>, %mul3A_164, %reduce_sum3A_165 [1] : vector<512x64xf32> to vector<512xf32>
    %sub3A_167 = arith.constant 1.000000e+00 : f32
    %sub3A_168 = vector.broadcast %sub3A_167 : f32 to vector<512xf32>
    %sub3A_169 = arith.subf %reduce_sum3A_166, %sub3A_168 : vector<512xf32>
    %convert_element_type3A_170 = arith.fptosi %sub3A_169 : vector<512xf32> to vector<512xi32>
    %swap3A_171 = arith.constant 0 : index
    %swap3A_172 = vector.load %arg3[%swap3A_171] : memref<2048xi32, #tpu.memory_space<vmem>>, vector<512xi32>
    tpu.vector_store %arg3[%swap3A_171], %convert_element_type3A_170 {strides = array<i32>} : memref<2048xi32, #tpu.memory_space<vmem>>, vector<512xi32>,
    %add3A_173 = vector.broadcast %mul3A_110 : vector<1x64xf32> to vector<512x64xf32>
    %add3A_174 = arith.addf %add3A_86, %add3A_173 : vector<512x64xf32>
    %mul3A_175 = arith.mulf %add3A_174, %slice3A_82 : vector<512x64xf32>
    %reduce_sum3A_176 = arith.constant dense<0.000000e+00> : vector<512xf32>
    %reduce_sum3A_177 = vector.multi_reduction <add>, %mul3A_175, %reduce_sum3A_176 [1] : vector<512x64xf32> to vector<512xf32>
    %sub3A_178 = arith.constant 1.000000e+00 : f32
    %sub3A_179 = vector.broadcast %sub3A_178 : f32 to vector<512xf32>
    %sub3A_180 = arith.subf %reduce_sum3A_177, %sub3A_179 : vector<512xf32>
    %convert_element_type3A_181 = arith.fptosi %sub3A_180 : vector<512xf32> to vector<512xi32>
    %swap3A_182 = arith.constant 512 : index
    %swap3A_183 = vector.load %arg3[%swap3A_182] : memref<2048xi32, #tpu.memory_space<vmem>>, vector<512xi32>
    tpu.vector_store %arg3[%swap3A_182], %convert_element_type3A_181 {strides = array<i32>} : memref<2048xi32, #tpu.memory_space<vmem>>, vector<512xi32>,
    %add3A_184 = vector.broadcast %mul3A_110 : vector<1x64xf32> to vector<512x64xf32>
    %add3A_185 = arith.addf %add3A_92, %add3A_184 : vector<512x64xf32>
    %mul3A_186 = arith.mulf %add3A_185, %slice3A_88 : vector<512x64xf32>
    %reduce_sum3A_187 = arith.constant dense<0.000000e+00> : vector<512xf32>
    %reduce_sum3A_188 = vector.multi_reduction <add>, %mul3A_186, %reduce_sum3A_187 [1] : vector<512x64xf32> to vector<512xf32>
    %sub3A_189 = arith.constant 1.000000e+00 : f32
    %sub3A_190 = vector.broadcast %sub3A_189 : f32 to vector<512xf32>
    %sub3A_191 = arith.subf %reduce_sum3A_188, %sub3A_190 : vector<512xf32>
    %convert_element_type3A_192 = arith.fptosi %sub3A_191 : vector<512xf32> to vector<512xi32>
    %swap3A_193 = arith.constant 1024 : index
    %swap3A_194 = vector.load %arg3[%swap3A_193] : memref<2048xi32, #tpu.memory_space<vmem>>, vector<512xi32>
    tpu.vector_store %arg3[%swap3A_193], %convert_element_type3A_192 {strides = array<i32>} : memref<2048xi32, #tpu.memory_space<vmem>>, vector<512xi32>,
    %add3A_195 = vector.broadcast %mul3A_110 : vector<1x64xf32> to vector<512x64xf32>
    %add3A_196 = arith.addf %add3A_98, %add3A_195 : vector<512x64xf32>
    %mul3A_197 = arith.mulf %add3A_196, %slice3A_94 : vector<512x64xf32>
    %reduce_sum3A_198 = arith.constant dense<0.000000e+00> : vector<512xf32>
    %reduce_sum3A_199 = vector.multi_reduction <add>, %mul3A_197, %reduce_sum3A_198 [1] : vector<512x64xf32> to vector<512xf32>
    %sub3A_200 = arith.constant 1.000000e+00 : f32
    %sub3A_201 = vector.broadcast %sub3A_200 : f32 to vector<512xf32>
    %sub3A_202 = arith.subf %reduce_sum3A_199, %sub3A_201 : vector<512xf32>
    %convert_element_type3A_203 = arith.fptosi %sub3A_202 : vector<512xf32> to vector<512xi32>
    %swap3A_204 = arith.constant 1536 : index
    %swap3A_205 = vector.load %arg3[%swap3A_204] : memref<2048xi32, #tpu.memory_space<vmem>>, vector<512xi32>
    tpu.vector_store %arg3[%swap3A_204], %convert_element_type3A_203 {strides = array<i32>} : memref<2048xi32, #tpu.memory_space<vmem>>, vector<512xi32>,
    %iota3A_206 = tpu.iota {dimensions = array<i32: 0>} : vector<96x64xi32>
    %convert_element_type3A_207 = arith.sitofp %iota3A_206 : vector<96x64xi32> to vector<96x64xf32>
    %mul3A_208 = arith.constant 1.280000e+02 : f32
    %mul3A_209 = vector.broadcast %mul3A_208 : f32 to vector<96x64xf32>
    %mul3A_210 = arith.mulf %convert_element_type3A_207, %mul3A_209 : vector<96x64xf32>
    %iota3A_211 = tpu.iota {dimensions = array<i32: 1>} : vector<96x64xi32>
    %le3A = vector.broadcast %mul3A_110 : vector<1x64xf32> to vector<96x64xf32>
    %le3A_212 = arith.cmpf ole, %le3A, %mul3A_210 : vector<96x64xf32>
    %gt3A = arith.constant 0.000000e+00 : f32
    %gt3A_213 = vector.broadcast %gt3A : f32 to vector<1x64xf32>
    %gt3A_214 = arith.cmpf ogt, %ceil3A, %gt3A_213 : vector<1x64xf32>
    %and3A = vector.broadcast %gt3A_214 : vector<1x64xi1> to vector<96x64xi1>
    %and3A_215 = arith.andi %le3A_212, %and3A : vector<96x64xi1>
    %jit3A_216 = arith.constant -1 : i32
    %broadcast_in_dim3A_217 = vector.broadcast %jit3A_216 : i32 to vector<96x64xi32>
    %select_n3A_218 = arith.select %and3A_215, %iota3A_211, %broadcast_in_dim3A_217 : vector<96x64xi1>, vector<96x64xi32>
    %reduce_max3A_219 = arith.constant dense<-2147483648> : vector<96xi32>
    %reduce_max3A_220 = vector.multi_reduction <maxsi>, %select_n3A_218, %reduce_max3A_219 [1] : vector<96x64xi32> to vector<96xi32>
    %broadcast_in_dim3A_221 = vector.shape_cast %reduce_max3A_220 : vector<96xi32> to vector<96x1xi32>
    %jit3A_222 = arith.constant -1 : i32
    %broadcast_in_dim3A_223 = vector.broadcast %jit3A_222 : i32 to vector<96x64xi32>
    %select_n3A_224 = arith.select %and3A_215, %iota3A_211, %broadcast_in_dim3A_223 : vector<96x64xi1>, vector<96x64xi32>
    %reduce_max3A_225 = arith.constant dense<-2147483648> : vector<96xi32>
    %reduce_max3A_226 = vector.multi_reduction <maxsi>, %select_n3A_224, %reduce_max3A_225 [1] : vector<96x64xi32> to vector<96xi32>
    %swap3A_227 = arith.constant 0 : index
    %swap3A_228 = vector.load %arg6[%swap3A_227] : memref<96xi32, #tpu.memory_space<vmem>>, vector<96xi32>
    tpu.vector_store %arg6[%swap3A_227], %reduce_max3A_226 {strides = array<i32>} : memref<96xi32, #tpu.memory_space<vmem>>, vector<96xi32>,
    %lt3A_229 = vector.broadcast %mul3A_117 : f32 to vector<96x64xf32>
    %lt3A_230 = arith.cmpf olt, %mul3A_210, %lt3A_229 : vector<96x64xf32>
    %convert_element_type3A_231 = arith.extui %lt3A_230 : vector<96x64xi1> to vector<96x64xi32>
    %reduce_max3A_232 = arith.constant dense<-2147483648> : vector<96xi32>
    %reduce_max3A_233 = vector.multi_reduction <maxsi>, %convert_element_type3A_231, %reduce_max3A_232 [1] : vector<96x64xi32> to vector<96xi32>
    %swap3A_234 = arith.constant 0 : index
    %swap3A_235 = vector.load %arg7[%swap3A_234] : memref<96xi32, #tpu.memory_space<vmem>>, vector<96xi32>
    tpu.vector_store %arg7[%swap3A_234], %reduce_max3A_233 {strides = array<i32>} : memref<96xi32, #tpu.memory_space<vmem>>, vector<96xi32>,
    %broadcast_in_dim3A_236 = arith.constant -7 : i32
    %broadcast_in_dim3A_237 = vector.broadcast %broadcast_in_dim3A_236 : i32 to vector<1x1xi32>
    %slice3A_238 = vector.extract_strided_slice %broadcast_in_dim3A_221 {offsets = [0, 0], sizes = [95, 1], strides = [1, 1]} : vector<96x1xi32> to vector<95x1xi32>
    %concatenate3A = tpu.concatenate %broadcast_in_dim3A_237, %slice3A_238 in 0 : vector<1x1xi32>, vector<95x1xi32> -> vector<96x1xi32>
    %ne3A = arith.cmpi ne, %broadcast_in_dim3A_221, %concatenate3A : vector<96x1xi32>
    %convert_element_type3A_239 = arith.extui %ne3A : vector<96x1xi1> to vector<96x1xi32>
    %convert_element_type3A_240 = arith.sitofp %convert_element_type3A_239 : vector<96x1xi32> to vector<96x1xf32>
    %iota3A_241 = tpu.iota {dimensions = array<i32: 0>} : vector<96x96xi32>
    %iota3A_242 = tpu.iota {dimensions = array<i32: 1>} : vector<96x96xi32>
    %ge3A_243 = arith.cmpi sge, %iota3A_241, %iota3A_242 : vector<96x96xi32>
    %convert_element_type3A_244 = arith.extui %ge3A_243 : vector<96x96xi1> to vector<96x96xi32>
    %convert_element_type3A_245 = arith.sitofp %convert_element_type3A_244 : vector<96x96xi32> to vector<96x96xf32>
    %dot_general3A_246 = arith.constant dense<0.000000e+00> : vector<96x1xf32>
    %dot_general3A_247 = tpu.matmul %convert_element_type3A_245, %convert_element_type3A_240, %dot_general3A_246 {dimension_numbers = #tpu.dot_dimension_numbers<[1], [0], [0], [1], [0, 0, 1, 1], [], []>, transpose_lhs_hint = false} : vector<96x96xf32>, vector<96x1xf32>, vector<96x1xf32> -> vector<96x1xf32>
    %convert_element_type3A_248 = arith.fptosi %dot_general3A_247 : vector<96x1xf32> to vector<96x1xi32>
    %sub3A_249 = arith.constant 1 : i32
    %sub3A_250 = vector.broadcast %sub3A_249 : i32 to vector<96x1xi32>
    %sub3A_251 = arith.subi %convert_element_type3A_248, %sub3A_250 : vector<96x1xi32>
    %rem3A = arith.constant 3 : i32
    %rem3A_252 = vector.broadcast %rem3A : i32 to vector<96x1xi32>
    %rem3A_253 = arith.remsi %sub3A_251, %rem3A_252 : vector<96x1xi32>
    %reduce_sum3A_254 = arith.constant dense<0.000000e+00> : vector<96xf32>
    %reduce_sum3A_255 = vector.multi_reduction <add>, %convert_element_type3A_240, %reduce_sum3A_254 [1] : vector<96x1xf32> to vector<96xf32>
    %convert_element_type3A_256 = arith.fptosi %reduce_sum3A_255 : vector<96xf32> to vector<96xi32>
    %swap3A_257 = arith.constant 0 : index
    %swap3A_258 = vector.load %arg8[%swap3A_257] : memref<96xi32, #tpu.memory_space<vmem>>, vector<96xi32>
    tpu.vector_store %arg8[%swap3A_257], %convert_element_type3A_256 {strides = array<i32>} : memref<96xi32, #tpu.memory_space<vmem>>, vector<96xi32>,
    %reduce_sum3A_259 = arith.constant dense<0> : vector<96xi32>
    %reduce_sum3A_260 = vector.multi_reduction <add>, %rem3A_253, %reduce_sum3A_259 [1] : vector<96x1xi32> to vector<96xi32>
    %swap3A_261 = arith.constant 0 : index
    %swap3A_262 = vector.load %arg9[%swap3A_261] : memref<96xi32, #tpu.memory_space<vmem>>, vector<96xi32>
    tpu.vector_store %arg9[%swap3A_261], %reduce_sum3A_260 {strides = array<i32>} : memref<96xi32, #tpu.memory_space<vmem>>, vector<96xi32>,
    return
  }
}

module attributes {stable_mosaic.version = 14 : i64} {
  func.func @_ffn_body(%arg0: i32, %arg1: memref<96xi32, #tpu.memory_space<smem>>, %arg2: memref<96xi32, #tpu.memory_space<smem>>, %arg3: memref<96xi32, #tpu.memory_space<smem>>, %arg4: memref<96xi32, #tpu.memory_space<smem>>, %arg5: memref<1x2048x1024xf32, #tpu.memory_space<vmem>>, %arg6: memref<8x128xi32, #tpu.memory_space<vmem>>, %arg7: memref<8x128xf32, #tpu.memory_space<vmem>>, %arg8: memref<64x1024x512xf32, #tpu.memory_space<any>>, %arg9: memref<64x1024x512xf32, #tpu.memory_space<any>>, %arg10: memref<64x512x1024xf32, #tpu.memory_space<any>>, %arg11: memref<128x1024xf32, #tpu.memory_space<vmem>>, %arg12: memref<3x1024x512xf32, #tpu.memory_space<vmem>>, %arg13: memref<3x1024x512xf32, #tpu.memory_space<vmem>>, %arg14: memref<3x512x1024xf32, #tpu.memory_space<vmem>>, %arg15: memref<3x!tpu.dma_semaphore, #tpu.memory_space<semaphore_mem>>, %arg16: memref<3x!tpu.dma_semaphore, #tpu.memory_space<semaphore_mem>>, %arg17: memref<3x!tpu.dma_semaphore, #tpu.memory_space<semaphore_mem>>) attributes {dimension_semantics = [#tpu.dimension_semantics<arbitrary>], iteration_bounds = array<i64: 96>, scalar_prefetch = 4 : i64, scratch_operands = 6 : i64, tpu.core_type = #tpu.core_type<tc>, window_params = [{pipeline_mode = #tpu.pipeline_mode<synchronous>, transform_indices = @transform_0, window_bounds = array<i64: 1, 2048, 1024>}, {transform_indices = @transform_1, window_bounds = array<i64: 8, 128>}, {transform_indices = @transform_2, window_bounds = array<i64: 8, 128>}, {}, {}, {}, {transform_indices = @transform_6, window_bounds = array<i64: 128, 1024>}]} {
    %eq3A = arith.constant 0 : i32
    %eq3A_0 = arith.cmpi eq, %arg0, %eq3A : i32
    %convert_element_type3A = arith.extui %eq3A_0 : i1 to i32
    %cond3A = arith.constant 0 : i32
    %cond3A_1 = arith.cmpi ne, %convert_element_type3A, %cond3A : i32
    scf.if %cond3A_1 {
      %get3A_19 = arith.constant 0 : index
      %get3A_20 = memref.load %arg3[%get3A_19] : memref<96xi32, #tpu.memory_space<smem>>
      %ne3A_21 = arith.constant 0 : i32
      %ne3A_22 = arith.cmpi ne, %get3A_20, %ne3A_21 : i32
      %convert_element_type3A_23 = arith.extui %ne3A_22 : i1 to i32
      %cond3A_24 = arith.constant 0 : i32
      %cond3A_25 = arith.cmpi ne, %convert_element_type3A_23, %cond3A_24 : i32
      scf.if %cond3A_25 {
        %get3A_33 = arith.constant 0 : index
        %get3A_34 = memref.load %arg1[%get3A_33] : memref<96xi32, #tpu.memory_space<smem>>
        %get3A_35 = arith.constant 0 : index
        %get3A_36 = memref.load %arg4[%get3A_35] : memref<96xi32, #tpu.memory_space<smem>>
        %dma_start3A = tpu.memref_slice %arg15[%get3A_36] : memref<3x!tpu.dma_semaphore, #tpu.memory_space<semaphore_mem>> -> memref<1x!tpu.dma_semaphore, #tpu.memory_space<semaphore_mem>>
        %dma_start3A_37 = tpu.memref_squeeze %dma_start3A : memref<1x!tpu.dma_semaphore, #tpu.memory_space<semaphore_mem>> -> memref<!tpu.dma_semaphore, #tpu.memory_space<semaphore_mem>>
        %dma_start3A_38 = arith.constant 0 : i32
        %dma_start3A_39 = arith.constant 0 : i32
        %dma_start3A_40 = tpu.memref_slice %arg12[%get3A_36, %dma_start3A_38, %dma_start3A_39] : memref<3x1024x512xf32, #tpu.memory_space<vmem>> -> memref<1x1024x512xf32, #tpu.memory_space<vmem>>
        %dma_start3A_41 = tpu.memref_squeeze %dma_start3A_40 : memref<1x1024x512xf32, #tpu.memory_space<vmem>> -> memref<1024x512xf32, #tpu.memory_space<vmem>>
        %dma_start3A_42 = arith.constant 0 : i32
        %dma_start3A_43 = arith.constant 0 : i32
        %dma_start3A_44 = tpu.memref_slice %arg8[%get3A_34, %dma_start3A_42, %dma_start3A_43] : memref<64x1024x512xf32, #tpu.memory_space<any>> -> memref<1x1024x512xf32, #tpu.memory_space<any>>
        %dma_start3A_45 = tpu.memref_squeeze %dma_start3A_44 : memref<1x1024x512xf32, #tpu.memory_space<any>> -> memref<1024x512xf32, #tpu.memory_space<any>>
        tpu.enqueue_dma source(%dma_start3A_45 : memref<1024x512xf32, #tpu.memory_space<any>>) target(%dma_start3A_41 : memref<1024x512xf32, #tpu.memory_space<vmem>>) target_semaphore(%dma_start3A_37 : memref<!tpu.dma_semaphore, #tpu.memory_space<semaphore_mem>>)
        %dma_start3A_46 = tpu.memref_slice %arg16[%get3A_36] : memref<3x!tpu.dma_semaphore, #tpu.memory_space<semaphore_mem>> -> memref<1x!tpu.dma_semaphore, #tpu.memory_space<semaphore_mem>>
        %dma_start3A_47 = tpu.memref_squeeze %dma_start3A_46 : memref<1x!tpu.dma_semaphore, #tpu.memory_space<semaphore_mem>> -> memref<!tpu.dma_semaphore, #tpu.memory_space<semaphore_mem>>
        %dma_start3A_48 = arith.constant 0 : i32
        %dma_start3A_49 = arith.constant 0 : i32
        %dma_start3A_50 = tpu.memref_slice %arg13[%get3A_36, %dma_start3A_48, %dma_start3A_49] : memref<3x1024x512xf32, #tpu.memory_space<vmem>> -> memref<1x1024x512xf32, #tpu.memory_space<vmem>>
        %dma_start3A_51 = tpu.memref_squeeze %dma_start3A_50 : memref<1x1024x512xf32, #tpu.memory_space<vmem>> -> memref<1024x512xf32, #tpu.memory_space<vmem>>
        %dma_start3A_52 = arith.constant 0 : i32
        %dma_start3A_53 = arith.constant 0 : i32
        %dma_start3A_54 = tpu.memref_slice %arg9[%get3A_34, %dma_start3A_52, %dma_start3A_53] : memref<64x1024x512xf32, #tpu.memory_space<any>> -> memref<1x1024x512xf32, #tpu.memory_space<any>>
        %dma_start3A_55 = tpu.memref_squeeze %dma_start3A_54 : memref<1x1024x512xf32, #tpu.memory_space<any>> -> memref<1024x512xf32, #tpu.memory_space<any>>
        tpu.enqueue_dma source(%dma_start3A_55 : memref<1024x512xf32, #tpu.memory_space<any>>) target(%dma_start3A_51 : memref<1024x512xf32, #tpu.memory_space<vmem>>) target_semaphore(%dma_start3A_47 : memref<!tpu.dma_semaphore, #tpu.memory_space<semaphore_mem>>)
        %dma_start3A_56 = tpu.memref_slice %arg17[%get3A_36] : memref<3x!tpu.dma_semaphore, #tpu.memory_space<semaphore_mem>> -> memref<1x!tpu.dma_semaphore, #tpu.memory_space<semaphore_mem>>
        %dma_start3A_57 = tpu.memref_squeeze %dma_start3A_56 : memref<1x!tpu.dma_semaphore, #tpu.memory_space<semaphore_mem>> -> memref<!tpu.dma_semaphore, #tpu.memory_space<semaphore_mem>>
        %dma_start3A_58 = arith.constant 0 : i32
        %dma_start3A_59 = arith.constant 0 : i32
        %dma_start3A_60 = tpu.memref_slice %arg14[%get3A_36, %dma_start3A_58, %dma_start3A_59] : memref<3x512x1024xf32, #tpu.memory_space<vmem>> -> memref<1x512x1024xf32, #tpu.memory_space<vmem>>
        %dma_start3A_61 = tpu.memref_squeeze %dma_start3A_60 : memref<1x512x1024xf32, #tpu.memory_space<vmem>> -> memref<512x1024xf32, #tpu.memory_space<vmem>>
        %dma_start3A_62 = arith.constant 0 : i32
        %dma_start3A_63 = arith.constant 0 : i32
        %dma_start3A_64 = tpu.memref_slice %arg10[%get3A_34, %dma_start3A_62, %dma_start3A_63] : memref<64x512x1024xf32, #tpu.memory_space<any>> -> memref<1x512x1024xf32, #tpu.memory_space<any>>
        %dma_start3A_65 = tpu.memref_squeeze %dma_start3A_64 : memref<1x512x1024xf32, #tpu.memory_space<any>> -> memref<512x1024xf32, #tpu.memory_space<any>>
        tpu.enqueue_dma source(%dma_start3A_65 : memref<512x1024xf32, #tpu.memory_space<any>>) target(%dma_start3A_61 : memref<512x1024xf32, #tpu.memory_space<vmem>>) target_semaphore(%dma_start3A_57 : memref<!tpu.dma_semaphore, #tpu.memory_space<semaphore_mem>>)
      } else {
      }
      %get3A_26 = arith.constant 1 : index
      %get3A_27 = memref.load %arg3[%get3A_26] : memref<96xi32, #tpu.memory_space<smem>>
      %ne3A_28 = arith.constant 0 : i32
      %ne3A_29 = arith.cmpi ne, %get3A_27, %ne3A_28 : i32
      %convert_element_type3A_30 = arith.extui %ne3A_29 : i1 to i32
      %cond3A_31 = arith.constant 0 : i32
      %cond3A_32 = arith.cmpi ne, %convert_element_type3A_30, %cond3A_31 : i32
      scf.if %cond3A_32 {
        %get3A_33 = arith.constant 1 : index
        %get3A_34 = memref.load %arg1[%get3A_33] : memref<96xi32, #tpu.memory_space<smem>>
        %get3A_35 = arith.constant 1 : index
        %get3A_36 = memref.load %arg4[%get3A_35] : memref<96xi32, #tpu.memory_space<smem>>
        %dma_start3A = tpu.memref_slice %arg15[%get3A_36] : memref<3x!tpu.dma_semaphore, #tpu.memory_space<semaphore_mem>> -> memref<1x!tpu.dma_semaphore, #tpu.memory_space<semaphore_mem>>
        %dma_start3A_37 = tpu.memref_squeeze %dma_start3A : memref<1x!tpu.dma_semaphore, #tpu.memory_space<semaphore_mem>> -> memref<!tpu.dma_semaphore, #tpu.memory_space<semaphore_mem>>
        %dma_start3A_38 = arith.constant 0 : i32
        %dma_start3A_39 = arith.constant 0 : i32
        %dma_start3A_40 = tpu.memref_slice %arg12[%get3A_36, %dma_start3A_38, %dma_start3A_39] : memref<3x1024x512xf32, #tpu.memory_space<vmem>> -> memref<1x1024x512xf32, #tpu.memory_space<vmem>>
        %dma_start3A_41 = tpu.memref_squeeze %dma_start3A_40 : memref<1x1024x512xf32, #tpu.memory_space<vmem>> -> memref<1024x512xf32, #tpu.memory_space<vmem>>
        %dma_start3A_42 = arith.constant 0 : i32
        %dma_start3A_43 = arith.constant 0 : i32
        %dma_start3A_44 = tpu.memref_slice %arg8[%get3A_34, %dma_start3A_42, %dma_start3A_43] : memref<64x1024x512xf32, #tpu.memory_space<any>> -> memref<1x1024x512xf32, #tpu.memory_space<any>>
        %dma_start3A_45 = tpu.memref_squeeze %dma_start3A_44 : memref<1x1024x512xf32, #tpu.memory_space<any>> -> memref<1024x512xf32, #tpu.memory_space<any>>
        tpu.enqueue_dma source(%dma_start3A_45 : memref<1024x512xf32, #tpu.memory_space<any>>) target(%dma_start3A_41 : memref<1024x512xf32, #tpu.memory_space<vmem>>) target_semaphore(%dma_start3A_37 : memref<!tpu.dma_semaphore, #tpu.memory_space<semaphore_mem>>)
        %dma_start3A_46 = tpu.memref_slice %arg16[%get3A_36] : memref<3x!tpu.dma_semaphore, #tpu.memory_space<semaphore_mem>> -> memref<1x!tpu.dma_semaphore, #tpu.memory_space<semaphore_mem>>
        %dma_start3A_47 = tpu.memref_squeeze %dma_start3A_46 : memref<1x!tpu.dma_semaphore, #tpu.memory_space<semaphore_mem>> -> memref<!tpu.dma_semaphore, #tpu.memory_space<semaphore_mem>>
        %dma_start3A_48 = arith.constant 0 : i32
        %dma_start3A_49 = arith.constant 0 : i32
        %dma_start3A_50 = tpu.memref_slice %arg13[%get3A_36, %dma_start3A_48, %dma_start3A_49] : memref<3x1024x512xf32, #tpu.memory_space<vmem>> -> memref<1x1024x512xf32, #tpu.memory_space<vmem>>
        %dma_start3A_51 = tpu.memref_squeeze %dma_start3A_50 : memref<1x1024x512xf32, #tpu.memory_space<vmem>> -> memref<1024x512xf32, #tpu.memory_space<vmem>>
        %dma_start3A_52 = arith.constant 0 : i32
        %dma_start3A_53 = arith.constant 0 : i32
        %dma_start3A_54 = tpu.memref_slice %arg9[%get3A_34, %dma_start3A_52, %dma_start3A_53] : memref<64x1024x512xf32, #tpu.memory_space<any>> -> memref<1x1024x512xf32, #tpu.memory_space<any>>
        %dma_start3A_55 = tpu.memref_squeeze %dma_start3A_54 : memref<1x1024x512xf32, #tpu.memory_space<any>> -> memref<1024x512xf32, #tpu.memory_space<any>>
        tpu.enqueue_dma source(%dma_start3A_55 : memref<1024x512xf32, #tpu.memory_space<any>>) target(%dma_start3A_51 : memref<1024x512xf32, #tpu.memory_space<vmem>>) target_semaphore(%dma_start3A_47 : memref<!tpu.dma_semaphore, #tpu.memory_space<semaphore_mem>>)
        %dma_start3A_56 = tpu.memref_slice %arg17[%get3A_36] : memref<3x!tpu.dma_semaphore, #tpu.memory_space<semaphore_mem>> -> memref<1x!tpu.dma_semaphore, #tpu.memory_space<semaphore_mem>>
        %dma_start3A_57 = tpu.memref_squeeze %dma_start3A_56 : memref<1x!tpu.dma_semaphore, #tpu.memory_space<semaphore_mem>> -> memref<!tpu.dma_semaphore, #tpu.memory_space<semaphore_mem>>
        %dma_start3A_58 = arith.constant 0 : i32
        %dma_start3A_59 = arith.constant 0 : i32
        %dma_start3A_60 = tpu.memref_slice %arg14[%get3A_36, %dma_start3A_58, %dma_start3A_59] : memref<3x512x1024xf32, #tpu.memory_space<vmem>> -> memref<1x512x1024xf32, #tpu.memory_space<vmem>>
        %dma_start3A_61 = tpu.memref_squeeze %dma_start3A_60 : memref<1x512x1024xf32, #tpu.memory_space<vmem>> -> memref<512x1024xf32, #tpu.memory_space<vmem>>
        %dma_start3A_62 = arith.constant 0 : i32
        %dma_start3A_63 = arith.constant 0 : i32
        %dma_start3A_64 = tpu.memref_slice %arg10[%get3A_34, %dma_start3A_62, %dma_start3A_63] : memref<64x512x1024xf32, #tpu.memory_space<any>> -> memref<1x512x1024xf32, #tpu.memory_space<any>>
        %dma_start3A_65 = tpu.memref_squeeze %dma_start3A_64 : memref<1x512x1024xf32, #tpu.memory_space<any>> -> memref<512x1024xf32, #tpu.memory_space<any>>
        tpu.enqueue_dma source(%dma_start3A_65 : memref<512x1024xf32, #tpu.memory_space<any>>) target(%dma_start3A_61 : memref<512x1024xf32, #tpu.memory_space<vmem>>) target_semaphore(%dma_start3A_57 : memref<!tpu.dma_semaphore, #tpu.memory_space<semaphore_mem>>)
      } else {
      }
    } else {
    }
    %add3A = arith.constant 2 : i32
    %add3A_2 = arith.addi %arg0, %add3A : i32
    %lt3A = arith.constant 96 : i32
    %lt3A_3 = arith.cmpi slt, %add3A_2, %lt3A : i32
    %convert_element_type3A_4 = arith.extui %lt3A_3 : i1 to i32
    %cond3A_5 = arith.constant 0 : i32
    %cond3A_6 = arith.cmpi ne, %convert_element_type3A_4, %cond3A_5 : i32
    scf.if %cond3A_6 {
      %add3A_19 = arith.constant 2 : i32
      %add3A_20 = arith.addi %arg0, %add3A_19 : i32
      %get3A_21 = arith.index_cast %add3A_20 : i32 to index
      %get3A_22 = memref.load %arg3[%get3A_21] : memref<96xi32, #tpu.memory_space<smem>>
      %ne3A_23 = arith.constant 0 : i32
      %ne3A_24 = arith.cmpi ne, %get3A_22, %ne3A_23 : i32
      %convert_element_type3A_25 = arith.extui %ne3A_24 : i1 to i32
      %cond3A_26 = arith.constant 0 : i32
      %cond3A_27 = arith.cmpi ne, %convert_element_type3A_25, %cond3A_26 : i32
      scf.if %cond3A_27 {
        %add3A_28 = arith.constant 2 : i32
        %add3A_29 = arith.addi %arg0, %add3A_28 : i32
        %get3A_30 = arith.index_cast %add3A_29 : i32 to index
        %get3A_31 = memref.load %arg1[%get3A_30] : memref<96xi32, #tpu.memory_space<smem>>
        %get3A_32 = arith.index_cast %add3A_29 : i32 to index
        %get3A_33 = memref.load %arg4[%get3A_32] : memref<96xi32, #tpu.memory_space<smem>>
        %dma_start3A = tpu.memref_slice %arg15[%get3A_33] : memref<3x!tpu.dma_semaphore, #tpu.memory_space<semaphore_mem>> -> memref<1x!tpu.dma_semaphore, #tpu.memory_space<semaphore_mem>>
        %dma_start3A_34 = tpu.memref_squeeze %dma_start3A : memref<1x!tpu.dma_semaphore, #tpu.memory_space<semaphore_mem>> -> memref<!tpu.dma_semaphore, #tpu.memory_space<semaphore_mem>>
        %dma_start3A_35 = arith.constant 0 : i32
        %dma_start3A_36 = arith.constant 0 : i32
        %dma_start3A_37 = tpu.memref_slice %arg12[%get3A_33, %dma_start3A_35, %dma_start3A_36] : memref<3x1024x512xf32, #tpu.memory_space<vmem>> -> memref<1x1024x512xf32, #tpu.memory_space<vmem>>
        %dma_start3A_38 = tpu.memref_squeeze %dma_start3A_37 : memref<1x1024x512xf32, #tpu.memory_space<vmem>> -> memref<1024x512xf32, #tpu.memory_space<vmem>>
        %dma_start3A_39 = arith.constant 0 : i32
        %dma_start3A_40 = arith.constant 0 : i32
        %dma_start3A_41 = tpu.memref_slice %arg8[%get3A_31, %dma_start3A_39, %dma_start3A_40] : memref<64x1024x512xf32, #tpu.memory_space<any>> -> memref<1x1024x512xf32, #tpu.memory_space<any>>
        %dma_start3A_42 = tpu.memref_squeeze %dma_start3A_41 : memref<1x1024x512xf32, #tpu.memory_space<any>> -> memref<1024x512xf32, #tpu.memory_space<any>>
        tpu.enqueue_dma source(%dma_start3A_42 : memref<1024x512xf32, #tpu.memory_space<any>>) target(%dma_start3A_38 : memref<1024x512xf32, #tpu.memory_space<vmem>>) target_semaphore(%dma_start3A_34 : memref<!tpu.dma_semaphore, #tpu.memory_space<semaphore_mem>>)
        %dma_start3A_43 = tpu.memref_slice %arg16[%get3A_33] : memref<3x!tpu.dma_semaphore, #tpu.memory_space<semaphore_mem>> -> memref<1x!tpu.dma_semaphore, #tpu.memory_space<semaphore_mem>>
        %dma_start3A_44 = tpu.memref_squeeze %dma_start3A_43 : memref<1x!tpu.dma_semaphore, #tpu.memory_space<semaphore_mem>> -> memref<!tpu.dma_semaphore, #tpu.memory_space<semaphore_mem>>
        %dma_start3A_45 = arith.constant 0 : i32
        %dma_start3A_46 = arith.constant 0 : i32
        %dma_start3A_47 = tpu.memref_slice %arg13[%get3A_33, %dma_start3A_45, %dma_start3A_46] : memref<3x1024x512xf32, #tpu.memory_space<vmem>> -> memref<1x1024x512xf32, #tpu.memory_space<vmem>>
        %dma_start3A_48 = tpu.memref_squeeze %dma_start3A_47 : memref<1x1024x512xf32, #tpu.memory_space<vmem>> -> memref<1024x512xf32, #tpu.memory_space<vmem>>
        %dma_start3A_49 = arith.constant 0 : i32
        %dma_start3A_50 = arith.constant 0 : i32
        %dma_start3A_51 = tpu.memref_slice %arg9[%get3A_31, %dma_start3A_49, %dma_start3A_50] : memref<64x1024x512xf32, #tpu.memory_space<any>> -> memref<1x1024x512xf32, #tpu.memory_space<any>>
        %dma_start3A_52 = tpu.memref_squeeze %dma_start3A_51 : memref<1x1024x512xf32, #tpu.memory_space<any>> -> memref<1024x512xf32, #tpu.memory_space<any>>
        tpu.enqueue_dma source(%dma_start3A_52 : memref<1024x512xf32, #tpu.memory_space<any>>) target(%dma_start3A_48 : memref<1024x512xf32, #tpu.memory_space<vmem>>) target_semaphore(%dma_start3A_44 : memref<!tpu.dma_semaphore, #tpu.memory_space<semaphore_mem>>)
        %dma_start3A_53 = tpu.memref_slice %arg17[%get3A_33] : memref<3x!tpu.dma_semaphore, #tpu.memory_space<semaphore_mem>> -> memref<1x!tpu.dma_semaphore, #tpu.memory_space<semaphore_mem>>
        %dma_start3A_54 = tpu.memref_squeeze %dma_start3A_53 : memref<1x!tpu.dma_semaphore, #tpu.memory_space<semaphore_mem>> -> memref<!tpu.dma_semaphore, #tpu.memory_space<semaphore_mem>>
        %dma_start3A_55 = arith.constant 0 : i32
        %dma_start3A_56 = arith.constant 0 : i32
        %dma_start3A_57 = tpu.memref_slice %arg14[%get3A_33, %dma_start3A_55, %dma_start3A_56] : memref<3x512x1024xf32, #tpu.memory_space<vmem>> -> memref<1x512x1024xf32, #tpu.memory_space<vmem>>
        %dma_start3A_58 = tpu.memref_squeeze %dma_start3A_57 : memref<1x512x1024xf32, #tpu.memory_space<vmem>> -> memref<512x1024xf32, #tpu.memory_space<vmem>>
        %dma_start3A_59 = arith.constant 0 : i32
        %dma_start3A_60 = arith.constant 0 : i32
        %dma_start3A_61 = tpu.memref_slice %arg10[%get3A_31, %dma_start3A_59, %dma_start3A_60] : memref<64x512x1024xf32, #tpu.memory_space<any>> -> memref<1x512x1024xf32, #tpu.memory_space<any>>
        %dma_start3A_62 = tpu.memref_squeeze %dma_start3A_61 : memref<1x512x1024xf32, #tpu.memory_space<any>> -> memref<512x1024xf32, #tpu.memory_space<any>>
        tpu.enqueue_dma source(%dma_start3A_62 : memref<512x1024xf32, #tpu.memory_space<any>>) target(%dma_start3A_58 : memref<512x1024xf32, #tpu.memory_space<vmem>>) target_semaphore(%dma_start3A_54 : memref<!tpu.dma_semaphore, #tpu.memory_space<semaphore_mem>>)
      } else {
      }
    } else {
    }
    %get3A = arith.index_cast %arg0 : i32 to index
    %get3A_7 = memref.load %arg3[%get3A] : memref<96xi32, #tpu.memory_space<smem>>
    %ne3A = arith.constant 0 : i32
    %ne3A_8 = arith.cmpi ne, %get3A_7, %ne3A : i32
    %convert_element_type3A_9 = arith.extui %ne3A_8 : i1 to i32
    %cond3A_10 = arith.constant 0 : i32
    %cond3A_11 = arith.cmpi ne, %convert_element_type3A_9, %cond3A_10 : i32
    scf.if %cond3A_11 {
      %get3A_19 = arith.index_cast %arg0 : i32 to index
      %get3A_20 = memref.load %arg1[%get3A_19] : memref<96xi32, #tpu.memory_space<smem>>
      %get3A_21 = arith.index_cast %arg0 : i32 to index
      %get3A_22 = memref.load %arg4[%get3A_21] : memref<96xi32, #tpu.memory_space<smem>>
      %dma_wait3A = tpu.memref_slice %arg15[%get3A_22] : memref<3x!tpu.dma_semaphore, #tpu.memory_space<semaphore_mem>> -> memref<1x!tpu.dma_semaphore, #tpu.memory_space<semaphore_mem>>
      %dma_wait3A_23 = tpu.memref_squeeze %dma_wait3A : memref<1x!tpu.dma_semaphore, #tpu.memory_space<semaphore_mem>> -> memref<!tpu.dma_semaphore, #tpu.memory_space<semaphore_mem>>
      %dma_wait3A_24 = arith.constant 0 : i32
      %dma_wait3A_25 = arith.constant 0 : i32
      %dma_wait3A_26 = tpu.memref_slice %arg12[%get3A_22, %dma_wait3A_24, %dma_wait3A_25] : memref<3x1024x512xf32, #tpu.memory_space<vmem>> -> memref<1x1024x512xf32, #tpu.memory_space<vmem>>
      %dma_wait3A_27 = tpu.memref_squeeze %dma_wait3A_26 : memref<1x1024x512xf32, #tpu.memory_space<vmem>> -> memref<1024x512xf32, #tpu.memory_space<vmem>>
      %dma_wait3A_28 = arith.constant 0 : i32
      %dma_wait3A_29 = arith.constant 0 : i32
      %dma_wait3A_30 = tpu.memref_slice %arg8[%get3A_20, %dma_wait3A_28, %dma_wait3A_29] : memref<64x1024x512xf32, #tpu.memory_space<any>> -> memref<1x1024x512xf32, #tpu.memory_space<any>>
      %dma_wait3A_31 = tpu.memref_squeeze %dma_wait3A_30 : memref<1x1024x512xf32, #tpu.memory_space<any>> -> memref<1024x512xf32, #tpu.memory_space<any>>
      tpu.wait_dma2 semaphore(%dma_wait3A_23 : memref<!tpu.dma_semaphore, #tpu.memory_space<semaphore_mem>>) src(%dma_wait3A_31 : memref<1024x512xf32, #tpu.memory_space<any>>) dst(%dma_wait3A_27 : memref<1024x512xf32, #tpu.memory_space<vmem>>)
      %dma_wait3A_32 = tpu.memref_slice %arg16[%get3A_22] : memref<3x!tpu.dma_semaphore, #tpu.memory_space<semaphore_mem>> -> memref<1x!tpu.dma_semaphore, #tpu.memory_space<semaphore_mem>>
      %dma_wait3A_33 = tpu.memref_squeeze %dma_wait3A_32 : memref<1x!tpu.dma_semaphore, #tpu.memory_space<semaphore_mem>> -> memref<!tpu.dma_semaphore, #tpu.memory_space<semaphore_mem>>
      %dma_wait3A_34 = arith.constant 0 : i32
      %dma_wait3A_35 = arith.constant 0 : i32
      %dma_wait3A_36 = tpu.memref_slice %arg13[%get3A_22, %dma_wait3A_34, %dma_wait3A_35] : memref<3x1024x512xf32, #tpu.memory_space<vmem>> -> memref<1x1024x512xf32, #tpu.memory_space<vmem>>
      %dma_wait3A_37 = tpu.memref_squeeze %dma_wait3A_36 : memref<1x1024x512xf32, #tpu.memory_space<vmem>> -> memref<1024x512xf32, #tpu.memory_space<vmem>>
      %dma_wait3A_38 = arith.constant 0 : i32
      %dma_wait3A_39 = arith.constant 0 : i32
      %dma_wait3A_40 = tpu.memref_slice %arg9[%get3A_20, %dma_wait3A_38, %dma_wait3A_39] : memref<64x1024x512xf32, #tpu.memory_space<any>> -> memref<1x1024x512xf32, #tpu.memory_space<any>>
      %dma_wait3A_41 = tpu.memref_squeeze %dma_wait3A_40 : memref<1x1024x512xf32, #tpu.memory_space<any>> -> memref<1024x512xf32, #tpu.memory_space<any>>
      tpu.wait_dma2 semaphore(%dma_wait3A_33 : memref<!tpu.dma_semaphore, #tpu.memory_space<semaphore_mem>>) src(%dma_wait3A_41 : memref<1024x512xf32, #tpu.memory_space<any>>) dst(%dma_wait3A_37 : memref<1024x512xf32, #tpu.memory_space<vmem>>)
      %dma_wait3A_42 = tpu.memref_slice %arg17[%get3A_22] : memref<3x!tpu.dma_semaphore, #tpu.memory_space<semaphore_mem>> -> memref<1x!tpu.dma_semaphore, #tpu.memory_space<semaphore_mem>>
      %dma_wait3A_43 = tpu.memref_squeeze %dma_wait3A_42 : memref<1x!tpu.dma_semaphore, #tpu.memory_space<semaphore_mem>> -> memref<!tpu.dma_semaphore, #tpu.memory_space<semaphore_mem>>
      %dma_wait3A_44 = arith.constant 0 : i32
      %dma_wait3A_45 = arith.constant 0 : i32
      %dma_wait3A_46 = tpu.memref_slice %arg14[%get3A_22, %dma_wait3A_44, %dma_wait3A_45] : memref<3x512x1024xf32, #tpu.memory_space<vmem>> -> memref<1x512x1024xf32, #tpu.memory_space<vmem>>
      %dma_wait3A_47 = tpu.memref_squeeze %dma_wait3A_46 : memref<1x512x1024xf32, #tpu.memory_space<vmem>> -> memref<512x1024xf32, #tpu.memory_space<vmem>>
      %dma_wait3A_48 = arith.constant 0 : i32
      %dma_wait3A_49 = arith.constant 0 : i32
      %dma_wait3A_50 = tpu.memref_slice %arg10[%get3A_20, %dma_wait3A_48, %dma_wait3A_49] : memref<64x512x1024xf32, #tpu.memory_space<any>> -> memref<1x512x1024xf32, #tpu.memory_space<any>>
      %dma_wait3A_51 = tpu.memref_squeeze %dma_wait3A_50 : memref<1x512x1024xf32, #tpu.memory_space<any>> -> memref<512x1024xf32, #tpu.memory_space<any>>
      tpu.wait_dma2 semaphore(%dma_wait3A_43 : memref<!tpu.dma_semaphore, #tpu.memory_space<semaphore_mem>>) src(%dma_wait3A_51 : memref<512x1024xf32, #tpu.memory_space<any>>) dst(%dma_wait3A_47 : memref<512x1024xf32, #tpu.memory_space<vmem>>)
    } else {
    }
    %get3A_12 = arith.index_cast %arg0 : i32 to index
    %get3A_13 = memref.load %arg2[%get3A_12] : memref<96xi32, #tpu.memory_space<smem>>
    %ne3A_14 = arith.constant 0 : i32
    %ne3A_15 = arith.cmpi ne, %get3A_13, %ne3A_14 : i32
    %convert_element_type3A_16 = arith.extui %ne3A_15 : i1 to i32
    %cond3A_17 = arith.constant 0 : i32
    %cond3A_18 = arith.cmpi ne, %convert_element_type3A_16, %cond3A_17 : i32
    scf.if %cond3A_18 {
      %get3A_19 = arith.index_cast %arg0 : i32 to index
      %get3A_20 = memref.load %arg4[%get3A_19] : memref<96xi32, #tpu.memory_space<smem>>
      %rem3A = arith.constant 8 : i32
      %rem3A_21 = arith.remsi %arg0, %rem3A : i32
      %get3A_22 = arith.index_cast %rem3A_21 : i32 to index
      %get3A_23 = arith.constant 0 : index
      %get3A_24 = vector.load %arg6[%get3A_22, %get3A_23] : memref<8x128xi32, #tpu.memory_space<vmem>>, vector<1x128xi32>
      %iota3A = tpu.iota {dimensions = array<i32: 0>} : vector<2048x128xi32>
      %eq3A_25 = vector.broadcast %get3A_24 : vector<1x128xi32> to vector<2048x128xi32>
      %eq3A_26 = arith.cmpi eq, %iota3A, %eq3A_25 : vector<2048x128xi32>
      %convert_element_type3A_27 = arith.extui %eq3A_26 : vector<2048x128xi1> to vector<2048x128xi32>
      %convert_element_type3A_28 = arith.sitofp %convert_element_type3A_27 : vector<2048x128xi32> to vector<2048x128xf32>
      %get3A_29 = arith.constant 0 : index
      %get3A_30 = arith.constant 0 : index
      %get3A_31 = arith.constant 0 : index
      %get3A_32 = vector.load %arg5[%get3A_29, %get3A_30, %get3A_31] : memref<1x2048x1024xf32, #tpu.memory_space<vmem>>, vector<1x2048x1024xf32>
      %get3A_33 = vector.shape_cast %get3A_32 : vector<1x2048x1024xf32> to vector<2048x1024xf32>
      %dot_general3A = arith.constant dense<0.000000e+00> : vector<128x1024xf32>
      %dot_general3A_34 = tpu.matmul %convert_element_type3A_28, %get3A_33, %dot_general3A {dimension_numbers = #tpu.dot_dimension_numbers<[0], [0], [1], [1], [0, 1, 1, 1], [], []>, transpose_lhs_hint = false} : vector<2048x128xf32>, vector<2048x1024xf32>, vector<128x1024xf32> -> vector<128x1024xf32>
      %get3A_35 = arith.index_cast %get3A_20 : i32 to index
      %get3A_36 = arith.constant 0 : index
      %get3A_37 = arith.constant 0 : index
      %get3A_38 = vector.load %arg12[%get3A_35, %get3A_36, %get3A_37] : memref<3x1024x512xf32, #tpu.memory_space<vmem>>, vector<1x1024x512xf32>
      %get3A_39 = vector.shape_cast %get3A_38 : vector<1x1024x512xf32> to vector<1024x512xf32>
      %dot_general3A_40 = arith.constant dense<0.000000e+00> : vector<128x512xf32>
      %dot_general3A_41 = tpu.matmul %dot_general3A_34, %get3A_39, %dot_general3A_40 {dimension_numbers = #tpu.dot_dimension_numbers<[1], [0], [0], [1], [0, 0, 1, 1], [], []>, transpose_lhs_hint = false} : vector<128x1024xf32>, vector<1024x512xf32>, vector<128x512xf32> -> vector<128x512xf32>
      %get3A_42 = arith.index_cast %get3A_20 : i32 to index
      %get3A_43 = arith.constant 0 : index
      %get3A_44 = arith.constant 0 : index
      %get3A_45 = vector.load %arg13[%get3A_42, %get3A_43, %get3A_44] : memref<3x1024x512xf32, #tpu.memory_space<vmem>>, vector<1x1024x512xf32>
      %get3A_46 = vector.shape_cast %get3A_45 : vector<1x1024x512xf32> to vector<1024x512xf32>
      %dot_general3A_47 = arith.constant dense<0.000000e+00> : vector<128x512xf32>
      %dot_general3A_48 = tpu.matmul %dot_general3A_34, %get3A_46, %dot_general3A_47 {dimension_numbers = #tpu.dot_dimension_numbers<[1], [0], [0], [1], [0, 0, 1, 1], [], []>, transpose_lhs_hint = false} : vector<128x1024xf32>, vector<1024x512xf32>, vector<128x512xf32> -> vector<128x512xf32>
      %logistic3A = arith.negf %dot_general3A_41 : vector<128x512xf32>
      %logistic3A_49 = math.exp %logistic3A : vector<128x512xf32>
      %logistic3A_50 = arith.constant 1.000000e+00 : f32
      %logistic3A_51 = vector.broadcast %logistic3A_50 : f32 to vector<128x512xf32>
      %logistic3A_52 = arith.addf %logistic3A_51, %logistic3A_49 : vector<128x512xf32>
      %logistic3A_53 = arith.divf %logistic3A_51, %logistic3A_52 : vector<128x512xf32>
      %mul3A = arith.mulf %dot_general3A_41, %logistic3A_53 : vector<128x512xf32>
      %mul3A_54 = arith.mulf %mul3A, %dot_general3A_48 : vector<128x512xf32>
      %get3A_55 = arith.index_cast %get3A_20 : i32 to index
      %get3A_56 = arith.constant 0 : index
      %get3A_57 = arith.constant 0 : index
      %get3A_58 = vector.load %arg14[%get3A_55, %get3A_56, %get3A_57] : memref<3x512x1024xf32, #tpu.memory_space<vmem>>, vector<1x512x1024xf32>
      %get3A_59 = vector.shape_cast %get3A_58 : vector<1x512x1024xf32> to vector<512x1024xf32>
      %dot_general3A_60 = arith.constant dense<0.000000e+00> : vector<128x1024xf32>
      %dot_general3A_61 = tpu.matmul %mul3A_54, %get3A_59, %dot_general3A_60 {dimension_numbers = #tpu.dot_dimension_numbers<[1], [0], [0], [1], [0, 0, 1, 1], [], []>, transpose_lhs_hint = false} : vector<128x512xf32>, vector<512x1024xf32>, vector<128x1024xf32> -> vector<128x1024xf32>
      %get3A_62 = arith.index_cast %rem3A_21 : i32 to index
      %get3A_63 = arith.constant 0 : index
      %get3A_64 = vector.load %arg7[%get3A_62, %get3A_63] : memref<8x128xf32, #tpu.memory_space<vmem>>, vector<1x128xf32>
      %reshape3A = vector.shape_cast %get3A_64 : vector<1x128xf32> to vector<128x1xf32>
      %mul3A_65 = vector.broadcast %reshape3A : vector<128x1xf32> to vector<128x1024xf32>
      %mul3A_66 = arith.mulf %dot_general3A_61, %mul3A_65 : vector<128x1024xf32>
      %swap3A = arith.constant 0 : index
      %swap3A_67 = arith.constant 0 : index
      %swap3A_68 = vector.load %arg11[%swap3A, %swap3A_67] : memref<128x1024xf32, #tpu.memory_space<vmem>>, vector<128x1024xf32>
      tpu.vector_store %arg11[%swap3A, %swap3A_67], %mul3A_66 {strides = array<i32>} : memref<128x1024xf32, #tpu.memory_space<vmem>>, vector<128x1024xf32>,
    } else {
    }
    return
  }
  func.func @transform_0(%arg0: i32, %arg1: memref<96xi32, #tpu.memory_space<smem>>, %arg2: memref<96xi32, #tpu.memory_space<smem>>, %arg3: memref<96xi32, #tpu.memory_space<smem>>, %arg4: memref<96xi32, #tpu.memory_space<smem>>) -> (i32, i32, i32) {
    %c0_i32 = arith.constant 0 : i32
    %c0_i32_0 = arith.constant 0 : i32
    %c0_i32_1 = arith.constant 0 : i32
    %c0_i32_2 = arith.constant 0 : i32
    return %c0_i32, %c0_i32_0, %c0_i32_1 : i32, i32, i32
  }
  func.func @transform_1(%arg0: i32, %arg1: memref<96xi32, #tpu.memory_space<smem>>, %arg2: memref<96xi32, #tpu.memory_space<smem>>, %arg3: memref<96xi32, #tpu.memory_space<smem>>, %arg4: memref<96xi32, #tpu.memory_space<smem>>) -> (i32, i32) {
    %jit3A = arith.constant 8 : i32
    %div3A = arith.divsi %arg0, %jit3A : i32
    %sign3A = arith.constant 0 : i32
    %sign3A_0 = arith.cmpi sgt, %arg0, %sign3A : i32
    %sign3A_1 = arith.extui %sign3A_0 : i1 to i32
    %sign3A_2 = arith.constant 0 : i32
    %sign3A_3 = arith.cmpi slt, %arg0, %sign3A_2 : i32
    %sign3A_4 = arith.extui %sign3A_3 : i1 to i32
    %sign3A_5 = arith.subi %sign3A_1, %sign3A_4 : i32
    %sign3A_6 = arith.constant 0 : i32
    %sign3A_7 = arith.cmpi sgt, %jit3A, %sign3A_6 : i32
    %sign3A_8 = arith.extui %sign3A_7 : i1 to i32
    %sign3A_9 = arith.constant 0 : i32
    %sign3A_10 = arith.cmpi slt, %jit3A, %sign3A_9 : i32
    %sign3A_11 = arith.extui %sign3A_10 : i1 to i32
    %sign3A_12 = arith.subi %sign3A_8, %sign3A_11 : i32
    %ne3A = arith.cmpi ne, %sign3A_5, %sign3A_12 : i32
    %rem3A = arith.remsi %arg0, %jit3A : i32
    %ne3A_13 = arith.constant 0 : i32
    %ne3A_14 = arith.cmpi ne, %rem3A, %ne3A_13 : i32
    %and3A = arith.andi %ne3A, %ne3A_14 : i1
    %sub3A = arith.constant 1 : i32
    %sub3A_15 = arith.subi %div3A, %sub3A : i32
    %select_n3A = arith.select %and3A, %sub3A_15, %div3A : i32
    %c0_i32 = arith.constant 0 : i32
    %c0_i32_16 = arith.constant 0 : i32
    return %select_n3A, %c0_i32 : i32, i32
  }
  func.func @transform_2(%arg0: i32, %arg1: memref<96xi32, #tpu.memory_space<smem>>, %arg2: memref<96xi32, #tpu.memory_space<smem>>, %arg3: memref<96xi32, #tpu.memory_space<smem>>, %arg4: memref<96xi32, #tpu.memory_space<smem>>) -> (i32, i32) {
    %jit3A = arith.constant 8 : i32
    %div3A = arith.divsi %arg0, %jit3A : i32
    %sign3A = arith.constant 0 : i32
    %sign3A_0 = arith.cmpi sgt, %arg0, %sign3A : i32
    %sign3A_1 = arith.extui %sign3A_0 : i1 to i32
    %sign3A_2 = arith.constant 0 : i32
    %sign3A_3 = arith.cmpi slt, %arg0, %sign3A_2 : i32
    %sign3A_4 = arith.extui %sign3A_3 : i1 to i32
    %sign3A_5 = arith.subi %sign3A_1, %sign3A_4 : i32
    %sign3A_6 = arith.constant 0 : i32
    %sign3A_7 = arith.cmpi sgt, %jit3A, %sign3A_6 : i32
    %sign3A_8 = arith.extui %sign3A_7 : i1 to i32
    %sign3A_9 = arith.constant 0 : i32
    %sign3A_10 = arith.cmpi slt, %jit3A, %sign3A_9 : i32
    %sign3A_11 = arith.extui %sign3A_10 : i1 to i32
    %sign3A_12 = arith.subi %sign3A_8, %sign3A_11 : i32
    %ne3A = arith.cmpi ne, %sign3A_5, %sign3A_12 : i32
    %rem3A = arith.remsi %arg0, %jit3A : i32
    %ne3A_13 = arith.constant 0 : i32
    %ne3A_14 = arith.cmpi ne, %rem3A, %ne3A_13 : i32
    %and3A = arith.andi %ne3A, %ne3A_14 : i1
    %sub3A = arith.constant 1 : i32
    %sub3A_15 = arith.subi %div3A, %sub3A : i32
    %select_n3A = arith.select %and3A, %sub3A_15, %div3A : i32
    %c0_i32 = arith.constant 0 : i32
    %c0_i32_16 = arith.constant 0 : i32
    return %select_n3A, %c0_i32 : i32, i32
  }
  func.func @transform_6(%arg0: i32, %arg1: memref<96xi32, #tpu.memory_space<smem>>, %arg2: memref<96xi32, #tpu.memory_space<smem>>, %arg3: memref<96xi32, #tpu.memory_space<smem>>, %arg4: memref<96xi32, #tpu.memory_space<smem>>) -> (i32, i32) {
    %get3A = arith.index_cast %arg0 : i32 to index
    %get3A_0 = memref.load %arg2[%get3A] : memref<96xi32, #tpu.memory_space<smem>>
    %ne3A = arith.constant 0 : i32
    %ne3A_1 = arith.cmpi ne, %get3A_0, %ne3A : i32
    %jit3A = arith.constant 95 : i32
    %select_n3A = arith.select %ne3A_1, %arg0, %jit3A : i32
    %c0_i32 = arith.constant 0 : i32
    %c0_i32_2 = arith.constant 0 : i32
    return %select_n3A, %c0_i32 : i32, i32
  }
}

</mosaic_0001>

<sc_bundles>
// kernel: kernel.6.cloned.1.call-start
scs
__scs_entry_jumppad:
0x0: {  	(pc) =	sbr.rel $0x88, $3  }
0x1: {  	(tag) =	ssettag $0x0;
	lr =	simm.s32 $0x1  }
0x2: {  	[smem:$0x3F9C] =	sst lr;
	_ =	strace $0xD0000000  }
0x3: {  	_ = 	snop  }
0x4: {  	_ = 	snop  }
0x5: {  	_ = 	snop  }
0x6: {  	_ = 	snop  }
0x7: {  	_ = 	snop  }
__scs_overlays_trampoline_lowered:
0x8: {  	[smem:$0x3FAB] =	sst s0  }
0x9: {  	[smem:$0x3FAC] =	sst s1  }
0xa: {  	[smem:$0x3FAD] =	sst s2  }
0xb: {  	[smem:$0x3FAE] =	sst s3  }
0xc: {  	[smem:$0x3FAF] =	sst s4  }
0xd: {  	[smem:$0x3FB0] =	sst s5  }
0xe: {  	[smem:$0x3FB1] =	sst s6  }
0xf: {  	[smem:$0x3FB2] =	sst s7  }
0x10: {  	[smem:$0x3FB3] =	sst s8  }
0x11: {  	[smem:$0x3FB4] =	sst s9;
	s0 =	simm.s32 @!p0 $0x0  }
0x12: {  	s1 =	sld [smem:$0x3F9A];
	s0 =	simm.s32 @p0 $0x1  }
0x13: {  	[smem:$0x3FB5] =	sst s0;
	s0 =	simm.s32 @!p1 $0x0  }
0x14: {  	s2 =	sld [smem:$0x3F99];
	s0 =	simm.s32 @p1 $0x1  }
0x15: {  	[smem:$0x3FB6] =	sst s0;
	s0 =	simm.s32 @!p2 $0x0  }
0x16: {  	s3 =	sld [smem:$0x3FDB];
	s0 =	simm.s32 @p2 $0x1  }
0x17: {  	s4 =	simm.s32 $0x1BF5;
	[smem:$0x3FB8] =	sst s0  }
0x18: {  	s0 =	sld [smem:$0x3F9B];
	_ =	swait.ge [sflag:s4], $0x0  }
0x19: {  	s7 =	sld [smem:$0x3F9C]  }
0x1a: {  	s8 =	sadd.s32 $0xFFFFE003, lr  }
0x1b: {  	s9 =	sadd.s32 $0xFFFFFEF7, lr;
	s5 =	simm.s32 $0xFFFFFFFF;
	p2 =	slt.u32 s8, $0xFFFFF086  }
0x1c: {  	p1 =	slt.u32 s9, $0xF7A;
	s5 =	simm.s32 @!p2 $0x0  }
0x1d: {  	s5 =	simm.s32 @p1 $0x1;
	p0 =	seq.s32 s7, s2  }
0x1e: {  	s7 =	smul.u32 @!p0 $0xF7A, s2;
	p2 =	seq.s32 @!p0 s5, $0x0  }
0x1f: {  	s9 =	smul.u32 $0xF7A, s1;
	s8 =	simm.s32 @!p0 $0x1BF5;
	p2 =	por !p2, p0  }
0x20: {  	[sflag:s8] =	ssyncset.s32 @!p0 $0xFFFFF086;
	s6 =	sadd.s32 @!p0 s3, s7;
	s7 =	simm.s32 @!p0 $0x108  }
0x21: {  	s3 =	sadd.s32 s3, s9;
	s6 =	sadd.s32 @!p0 $0x88, s6;
	s7 =	simm.s32 @p2 $0x1082  }
0x22: {  	[simem:s7], [sflag:s8] =	dma.local @!p0 [hbm:s6], $0xF7A  }
0x23: {  	s9 =	sor.u32 $0xD0000000, s2;
	s6 =	simm.s32 $0x108;
	_ =	swait.ge @!p0 [sflag:s8], $0x0  }
0x24: {  	s3 =	sadd.s32 $0x88, s3;
	s6 =	simm.s32 @!p1 $0x1082;
	[sflag:s4] =	ssyncset.s32 $0xFFFFF086  }
0x25: {  	[simem:s6], [sflag:s4] =	dma.local [hbm:s3], $0xF7A  }
0x26: {  	[smem:$0x3F9C] =	sst s1;
	(tag) =	ssettag s2;
	_ =	strace s9  }
0x27: {  	s1 =	sld [smem:$0x3FAC]  }
0x28: {  	s2 =	sld [smem:$0x3FAD]  }
0x29: {  	s4 =	sld [smem:$0x3FAF]  }
0x2a: {  	p0 =	seq.s32 s5, $0x0;
	s5 =	sld [smem:$0x3FB0]  }
0x2b: {  	s6 =	sld [smem:$0x3FB1]  }
0x2c: {  	s7 =	sld [smem:$0x3FB2]  }
0x2d: {  	s3 =	simm.s32 $0x108;
	s8 =	sld [smem:$0x3FB3]  }
0x2e: {  	s3 =	simm.s32 @!p0 $0x1082;
	s9 =	sld [smem:$0x3FB4]  }
0x2f: {  	lr =	sadd.s32 s0, s3;
	s0 =	sld [smem:$0x3FAB]  }
0x30: {  	s3 =	sld [smem:$0x3FAE]  }
0x31: {  	[smem:$0x3FB7] =	sst s10  }
0x32: {  	s10 =	sld [smem:$0x3FB5];
	_ =	sdelay $0x3  }
0x33: {  	p0 =	seq.s32 s10, $0x1;
	s10 =	sld [smem:$0x3FB7];
	_ =	sdelay $0x3  }
0x34: {  	[smem:$0x3FB7] =	sst s10  }
0x35: {  	s10 =	sld [smem:$0x3FB6];
	_ =	sdelay $0x3  }
0x36: {  	p1 =	seq.s32 s10, $0x1;
	s10 =	sld [smem:$0x3FB7];
	_ =	sdelay $0x3  }
0x37: {  	[smem:$0x3FB7] =	sst s10  }
0x38: {  	s10 =	sld [smem:$0x3FB8]  }
0x39: {  	_ = 	snop;
	(pc) =	sbr.ind lr, $3  }
0x3a: {  	_ = 	snop  }
0x3b: {  	_ = 	snop  }
0x3c: {  	p2 =	seq.s32 s10, $0x1;
	s10 =	sld [smem:$0x3FB7]  }
0x3d: {  	_ =	shalt  }
0x3e: {  	_ =	shalt  }
0x3f: {  	_ =	shalt  }
0x40: {  	_ =	shalt  }
0x41: {  	_ =	shalt  }
0x42: {  	_ =	shalt  }
0x43: {  	_ =	shalt  }
0x44: {  	_ =	shalt  }
0x45: {  	_ =	shalt  }
0x46: {  	_ =	shalt  }
0x47: {  	_ =	shalt  }
0x48: {  	_ =	shalt  }
0x49: {  	_ =	shalt  }
0x4a: {  	_ =	shalt  }
0x4b: {  	_ =	shalt  }
0x4c: {  	_ =	shalt  }
0x4d: {  	_ =	shalt  }
0x4e: {  	_ =	shalt  }
0x4f: {  	_ =	shalt  }
0x50: {  	_ =	shalt  }
0x51: {  	_ =	shalt  }
0x52: {  	_ =	shalt  }
0x53: {  	_ =	shalt  }
0x54: {  	_ =	shalt  }
0x55: {  	_ =	shalt  }
0x56: {  	_ =	shalt  }
0x57: {  	_ =	shalt  }
0x58: {  	_ =	shalt  }
0x59: {  	_ =	shalt  }
0x5a: {  	_ =	shalt  }
0x5b: {  	_ =	shalt  }
0x5c: {  	_ =	shalt  }
0x5d: {  	_ =	shalt  }
0x5e: {  	_ =	shalt  }
0x5f: {  	_ =	shalt  }
0x60: {  	_ =	shalt  }
0x61: {  	_ =	shalt  }
0x62: {  	_ =	shalt  }
0x63: {  	_ =	shalt  }
0x64: {  	_ =	shalt  }
0x65: {  	_ =	shalt  }
0x66: {  	_ =	shalt  }
0x67: {  	_ =	shalt  }
0x68: {  	_ =	shalt  }
0x69: {  	_ =	shalt  }
0x6a: {  	_ =	shalt  }
0x6b: {  	_ =	shalt  }
0x6c: {  	_ =	shalt  }
0x6d: {  	_ =	shalt  }
0x6e: {  	_ =	shalt  }
0x6f: {  	_ =	shalt  }
0x70: {  	_ =	shalt  }
0x71: {  	_ =	shalt  }
0x72: {  	_ =	shalt  }
0x73: {  	_ =	shalt  }
0x74: {  	_ =	shalt  }
0x75: {  	_ =	shalt  }
0x76: {  	_ =	shalt  }
0x77: {  	_ =	shalt  }
0x78: {  	_ =	shalt  }
0x79: {  	_ =	shalt  }
0x7a: {  	_ =	shalt  }
0x7b: {  	_ =	shalt  }
0x7c: {  	_ =	shalt  }
0x7d: {  	_ =	shalt  }
0x7e: {  	_ =	shalt  }
0x7f: {  	_ =	shalt  }
0x80: {  	_ =	shalt  }
0x81: {  	_ =	shalt  }
0x82: {  	_ =	shalt  }
0x83: {  	_ =	shalt  }
0x84: {  	_ =	shalt  }
0x85: {  	_ =	shalt  }
0x86: {  	_ =	shalt  }
0x87: {  	_ =	shalt  }
.Lfunc_end0:
.L_simem_size_0:
called_computation_lowered:
.L_overlay_start_0:
0x88: {  	s2 =	sld [smem:$0x3FD9]  }
0x89: {  	s3 =	sld [smem:$0x3FFE];
	_ =	sdelay $0x1  }
0x8a: {  	s1 =	srdreg.scid  }
0x8b: {  	s0 =	sand.u32 $0x1, s1  }
0x8c: {  	s17 =	sshll.u32 s0, $0xA;
	s2 =	sadd.s32 s3, s2  }
0x8d: {  	s2 =	sadd.s32 s2, s17  }
0x8e: {  	[smem:$0x3FC3] =	sst s2  }
0x8f: {  	_ = 	snop  }
0x90: {  	s2 =	sld [smem:$0x3FD0];
	(tm) =	ssettm $0x1  }
0x91: {  	s18 =	sld [smem:$0x3FFB];
	_ =	sdelay $0x3  }
0x92: {  	_ =	strace s18  }
0x93: {  	s3 =	sld [smem:$0x3FFC];
	_ =	sdelay $0x3  }
0x94: {  	_ =	strace s3  }
0x95: {  	s3 =	sld [smem:$0x3FFD];
	_ =	sdelay $0x3  }
0x96: {  	_ =	strace s3  }
0x97: {  	_ =	strace $0x8FFFFFFF  }
0x98: {  	s19 =	sld [smem:$0x3FDB];
	_ =	sdelay $0x1  }
0x99: {  	s4 =	simm.s32 $_scs_section_size  }
0x9a: {  	s5 =	simm.s32 $_size__tile_overlayer_lowered;
	s6 =	simm.s32 $_tile_overlayer_lowered  }
0x9b: {  	s22 =	simm.s32 $0x1BFF;
	s21 =	sshll.u32 s6, $0x1;
	s3 =	sadd.s32 s4, s19  }
0x9c: {  	s7 =	simm.s32 $0x0;
	s20 =	sshll.u32 s5, $0x1;
	s5 =	sadd.s32 s21, s3  }
0x9d: {  	[timem:s7], [sflag:s22] =	dma.local [hbm:s5], s20  }
0x9e: {  	_ =	swait.ge [sflag:s22], s20  }
0x9f: {  	s4 =	ssub.s32 $0x0, s20;
	[sflag:s22] =	ssyncset.done $0x0  }
0xa0: {  	[sflag:s22] =	ssyncadd.s32 s4;
	_ =	sdelay $0x1  }
0xa1: {  	s23 =	simm.s32 $0x1B8B  }
0xa2: {  	_ =	swait.ge [sflag:s23], $0x1  }
0xa3: {  	[sflag:s23] =	ssyncset.done $0x0  }
0xa4: {  	s25 =	simm.s32 $0x1B8E;
	s24 =	sld [smem:$0x3FFE];
	[sflag:s23] =	ssyncadd.s32 $0xFFFFFFFF  }
0xa5: {  	s26 =	simm.s32 $execute0_lowered;
	[smem:$0x3FD2] =	sst s25  }
0xa6: {  	s5 =	sshll.u32 s26, $0x1;
	_ =	strace $0x80000046;
	[dreg:$0x1] =	wrdreg $0xFFFFFFFF  }
0xa7: {  	s28 =	simm.s32 $_size_execute0_lowered;
	s3 =	sadd.s32 s3, s5;
	[dreg:$0x0] =	wrdreg $0x0  }
0xa8: {  	s5 =	sshll.u32 s28, $0x1;
	[dreg:$0x2] =	wrdreg s3  }
0xa9: {  	[dreg:$0x3] =	wrdreg s5  }
0xaa: {  	[dreg:$0x4] =	wrdreg $0xC0  }
0xab: {  	_ =	task [dreg:s7], $0x5FFFF  }
0xac: {  	[dreg:$0x1] =	wrdreg $0xFFFFFFFF  }
0xad: {  	[dreg:$0x0] =	wrdreg $0x60  }
0xae: {  	[dreg:$0x2] =	wrdreg s24  }
0xaf: {  	[dreg:$0x3] =	wrdreg s2  }
0xb0: {  	[dreg:$0x4] =	wrdreg $0x9  }
0xb1: {  	_ =	task.clear_ibuf [dreg:s7], $0x5FFFF;
	_ =	strace $0x90000046  }
0xb2: {  	s29 =	simm.s32 $0x9;
	_ =	strace $0x80000048  }
0xb3: {  	_ =	swait.ge [sflag:s29], $0x1  }
0xb4: {  	[sflag:s29] =	ssyncadd.s32 $0xFFFFFFFF  }
0xb5: {  	_ =	strace $0x90000048  }
0xb6: {  	_ =	sfence  }
0xb7: {  	s30 =	sld [smem:$0x0];
	_ =	sdelay $0x2  }
0xb8: {  	s31 =	sshll.u32 s1, $0xD;
	s1 =	sshrl.u32 s1, $0x2  }
0xb9: {  	s3 =	sand.u32 $0x4000, s31;
	s1 =	sadd.s32 s1, s30  }
0xba: {  	s0 =	sor.u32 s3, s0;
	s1 =	sshll.u32 s1, $0x11  }
0xbb: {  	s0 =	sor.u32 s1, s0  }
0xbc: {  	s0 =	sadd.s32 $0x8F2B, s0  }
0xbd: {  	[sflag:s0] =	ssyncadd.remote.s32 $0x1  }
0xbe: {  	_ =	sfence.sel $0xFFFF  }
0xbf: {  	[dreg:$0x0] =	wrdreg $0xFFFFFFFF;
	(pc) =	sbr.abs _section_cstart, $3  }
0xc0: {  	[dreg:$0x1] =	wrdreg $0xFFFFFFFF  }
0xc1: {  	_ =	task.clear_ibuf [dreg:s7], $0x2FFFF;
	_ =	strace $0x9FFFFFFF  }
0xc2: {  	(tm) =	ssettm $0x7FFFFFFF  }
0xc3: {  	_ =	shalt  }
tec
execute0_lowered:
.L_overlay_start_1:
0x0: {  	(tag) =	ssettag $0x1  }
0x1: {  	s7 =	rddreg [dreg:$0x0];
	s1 =	srdreg.scid  }
0x2: {  	s0 =	stileid.u32;
	s8 =	rddreg [dreg:$0x1];
	s2 =	simm.s32 $0x0  }
0x3: {  	s13 =	simm.s32 $0x180;
	s6 =	sand.u32 $0x1, s1;
	s1 =	rddreg [dreg:$0x2]  }
0x4: {  	s14 =	simm.s32 $0x0;
	s3 =	sshll.u32 s0, $0x1;
	[smem:$0x7FF] =	sst s2  }
0x5: {  	s4 =	sadd.s32 $0x2000, s7;
	s3 =	sor.u32 s6, s3;
	s11 =	ssub.s32 $0x2, s6  }
0x6: {  	s5 =	sadd.s32 $0x2200, s7;
	s9 =	smul.u32 $0x180, s3;
	s31 =	sshrl.u32 s11, $0x1  }
0x7: {  	_ =	strace $0x80000047;
	s6 =	sadd.s32 $0x2400, s7;
	s11 =	ssub.s32 s11, s31  }
0x8: {  	s3 =	sadd.s32 $0x1E00, s7;
	s10 =	sshrl.u32 s9, $0x3;
	v0 =	vmov s9;
	s9 =	smax.u32 s11, $0x1  }
0x9: {  	s11 =	simm.s32 $0x1;
	s12 =	sadd.s32 s10, s7;
	s7 =	sadd.s32 s8, s10  }
0xa: {  	v1 =	vimm.s32 $0x0;
	v2 =	vimm.f32 $0.0e+00;
	v3 =	vlaneseq.u32;
	s10 =	simm.s32 $0x300;
	s8 =	sadd.s32 $0x2600, s12;
	s12 =	simm.s32 $0xB00  }
.LBB2_1:
0xb: {  	[tilespmem:$0x0] =	vst v1  }
0xc: {  	[tilespmem:$0x180] =	vst v2  }
0xd: {  	[tilespmem:$0x10] =	vst v1  }
0xe: {  	[tilespmem:$0x190] =	vst v2  }
0xf: {  	[tilespmem:$0x20] =	vst v1  }
0x10: {  	[tilespmem:$0x1A0] =	vst v2  }
0x11: {  	[tilespmem:$0x30] =	vst v1  }
0x12: {  	[tilespmem:$0x1B0] =	vst v2  }
0x13: {  	[tilespmem:$0x40] =	vst v1  }
0x14: {  	[tilespmem:$0x1C0] =	vst v2  }
0x15: {  	[tilespmem:$0x50] =	vst v1  }
0x16: {  	[tilespmem:$0x1D0] =	vst v2  }
0x17: {  	[tilespmem:$0x60] =	vst v1  }
0x18: {  	[tilespmem:$0x1E0] =	vst v2  }
0x19: {  	[tilespmem:$0x70] =	vst v1  }
0x1a: {  	[tilespmem:$0x1F0] =	vst v2  }
0x1b: {  	[tilespmem:$0x80] =	vst v1  }
0x1c: {  	[tilespmem:$0x200] =	vst v2  }
0x1d: {  	[tilespmem:$0x90] =	vst v1  }
0x1e: {  	[tilespmem:$0x210] =	vst v2  }
0x1f: {  	[tilespmem:$0xA0] =	vst v1  }
0x20: {  	[tilespmem:$0x220] =	vst v2  }
0x21: {  	[tilespmem:$0xB0] =	vst v1  }
0x22: {  	[tilespmem:$0x230] =	vst v2  }
0x23: {  	[tilespmem:$0xC0] =	vst v1  }
0x24: {  	[tilespmem:$0x240] =	vst v2  }
0x25: {  	[tilespmem:$0xD0] =	vst v1  }
0x26: {  	[tilespmem:$0x250] =	vst v2  }
0x27: {  	[tilespmem:$0xE0] =	vst v1  }
0x28: {  	[tilespmem:$0x260] =	vst v2  }
0x29: {  	[tilespmem:$0xF0] =	vst v1  }
0x2a: {  	[tilespmem:$0x270] =	vst v2  }
0x2b: {  	[tilespmem:$0x100] =	vst v1  }
0x2c: {  	[tilespmem:$0x280] =	vst v2  }
0x2d: {  	[tilespmem:$0x110] =	vst v1  }
0x2e: {  	[tilespmem:$0x290] =	vst v2  }
0x2f: {  	[tilespmem:$0x120] =	vst v1  }
0x30: {  	[tilespmem:$0x2A0] =	vst v2  }
0x31: {  	[tilespmem:$0x130] =	vst v1  }
0x32: {  	[tilespmem:$0x2B0] =	vst v2  }
0x33: {  	[tilespmem:$0x140] =	vst v1  }
0x34: {  	[tilespmem:$0x2C0] =	vst v2  }
0x35: {  	[tilespmem:$0x150] =	vst v1  }
0x36: {  	[tilespmem:$0x2D0] =	vst v2  }
0x37: {  	[tilespmem:$0x160] =	vst v1  }
0x38: {  	[tilespmem:$0x2E0] =	vst v2  }
0x39: {  	[tilespmem:$0x170] =	vst v1  }
0x3a: {  	[tilespmem:$0x2F0] =	vst v2  }
0x3b: {  	[tilespmem:s10], [sflag:$0x1] =	stream.linear.gather [hbm4b:s3+s2], $0x800, $0x38;
	[tilespmem:$0x1300] =	vst v63  }
0x3c: {  	_ =	swait.ge [sflag:s11], $0x800  }
0x3d: {  	[sflag:s11] =	ssyncset.done $0x0  }
0x3e: {  	[sflag:s11] =	ssyncadd.s32 $0xFFFFF800  }
0x3f: {  	[tilespmem:s12], [sflag:$0x1] =	stream.linear.gather [hbm4b:s5+s2], $0x800, $0x38;
	[tilespmem:$0x1300] =	vst v63  }
0x40: {  	_ =	swait.ge [sflag:s11], $0x800  }
0x41: {  	s15 =	simm.s32 $0xFFFFFFFE;
	s16 =	simm.s32 $0x310;
	[sflag:s11] =	ssyncset.done $0x0  }
0x42: {  	s17 =	simm.s32 $0xB10;
	s18 =	simm.s32 $0x10;
	[sflag:s11] =	ssyncadd.s32 $0xFFFFF800  }
.LBB2_2:
0x43: {  	v4 =	vld [tilespmem:s16+$0xFFFFFFF0];
	_ =	sdelay $0x4  }
0x44: {  	v5 =	vsub.s32 v4, v0  }
0x45: {  	v4 =	vand.u32 $0x7F, v4;
	vm0 =	vlt.u32 v5, $0x180;
	v5 =	vand.u32 $0xFFFFFF80, v5  }
0x46: {  	v4 =	vor.u32 v4, v5  }
0x47: {  	v5 =	vld [tilespmem:s17+$0xFFFFFFF0];
	_ =	sdelay $0x1  }
0x48: {  	s19 =	sadd.s32 $0xFFFFFFF0, s18  }
0x49: {  	v6 =	vor.u32 s19, v3  }
0x4a: {  	[tilespmem:v4+s2+$0x0] =	vst.idx.msk vm0, v6  }
0x4b: {  	[tilespmem:v4+s13+$0x0] =	vst.idx.msk vm0, v5  }
0x4c: {  	v4 =	vld [tilespmem:s16+$0x0];
	_ =	sdelay $0x4  }
0x4d: {  	v5 =	vsub.s32 v4, v0  }
0x4e: {  	v4 =	vand.u32 $0x7F, v4;
	vm15 =	vlt.u32 v5, $0x180;
	v5 =	vand.u32 $0xFFFFFF80, v5  }
0x4f: {  	s15 =	sadd.s32 $0x2, s15;
	v4 =	vor.u32 v4, v5  }
0x50: {  	p0 =	slt.u32 s15, $0x7E;
	v5 =	vld [tilespmem:s17+$0x0]  }
.Ltmp0:
0x51: {  	_ = 	snop;
	(pc) =	sbr.rel @p0 .LBB2_2-.Ltmp0, $4  }
0x52: {  	_ = 	snop  }
0x53: {  	v63 =	vor.u32 s18, v3  }
0x54: {  	[tilespmem:v4+s2+$0x0] =	vst.idx.msk vm15, v63  }
0x55: {  	s18 =	sadd.s32 $0x20, s18;
	s16 =	sadd.s32 $0x20, s16;
	s17 =	sadd.s32 $0x20, s17;
	[tilespmem:v4+s13+$0x0] =	vst.idx.msk vm15, v5  }
0x56: {  	[tilespmem:s10], [sflag:$0x1] =	stream.linear.gather [hbm4b:s4+s2], $0x800, $0x38;
	[tilespmem:$0x1300] =	vst v63  }
0x57: {  	_ =	swait.ge [sflag:s11], $0x800  }
0x58: {  	[sflag:s11] =	ssyncset.done $0x0  }
0x59: {  	[sflag:s11] =	ssyncadd.s32 $0xFFFFF800  }
0x5a: {  	[tilespmem:s12], [sflag:$0x1] =	stream.linear.gather [hbm4b:s6+s2], $0x800, $0x38;
	[tilespmem:$0x1300] =	vst v63  }
0x5b: {  	_ =	swait.ge [sflag:s11], $0x800  }
0x5c: {  	s15 =	simm.s32 $0xFFFFFFFE;
	s16 =	simm.s32 $0x310;
	[sflag:s11] =	ssyncset.done $0x0  }
0x5d: {  	s17 =	simm.s32 $0xB10;
	s18 =	simm.s32 $0x10;
	[sflag:s11] =	ssyncadd.s32 $0xFFFFF800  }
.LBB2_4:
0x5e: {  	v4 =	vld [tilespmem:s16+$0xFFFFFFF0];
	_ =	sdelay $0x4  }
0x5f: {  	v5 =	vsub.s32 v4, v0  }
0x60: {  	v4 =	vand.u32 $0x7F, v4;
	vm0 =	vlt.u32 v5, $0x180;
	v5 =	vand.u32 $0xFFFFFF80, v5  }
0x61: {  	v4 =	vor.u32 v4, v5  }
0x62: {  	v5 =	vld [tilespmem:s17+$0xFFFFFFF0];
	_ =	sdelay $0x1  }
0x63: {  	s19 =	sadd.s32 $0xFFFFFFF0, s18  }
0x64: {  	v6 =	vor.u32 s19, v3  }
0x65: {  	[tilespmem:v4+s2+$0x0] =	vst.idx.msk vm0, v6  }
0x66: {  	[tilespmem:v4+s13+$0x0] =	vst.idx.msk vm0, v5  }
0x67: {  	v4 =	vld [tilespmem:s16+$0x0];
	_ =	sdelay $0x4  }
0x68: {  	v5 =	vsub.s32 v4, v0  }
0x69: {  	v4 =	vand.u32 $0x7F, v4;
	vm15 =	vlt.u32 v5, $0x180;
	v5 =	vand.u32 $0xFFFFFF80, v5  }
0x6a: {  	s15 =	sadd.s32 $0x2, s15;
	v4 =	vor.u32 v4, v5  }
0x6b: {  	p0 =	slt.u32 s15, $0x7E;
	v5 =	vld [tilespmem:s17+$0x0]  }
.Ltmp1:
0x6c: {  	_ = 	snop;
	(pc) =	sbr.rel @p0 .LBB2_4-.Ltmp1, $4  }
0x6d: {  	_ = 	snop  }
0x6e: {  	v63 =	vor.u32 s18, v3  }
0x6f: {  	[tilespmem:v4+s2+$0x0] =	vst.idx.msk vm15, v63  }
0x70: {  	s18 =	sadd.s32 $0x20, s18;
	s16 =	sadd.s32 $0x20, s16;
	s17 =	sadd.s32 $0x20, s17;
	[tilespmem:v4+s13+$0x0] =	vst.idx.msk vm15, v5  }
0x71: {  	[hbm4b:s7+s2] =	stream.linear.scatter [tilespmem:s2], [sflag:$0x1], $0x180, $0x38;
	[tilespmem:$0x1300] =	vst v63  }
0x72: {  	s14 =	sadd.s32 $0x1, s14;
	_ =	swait.ge [sflag:s11], $0x180  }
0x73: {  	p0 =	sne.s32 s14, s9;
	[sflag:s11] =	ssyncset.done $0x0  }
.Ltmp2:
0x74: {  	[sflag:s11] =	ssyncadd.s32 $0xFFFFFE80;
	(pc) =	sbr.rel @p0 .LBB2_1-.Ltmp2, $4  }
0x75: {  	[hbm4b:s8+s2] =	stream.linear.scatter [tilespmem:s13], [sflag:$0x1], $0x180, $0x38;
	[tilespmem:$0x1300] =	vst v63  }
0x76: {  	_ =	swait.ge [sflag:s11], $0x180  }
0x77: {  	[sflag:s11] =	ssyncset.done $0x0  }
0x78: {  	[sflag:s11] =	ssyncadd.s32 $0xFFFFFE80  }
0x79: {  	_ =	sfence.sel $0x180000  }
0x7a: {  	[bflag:$0x0] =	sbarrier.arrive $0xFFFF  }
0x7b: {  	p0 =	sne.s32 s0, $0x0;
	_ =	strace $0x90000047  }
0x7c: {  	s0 =	sadd.s32 @!p0 $0x100000, s1;
	[bflag:$0x2] =	sbarrier.arrive $0xFFFF  }
0x7d: {  	[sflag:s0] =	ssyncadd.tile.s32 @!p0 $0x1;
	_ =	shalt  }
.Lfunc_end2:
_tile_overlayer_lowered:
.L_overlay_start_2:
0x7e: {  	(tag) =	ssettag $0x2  }
0x7f: {  	s0 =	rddreg [dreg:$0x0];
	s2 =	stileid.u32  }
0x80: {  	s1 =	rddreg [dreg:$0x1];
	p0 =	sne.s32 s2, $0x0  }
0x81: {  	s3 =	rddreg [dreg:$0x2];
	[bflag:$0x3] =	sbarrier.arrive $0xFFFF;
	s2 =	simm.s32 @!p0 $0x1C01  }
0x82: {  	[timem:s3], [sflag:s2] =	dma.local @!p0 [hbm:s0], s1  }
0x83: {  	s0 =	simm.s32 @!p0 $0x1  }
0x84: {  	_ =	swait.ge @!p0 [sflag:s0], s1  }
0x85: {  	s1 =	ssub.s32 @!p0 $0x0, s1;
	[sflag:s0] =	ssyncset.done @!p0 $0x0  }
0x86: {  	[sflag:s0] =	ssyncadd.s32 @!p0 s1  }
0x87: {  	[bflag:$0x3] =	sbarrier.arrive $0xFFFF  }
0x88: {  	_ =	shalt  }

// kernel: kernel.9.cloned.1.call-start
scs
__scs_entry_jumppad:
0x0: {  	(pc) =	sbr.rel $0x88, $3  }
0x1: {  	(tag) =	ssettag $0x0;
	lr =	simm.s32 $0x1  }
0x2: {  	[smem:$0x3F9C] =	sst lr;
	_ =	strace $0xD0000000  }
0x3: {  	_ = 	snop  }
0x4: {  	_ = 	snop  }
0x5: {  	_ = 	snop  }
0x6: {  	_ = 	snop  }
0x7: {  	_ = 	snop  }
__scs_overlays_trampoline_lowered:
0x8: {  	[smem:$0x3FAB] =	sst s0  }
0x9: {  	[smem:$0x3FAC] =	sst s1  }
0xa: {  	[smem:$0x3FAD] =	sst s2  }
0xb: {  	[smem:$0x3FAE] =	sst s3  }
0xc: {  	[smem:$0x3FAF] =	sst s4  }
0xd: {  	[smem:$0x3FB0] =	sst s5  }
0xe: {  	[smem:$0x3FB1] =	sst s6  }
0xf: {  	[smem:$0x3FB2] =	sst s7  }
0x10: {  	[smem:$0x3FB3] =	sst s8  }
0x11: {  	[smem:$0x3FB4] =	sst s9;
	s0 =	simm.s32 @!p0 $0x0  }
0x12: {  	s1 =	sld [smem:$0x3F9A];
	s0 =	simm.s32 @p0 $0x1  }
0x13: {  	[smem:$0x3FB5] =	sst s0;
	s0 =	simm.s32 @!p1 $0x0  }
0x14: {  	s2 =	sld [smem:$0x3F99];
	s0 =	simm.s32 @p1 $0x1  }
0x15: {  	[smem:$0x3FB6] =	sst s0;
	s0 =	simm.s32 @!p2 $0x0  }
0x16: {  	s3 =	sld [smem:$0x3FDB];
	s0 =	simm.s32 @p2 $0x1  }
0x17: {  	s4 =	simm.s32 $0x1BF5;
	[smem:$0x3FB8] =	sst s0  }
0x18: {  	s0 =	sld [smem:$0x3F9B];
	_ =	swait.ge [sflag:s4], $0x0  }
0x19: {  	s7 =	sld [smem:$0x3F9C]  }
0x1a: {  	s8 =	sadd.s32 $0xFFFFE003, lr  }
0x1b: {  	s9 =	sadd.s32 $0xFFFFFEF7, lr;
	s5 =	simm.s32 $0xFFFFFFFF;
	p2 =	slt.u32 s8, $0xFFFFF086  }
0x1c: {  	p1 =	slt.u32 s9, $0xF7A;
	s5 =	simm.s32 @!p2 $0x0  }
0x1d: {  	s5 =	simm.s32 @p1 $0x1;
	p0 =	seq.s32 s7, s2  }
0x1e: {  	s7 =	smul.u32 @!p0 $0xF7A, s2;
	p2 =	seq.s32 @!p0 s5, $0x0  }
0x1f: {  	s9 =	smul.u32 $0xF7A, s1;
	s8 =	simm.s32 @!p0 $0x1BF5;
	p2 =	por !p2, p0  }
0x20: {  	[sflag:s8] =	ssyncset.s32 @!p0 $0xFFFFF086;
	s6 =	sadd.s32 @!p0 s3, s7;
	s7 =	simm.s32 @!p0 $0x108  }
0x21: {  	s3 =	sadd.s32 s3, s9;
	s6 =	sadd.s32 @!p0 $0x88, s6;
	s7 =	simm.s32 @p2 $0x1082  }
0x22: {  	[simem:s7], [sflag:s8] =	dma.local @!p0 [hbm:s6], $0xF7A  }
0x23: {  	s9 =	sor.u32 $0xD0000000, s2;
	s6 =	simm.s32 $0x108;
	_ =	swait.ge @!p0 [sflag:s8], $0x0  }
0x24: {  	s3 =	sadd.s32 $0x88, s3;
	s6 =	simm.s32 @!p1 $0x1082;
	[sflag:s4] =	ssyncset.s32 $0xFFFFF086  }
0x25: {  	[simem:s6], [sflag:s4] =	dma.local [hbm:s3], $0xF7A  }
0x26: {  	[smem:$0x3F9C] =	sst s1;
	(tag) =	ssettag s2;
	_ =	strace s9  }
0x27: {  	s1 =	sld [smem:$0x3FAC]  }
0x28: {  	s2 =	sld [smem:$0x3FAD]  }
0x29: {  	s4 =	sld [smem:$0x3FAF]  }
0x2a: {  	p0 =	seq.s32 s5, $0x0;
	s5 =	sld [smem:$0x3FB0]  }
0x2b: {  	s6 =	sld [smem:$0x3FB1]  }
0x2c: {  	s7 =	sld [smem:$0x3FB2]  }
0x2d: {  	s3 =	simm.s32 $0x108;
	s8 =	sld [smem:$0x3FB3]  }
0x2e: {  	s3 =	simm.s32 @!p0 $0x1082;
	s9 =	sld [smem:$0x3FB4]  }
0x2f: {  	lr =	sadd.s32 s0, s3;
	s0 =	sld [smem:$0x3FAB]  }
0x30: {  	s3 =	sld [smem:$0x3FAE]  }
0x31: {  	[smem:$0x3FB7] =	sst s10  }
0x32: {  	s10 =	sld [smem:$0x3FB5];
	_ =	sdelay $0x3  }
0x33: {  	p0 =	seq.s32 s10, $0x1;
	s10 =	sld [smem:$0x3FB7];
	_ =	sdelay $0x3  }
0x34: {  	[smem:$0x3FB7] =	sst s10  }
0x35: {  	s10 =	sld [smem:$0x3FB6];
	_ =	sdelay $0x3  }
0x36: {  	p1 =	seq.s32 s10, $0x1;
	s10 =	sld [smem:$0x3FB7];
	_ =	sdelay $0x3  }
0x37: {  	[smem:$0x3FB7] =	sst s10  }
0x38: {  	s10 =	sld [smem:$0x3FB8]  }
0x39: {  	_ = 	snop;
	(pc) =	sbr.ind lr, $3  }
0x3a: {  	_ = 	snop  }
0x3b: {  	_ = 	snop  }
0x3c: {  	p2 =	seq.s32 s10, $0x1;
	s10 =	sld [smem:$0x3FB7]  }
0x3d: {  	_ =	shalt  }
0x3e: {  	_ =	shalt  }
0x3f: {  	_ =	shalt  }
0x40: {  	_ =	shalt  }
0x41: {  	_ =	shalt  }
0x42: {  	_ =	shalt  }
0x43: {  	_ =	shalt  }
0x44: {  	_ =	shalt  }
0x45: {  	_ =	shalt  }
0x46: {  	_ =	shalt  }
0x47: {  	_ =	shalt  }
0x48: {  	_ =	shalt  }
0x49: {  	_ =	shalt  }
0x4a: {  	_ =	shalt  }
0x4b: {  	_ =	shalt  }
0x4c: {  	_ =	shalt  }
0x4d: {  	_ =	shalt  }
0x4e: {  	_ =	shalt  }
0x4f: {  	_ =	shalt  }
0x50: {  	_ =	shalt  }
0x51: {  	_ =	shalt  }
0x52: {  	_ =	shalt  }
0x53: {  	_ =	shalt  }
0x54: {  	_ =	shalt  }
0x55: {  	_ =	shalt  }
0x56: {  	_ =	shalt  }
0x57: {  	_ =	shalt  }
0x58: {  	_ =	shalt  }
0x59: {  	_ =	shalt  }
0x5a: {  	_ =	shalt  }
0x5b: {  	_ =	shalt  }
0x5c: {  	_ =	shalt  }
0x5d: {  	_ =	shalt  }
0x5e: {  	_ =	shalt  }
0x5f: {  	_ =	shalt  }
0x60: {  	_ =	shalt  }
0x61: {  	_ =	shalt  }
0x62: {  	_ =	shalt  }
0x63: {  	_ =	shalt  }
0x64: {  	_ =	shalt  }
0x65: {  	_ =	shalt  }
0x66: {  	_ =	shalt  }
0x67: {  	_ =	shalt  }
0x68: {  	_ =	shalt  }
0x69: {  	_ =	shalt  }
0x6a: {  	_ =	shalt  }
0x6b: {  	_ =	shalt  }
0x6c: {  	_ =	shalt  }
0x6d: {  	_ =	shalt  }
0x6e: {  	_ =	shalt  }
0x6f: {  	_ =	shalt  }
0x70: {  	_ =	shalt  }
0x71: {  	_ =	shalt  }
0x72: {  	_ =	shalt  }
0x73: {  	_ =	shalt  }
0x74: {  	_ =	shalt  }
0x75: {  	_ =	shalt  }
0x76: {  	_ =	shalt  }
0x77: {  	_ =	shalt  }
0x78: {  	_ =	shalt  }
0x79: {  	_ =	shalt  }
0x7a: {  	_ =	shalt  }
0x7b: {  	_ =	shalt  }
0x7c: {  	_ =	shalt  }
0x7d: {  	_ =	shalt  }
0x7e: {  	_ =	shalt  }
0x7f: {  	_ =	shalt  }
0x80: {  	_ =	shalt  }
0x81: {  	_ =	shalt  }
0x82: {  	_ =	shalt  }
0x83: {  	_ =	shalt  }
0x84: {  	_ =	shalt  }
0x85: {  	_ =	shalt  }
0x86: {  	_ =	shalt  }
0x87: {  	_ =	shalt  }
.Lfunc_end0:
.L_simem_size_0:
called_computation.1_lowered:
.L_overlay_start_0:
0x88: {  	s2 =	sld [smem:$0x3FD9]  }
0x89: {  	s3 =	sld [smem:$0x3FFE];
	_ =	sdelay $0x1  }
0x8a: {  	s1 =	srdreg.scid  }
0x8b: {  	s0 =	sand.u32 $0x1, s1  }
0x8c: {  	s17 =	sshll.u32 s0, $0xA;
	s2 =	sadd.s32 s3, s2  }
0x8d: {  	s2 =	sadd.s32 s2, s17  }
0x8e: {  	[smem:$0x3FC3] =	sst s2  }
0x8f: {  	_ = 	snop  }
0x90: {  	s2 =	sld [smem:$0x3FD0];
	(tm) =	ssettm $0x1  }
0x91: {  	s18 =	sld [smem:$0x3FFB];
	_ =	sdelay $0x3  }
0x92: {  	_ =	strace s18  }
0x93: {  	s3 =	sld [smem:$0x3FFC];
	_ =	sdelay $0x3  }
0x94: {  	_ =	strace s3  }
0x95: {  	s3 =	sld [smem:$0x3FFD];
	_ =	sdelay $0x3  }
0x96: {  	_ =	strace s3  }
0x97: {  	_ =	strace $0x8FFFFFFF  }
0x98: {  	s19 =	sld [smem:$0x3FDB];
	_ =	sdelay $0x1  }
0x99: {  	s4 =	simm.s32 $_scs_section_size  }
0x9a: {  	s5 =	simm.s32 $_size__tile_overlayer_lowered;
	s6 =	simm.s32 $_tile_overlayer_lowered  }
0x9b: {  	s22 =	simm.s32 $0x1BFF;
	s21 =	sshll.u32 s6, $0x1;
	s3 =	sadd.s32 s4, s19  }
0x9c: {  	s7 =	simm.s32 $0x0;
	s20 =	sshll.u32 s5, $0x1;
	s5 =	sadd.s32 s21, s3  }
0x9d: {  	[timem:s7], [sflag:s22] =	dma.local [hbm:s5], s20  }
0x9e: {  	_ =	swait.ge [sflag:s22], s20  }
0x9f: {  	s4 =	ssub.s32 $0x0, s20;
	[sflag:s22] =	ssyncset.done $0x0  }
0xa0: {  	[sflag:s22] =	ssyncadd.s32 s4;
	_ =	sdelay $0x1  }
0xa1: {  	s23 =	simm.s32 $0x1B8B  }
0xa2: {  	_ =	swait.ge [sflag:s23], $0x1  }
0xa3: {  	[sflag:s23] =	ssyncset.done $0x0  }
0xa4: {  	s25 =	simm.s32 $0x1B8E;
	s24 =	sld [smem:$0x3FFE];
	[sflag:s23] =	ssyncadd.s32 $0xFFFFFFFF  }
0xa5: {  	s26 =	simm.s32 $execute0_lowered;
	[smem:$0x3FD2] =	sst s25  }
0xa6: {  	s5 =	sshll.u32 s26, $0x1;
	_ =	strace $0x80000049;
	[dreg:$0x1] =	wrdreg $0xFFFFFFFF  }
0xa7: {  	s28 =	simm.s32 $_size_execute0_lowered;
	s3 =	sadd.s32 s3, s5;
	[dreg:$0x0] =	wrdreg $0x0  }
0xa8: {  	s5 =	sshll.u32 s28, $0x1;
	[dreg:$0x2] =	wrdreg s3  }
0xa9: {  	[dreg:$0x3] =	wrdreg s5  }
0xaa: {  	[dreg:$0x4] =	wrdreg $0xC0  }
0xab: {  	_ =	task [dreg:s7], $0x5FFFF  }
0xac: {  	[dreg:$0x1] =	wrdreg $0xFFFFFFFF  }
0xad: {  	[dreg:$0x0] =	wrdreg $0x60  }
0xae: {  	[dreg:$0x2] =	wrdreg s24  }
0xaf: {  	[dreg:$0x3] =	wrdreg s2  }
0xb0: {  	[dreg:$0x4] =	wrdreg $0x9  }
0xb1: {  	_ =	task.clear_ibuf [dreg:s7], $0x5FFFF;
	_ =	strace $0x90000049  }
0xb2: {  	s29 =	simm.s32 $0x9;
	_ =	strace $0x8000004B  }
0xb3: {  	_ =	swait.ge [sflag:s29], $0x1  }
0xb4: {  	[sflag:s29] =	ssyncadd.s32 $0xFFFFFFFF  }
0xb5: {  	_ =	strace $0x9000004B  }
0xb6: {  	_ =	sfence  }
0xb7: {  	s30 =	sld [smem:$0x0];
	_ =	sdelay $0x2  }
0xb8: {  	s31 =	sshll.u32 s1, $0xD;
	s1 =	sshrl.u32 s1, $0x2  }
0xb9: {  	s3 =	sand.u32 $0x4000, s31;
	s1 =	sadd.s32 s1, s30  }
0xba: {  	s0 =	sor.u32 s3, s0;
	s1 =	sshll.u32 s1, $0x11  }
0xbb: {  	s0 =	sor.u32 s1, s0  }
0xbc: {  	s0 =	sadd.s32 $0x8F2B, s0  }
0xbd: {  	[sflag:s0] =	ssyncadd.remote.s32 $0x1  }
0xbe: {  	_ =	sfence.sel $0xFFFF  }
0xbf: {  	[dreg:$0x0] =	wrdreg $0xFFFFFFFF;
	(pc) =	sbr.abs _section_cstart, $3  }
0xc0: {  	[dreg:$0x1] =	wrdreg $0xFFFFFFFF  }
0xc1: {  	_ =	task.clear_ibuf [dreg:s7], $0x2FFFF;
	_ =	strace $0x9FFFFFFF  }
0xc2: {  	(tm) =	ssettm $0x7FFFFFFF  }
0xc3: {  	_ =	shalt  }
tec
execute0_lowered:
.L_overlay_start_1:
0x0: {  	(tag) =	ssettag $0x1  }
0x1: {  	s0 =	rddreg [dreg:$0x0]  }
0x2: {  	s2 =	rddreg [dreg:$0x1]  }
0x3: {  	s1 =	simm.s32 $0x0;
	s3 =	srdreg.scid;
	s6 =	stileid.u32  }
0x4: {  	s16 =	simm.s32 $0xB200;
	s28 =	simm.s32 $0xCA00;
	s29 =	simm.s32 $0xD200  }
0x5: {  	s30 =	simm.s32 $0xE200;
	s31 =	simm.s32 $0xF200;
	[smem:$0x7FF] =	sst s1  }
0x6: {  	s4 =	sadd.s32 $0x1E00, s0;
	s3 =	sand.u32 $0x1, s3;
	s6 =	sshll.u32 s6, $0x7  }
0x7: {  	s9 =	sadd.s32 $0x2000, s0;
	s8 =	sadd.s32 $0x2500, s0;
	s5 =	ssub.s32 $0x2, s3  }
0x8: {  	_ =	strace $0x8000004A;
	s3 =	sshll.u32 s3, $0x6;
	s7 =	sshrl.u32 s5, $0x1  }
0x9: {  	s10 =	sor.u32 s3, s6;
	s3 =	sadd.s32 $0x2200, s0;
	s5 =	ssub.s32 s5, s7  }
0xa: {  	s6 =	sshrl.u32 s10, $0x3;
	s11 =	sor.u32 $0x10, s10;
	s7 =	sadd.s32 $0x2400, s0  }
0xb: {  	s19 =	sor.u32 $0x20, s10;
	s20 =	sshll.u32 s10, $0x7;
	s10 =	sor.u32 $0x30, s10  }
0xc: {  	s17 =	sadd.s32 s4, s6;
	s6 =	sadd.s32 s9, s6;
	s12 =	sshrl.u32 s11, $0x3  }
0xd: {  	s13 =	sshrl.u32 s19, $0x3;
	s11 =	sshll.u32 s11, $0x7;
	s23 =	sshrl.u32 s10, $0x3  }
0xe: {  	s25 =	sshll.u32 s10, $0x7;
	s26 =	smax.u32 s5, $0x1;
	[dreg:$0x3] =	wrdreg s17  }
0xf: {  	s5 =	simm.s32 $0x5;
	s10 =	simm.s32 $0x4;
	[dreg:$0x4] =	wrdreg s6  }
0x10: {  	s6 =	sadd.s32 $0x2300, s0;
	s18 =	sadd.s32 s4, s12;
	[dreg:$0xf] =	wrdreg s26  }
0x11: {  	s12 =	sadd.s32 s9, s12;
	s21 =	sadd.s32 s4, s13;
	[dreg:$0x5] =	wrdreg s18  }
0x12: {  	s22 =	sadd.s32 s9, s13;
	s11 =	sadd.s32 s2, s11;
	[dreg:$0x6] =	wrdreg s12  }
0x13: {  	s4 =	sadd.s32 s4, s23;
	s0 =	sshll.u32 s19, $0x7;
	[dreg:$0x8] =	wrdreg s21  }
0x14: {  	s24 =	sadd.s32 s9, s23;
	s26 =	simm.s32 $0xBA00;
	[dreg:$0x9] =	wrdreg s22  }
0x15: {  	s17 =	simm.s32 $0xC200;
	s19 =	simm.s32 $0xEA00;
	[dreg:$0xa] =	wrdreg s11  }
0x16: {  	s9 =	simm.s32 $0x3;
	s12 =	sadd.s32 s2, s20;
	[dreg:$0xb] =	wrdreg s4  }
0x17: {  	[dreg:$0xc] =	wrdreg s24;
	s0 =	sadd.s32 s2, s0;
	s20 =	simm.s32 $0x7  }
0x18: {  	s22 =	simm.s32 $0x200;
	s21 =	simm.s32 $0x8200;
	s18 =	simm.s32 $0xDA00  }
0x19: {  	v2 =	vlaneseq.u32;
	s4 =	simm.s32 $0x2;
	s11 =	simm.s32 $0x6;
	[dreg:$0x7] =	wrdreg s12  }
0x1a: {  	vm0 =	vmmov $0xffff;
	v1 =	vshrl.u32 v2, $0x3;
	[dreg:$0xd] =	wrdreg s0;
	s0 =	sadd.s32 s2, s25;
	s2 =	simm.s32 $0x1  }
0x1b: {  	v0 =	vand.u32 $0x7, v2;
	v2 =	vor.u32 $0x8, v2;
	v1 =	vmul.u32 $0x8, v1;
	s12 =	simm.s32 $0x0;
	[dreg:$0xe] =	wrdreg s0;
	s0 =	simm.s32 $0xFA00  }
.LBB2_1:
0x1c: {  	s13 =	rddreg [dreg:$0x3]  }
0x1d: {  	[tilespmem:s1], [sflag:$0x7] =	stream.linear.gather [hbm4b:s13+s1], $0x10, $0x38;
	[tilespmem:$0x10200] =	vst v63  }
0x1e: {  	_ =	swait.ge [sflag:s20], $0x10  }
0x1f: {  	[sflag:s20] =	ssyncset.done $0x0  }
0x20: {  	s14 =	simm.s32 $0x80;
	s23 =	rddreg [dreg:$0x4];
	[sflag:s20] =	ssyncadd.s32 $0xFFFFFFF0  }
0x21: {  	[tilespmem:s14], [sflag:$0x7] =	stream.linear.gather [hbm4b:s23+s1], $0x10, $0x38;
	[tilespmem:$0x10200] =	vst v63  }
0x22: {  	_ =	swait.ge [sflag:s20], $0x10  }
0x23: {  	[sflag:s20] =	ssyncset.done $0x0  }
0x24: {  	[sflag:s20] =	ssyncadd.s32 $0xFFFFFFF0  }
0x25: {  	v3 =	vld [tilespmem:$0x0];
	_ =	sdelay $0x4  }
0x26: {  	v4 =	vshll.u32 v3, $0x3  }
0x27: {  	v3 =	vand.u32 $0x7, v3;
	v4 =	vand.u32 $0xFFFFFFC0, v4  }
0x28: {  	v3 =	vor.u32 v3, v4  }
0x29: {  	v4 =	vperm.xlane v3, v0;
	_ =	sdelay $0x1  }
0x2a: {  	v4 =	vadd.s32 v1, v4;
	_ =	sdelay $0x4  }
0x2b: {  	[tilespmem:s22], [sflag:$0x1] =	stream.indirect_vreg.gather [hbm4b:s3+s1], $0x80, v4, vm0, $0xb8;
	[tilespmem:$0x10200] =	vst v63  }
0x2c: {  	s24 =	simm.s32 $0xA00;
	v3 =	vperm.xlane v3, v2  }
0x2d: {  	[tilespmem:s24], [sflag:$0x1] =	stream.indirect_vreg.gather [hbm4b:s6+s1], $0x80, v4, vm0, $0xb8;
	[tilespmem:$0x10200] =	vst v63  }
0x2e: {  	s25 =	simm.s32 $0x1200;
	v3 =	vadd.s32 v1, v3  }
0x2f: {  	[tilespmem:s25], [sflag:$0x1] =	stream.indirect_vreg.gather [hbm4b:s7+s1], $0x80, v4, vm0, $0xb8;
	[tilespmem:$0x10200] =	vst v63  }
0x30: {  	s14 =	simm.s32 $0x1A00  }
0x31: {  	[tilespmem:s14], [sflag:$0x1] =	stream.indirect_vreg.gather [hbm4b:s8+s1], $0x80, v4, vm0, $0xb8;
	[tilespmem:$0x10200] =	vst v63  }
0x32: {  	s15 =	simm.s32 $0x2200  }
0x33: {  	[tilespmem:s15], [sflag:$0x1] =	stream.indirect_vreg.gather [hbm4b:s3+s1], $0x80, v3, vm0, $0xb8;
	[tilespmem:$0x10200] =	vst v63  }
0x34: {  	s23 =	simm.s32 $0x2A00  }
0x35: {  	[tilespmem:s23], [sflag:$0x1] =	stream.indirect_vreg.gather [hbm4b:s6+s1], $0x80, v3, vm0, $0xb8;
	[tilespmem:$0x10200] =	vst v63  }
0x36: {  	s24 =	simm.s32 $0x3200  }
0x37: {  	[tilespmem:s24], [sflag:$0x1] =	stream.indirect_vreg.gather [hbm4b:s7+s1], $0x80, v3, vm0, $0xb8;
	[tilespmem:$0x10200] =	vst v63  }
0x38: {  	s25 =	simm.s32 $0x3A00  }
0x39: {  	[tilespmem:s25], [sflag:$0x1] =	stream.indirect_vreg.gather [hbm4b:s8+s1], $0x80, v3, vm0, $0xb8;
	[tilespmem:$0x10200] =	vst v63  }
0x3a: {  	v3 =	vld [tilespmem:$0x80];
	_ =	sdelay $0x4  }
0x3b: {  	v4 =	vshll.u32 v3, $0x3  }
0x3c: {  	v3 =	vand.u32 $0x7, v3;
	v4 =	vand.u32 $0xFFFFFFC0, v4  }
0x3d: {  	v3 =	vor.u32 v3, v4  }
0x3e: {  	v4 =	vperm.xlane v3, v0;
	_ =	sdelay $0x1  }
0x3f: {  	v4 =	vadd.s32 v1, v4;
	_ =	sdelay $0x3  }
0x40: {  	s14 =	simm.s32 $0x4200  }
0x41: {  	[tilespmem:s14], [sflag:$0x2] =	stream.indirect_vreg.gather [hbm4b:s3+s1], $0x80, v4, vm0, $0xb8;
	[tilespmem:$0x10200] =	vst v63  }
0x42: {  	s15 =	simm.s32 $0x4A00;
	v3 =	vperm.xlane v3, v2  }
0x43: {  	[tilespmem:s15], [sflag:$0x2] =	stream.indirect_vreg.gather [hbm4b:s6+s1], $0x80, v4, vm0, $0xb8;
	[tilespmem:$0x10200] =	vst v63  }
0x44: {  	s23 =	simm.s32 $0x5200;
	v3 =	vadd.s32 v1, v3  }
0x45: {  	[tilespmem:s23], [sflag:$0x2] =	stream.indirect_vreg.gather [hbm4b:s7+s1], $0x80, v4, vm0, $0xb8;
	[tilespmem:$0x10200] =	vst v63  }
0x46: {  	s24 =	simm.s32 $0x5A00  }
0x47: {  	[tilespmem:s24], [sflag:$0x2] =	stream.indirect_vreg.gather [hbm4b:s8+s1], $0x80, v4, vm0, $0xb8;
	[tilespmem:$0x10200] =	vst v63  }
0x48: {  	s25 =	simm.s32 $0x6200  }
0x49: {  	[tilespmem:s25], [sflag:$0x2] =	stream.indirect_vreg.gather [hbm4b:s3+s1], $0x80, v3, vm0, $0xb8;
	[tilespmem:$0x10200] =	vst v63  }
0x4a: {  	s14 =	simm.s32 $0x6A00  }
0x4b: {  	[tilespmem:s14], [sflag:$0x2] =	stream.indirect_vreg.gather [hbm4b:s6+s1], $0x80, v3, vm0, $0xb8;
	[tilespmem:$0x10200] =	vst v63  }
0x4c: {  	s15 =	simm.s32 $0x7200  }
0x4d: {  	[tilespmem:s15], [sflag:$0x2] =	stream.indirect_vreg.gather [hbm4b:s7+s1], $0x80, v3, vm0, $0xb8;
	[tilespmem:$0x10200] =	vst v63  }
0x4e: {  	s23 =	simm.s32 $0x7A00  }
0x4f: {  	[tilespmem:s23], [sflag:$0x2] =	stream.indirect_vreg.gather [hbm4b:s8+s1], $0x80, v3, vm0, $0xb8;
	[tilespmem:$0x10200] =	vst v63  }
0x50: {  	s24 =	rddreg [dreg:$0x5];
	s25 =	simm.s32 $0x100  }
0x51: {  	[tilespmem:s25], [sflag:$0x7] =	stream.linear.gather [hbm4b:s24+s1], $0x10, $0x38;
	[tilespmem:$0x10200] =	vst v63  }
0x52: {  	_ =	swait.ge [sflag:s20], $0x10  }
0x53: {  	[sflag:s20] =	ssyncset.done $0x0  }
0x54: {  	s15 =	simm.s32 $0x180;
	s14 =	rddreg [dreg:$0x6];
	[sflag:s20] =	ssyncadd.s32 $0xFFFFFFF0  }
0x55: {  	[tilespmem:s15], [sflag:$0x7] =	stream.linear.gather [hbm4b:s14+s1], $0x10, $0x38;
	[tilespmem:$0x10200] =	vst v63  }
0x56: {  	_ =	swait.ge [sflag:s20], $0x10  }
0x57: {  	[sflag:s20] =	ssyncset.done $0x0  }
0x58: {  	[sflag:s20] =	ssyncadd.s32 $0xFFFFFFF0  }
0x59: {  	v3 =	vld [tilespmem:$0x100];
	_ =	sdelay $0x4  }
0x5a: {  	v4 =	vshll.u32 v3, $0x3  }
0x5b: {  	v3 =	vand.u32 $0x7, v3;
	v4 =	vand.u32 $0xFFFFFFC0, v4  }
0x5c: {  	v3 =	vor.u32 v3, v4  }
0x5d: {  	v4 =	vperm.xlane v3, v0;
	_ =	sdelay $0x1  }
0x5e: {  	v4 =	vadd.s32 v1, v4;
	_ =	sdelay $0x4  }
0x5f: {  	[tilespmem:s21], [sflag:$0x3] =	stream.indirect_vreg.gather [hbm4b:s3+s1], $0x80, v4, vm0, $0xb8;
	[tilespmem:$0x10200] =	vst v63  }
0x60: {  	s23 =	simm.s32 $0x8A00;
	v3 =	vperm.xlane v3, v2  }
0x61: {  	[tilespmem:s23], [sflag:$0x3] =	stream.indirect_vreg.gather [hbm4b:s6+s1], $0x80, v4, vm0, $0xb8;
	[tilespmem:$0x10200] =	vst v63  }
0x62: {  	s24 =	simm.s32 $0x9200;
	v3 =	vadd.s32 v1, v3  }
0x63: {  	[tilespmem:s24], [sflag:$0x3] =	stream.indirect_vreg.gather [hbm4b:s7+s1], $0x80, v4, vm0, $0xb8;
	[tilespmem:$0x10200] =	vst v63  }
0x64: {  	s25 =	simm.s32 $0x9A00  }
0x65: {  	[tilespmem:s25], [sflag:$0x3] =	stream.indirect_vreg.gather [hbm4b:s8+s1], $0x80, v4, vm0, $0xb8;
	[tilespmem:$0x10200] =	vst v63  }
0x66: {  	s14 =	simm.s32 $0xA200  }
0x67: {  	[tilespmem:s14], [sflag:$0x3] =	stream.indirect_vreg.gather [hbm4b:s3+s1], $0x80, v3, vm0, $0xb8;
	[tilespmem:$0x10200] =	vst v63  }
0x68: {  	s15 =	simm.s32 $0xAA00  }
0x69: {  	[tilespmem:s15], [sflag:$0x3] =	stream.indirect_vreg.gather [hbm4b:s6+s1], $0x80, v3, vm0, $0xb8;
	[tilespmem:$0x10200] =	vst v63  }
0x6a: {  	_ = 	snop  }
0x6b: {  	[tilespmem:s16], [sflag:$0x3] =	stream.indirect_vreg.gather [hbm4b:s7+s1], $0x80, v3, vm0, $0xb8;
	[tilespmem:$0x10200] =	vst v63  }
0x6c: {  	_ = 	snop  }
0x6d: {  	[tilespmem:s26], [sflag:$0x3] =	stream.indirect_vreg.gather [hbm4b:s8+s1], $0x80, v3, vm0, $0xb8;
	[tilespmem:$0x10200] =	vst v63  }
0x6e: {  	v3 =	vld [tilespmem:$0x180];
	_ =	sdelay $0x4  }
0x6f: {  	v4 =	vshll.u32 v3, $0x3  }
0x70: {  	v3 =	vand.u32 $0x7, v3;
	v4 =	vand.u32 $0xFFFFFFC0, v4  }
0x71: {  	v3 =	vor.u32 v3, v4  }
0x72: {  	v4 =	vperm.xlane v3, v0;
	_ =	sdelay $0x1  }
0x73: {  	v4 =	vadd.s32 v1, v4;
	_ =	sdelay $0x4  }
0x74: {  	[tilespmem:s17], [sflag:$0x4] =	stream.indirect_vreg.gather [hbm4b:s3+s1], $0x80, v4, vm0, $0xb8;
	[tilespmem:$0x10200] =	vst v63  }
0x75: {  	v3 =	vperm.xlane v3, v2  }
0x76: {  	[tilespmem:s28], [sflag:$0x4] =	stream.indirect_vreg.gather [hbm4b:s6+s1], $0x80, v4, vm0, $0xb8;
	[tilespmem:$0x10200] =	vst v63  }
0x77: {  	v3 =	vadd.s32 v1, v3  }
0x78: {  	[tilespmem:s29], [sflag:$0x4] =	stream.indirect_vreg.gather [hbm4b:s7+s1], $0x80, v4, vm0, $0xb8;
	[tilespmem:$0x10200] =	vst v63  }
0x79: {  	_ = 	snop  }
0x7a: {  	[tilespmem:s18], [sflag:$0x4] =	stream.indirect_vreg.gather [hbm4b:s8+s1], $0x80, v4, vm0, $0xb8;
	[tilespmem:$0x10200] =	vst v63  }
0x7b: {  	_ = 	snop  }
0x7c: {  	[tilespmem:s30], [sflag:$0x4] =	stream.indirect_vreg.gather [hbm4b:s3+s1], $0x80, v3, vm0, $0xb8;
	[tilespmem:$0x10200] =	vst v63  }
0x7d: {  	_ = 	snop  }
0x7e: {  	[tilespmem:s19], [sflag:$0x4] =	stream.indirect_vreg.gather [hbm4b:s6+s1], $0x80, v3, vm0, $0xb8;
	[tilespmem:$0x10200] =	vst v63  }
0x7f: {  	_ = 	snop  }
0x80: {  	[tilespmem:s31], [sflag:$0x4] =	stream.indirect_vreg.gather [hbm4b:s7+s1], $0x80, v3, vm0, $0xb8;
	[tilespmem:$0x10200] =	vst v63  }
0x81: {  	_ = 	snop  }
0x82: {  	[tilespmem:s0], [sflag:$0x4] =	stream.indirect_vreg.gather [hbm4b:s8+s1], $0x80, v3, vm0, $0xb8;
	[tilespmem:$0x10200] =	vst v63  }
0x83: {  	_ =	swait.ge [sflag:s2], $0x4000  }
0x84: {  	s23 =	simm.s32 $0x0;
	[sflag:s2] =	ssyncset.done $0x0  }
0x85: {  	s13 =	sand.u32 $0x2000, s23;
	[sflag:s2] =	ssyncadd.s32 $0xFFFFC000  }
0x86: {  	s23 =	simm.s32 $0x0;
	s24 =	sand.u32 $0x1C00, s1;
	_ =	swait.ge [sflag:s4], $0x4000  }
0x87: {  	s13 =	sor.u32 s24, s13;
	s25 =	sand.u32 $0x380, s23;
	[sflag:s4] =	ssyncset.done $0x0  }
0x88: {  	s13 =	sor.u32 s25, s13;
	[sflag:s4] =	ssyncadd.s32 $0xFFFFC000  }
0x89: {  	v10 =	vld [tilespmem:s13+$0x4200]  }
0x8a: {  	v9 =	vld [tilespmem:s13+$0x4210]  }
0x8b: {  	v8 =	vld [tilespmem:s13+$0x4220]  }
0x8c: {  	v7 =	vld [tilespmem:s13+$0x4230]  }
0x8d: {  	v6 =	vld [tilespmem:s13+$0x4240]  }
0x8e: {  	v5 =	vld [tilespmem:s13+$0x4250]  }
0x8f: {  	v4 =	vld [tilespmem:s13+$0x4260]  }
0x90: {  	v3 =	vld [tilespmem:s13+$0x4270]  }
0x91: {  	v13 =	vld [tilespmem:s13+$0x200]  }
0x92: {  	v12 =	vld [tilespmem:s13+$0x210]  }
0x93: {  	s23 =	simm.s32 $0x0;
	s14 =	simm.s32 $0x0;
	v11 =	vld [tilespmem:s13+$0x220]  }
.LBB2_2:
0x94: {  	s14 =	sadd.s32 $0x8, s14;
	v14 =	vld [tilespmem:s13+$0x230]  }
0x95: {  	s23 =	sadd.s32 $0x400, s23;
	s15 =	sshll.u32 s14, $0x4;
	p0 =	slt.u32 s14, $0x3F8;
	v15 =	vld [tilespmem:s13+$0x240]  }
0x96: {  	s24 =	sand.u32 $0x1C00, s23;
	s25 =	sshll.u32 s14, $0x1;
	s15 =	sand.u32 $0x2000, s15;
	v10 =	vadd.f32 v10, v13;
	v13 =	vld [tilespmem:s13+$0x250]  }
0x97: {  	s15 =	sor.u32 s24, s15;
	s24 =	sand.u32 $0x380, s25;
	v9 =	vadd.f32 v9, v12;
	v12 =	vld [tilespmem:s13+$0x260]  }
0x98: {  	s15 =	sor.u32 s24, s15;
	[tilespmem:s13+$0x200] =	vst v10;
	v8 =	vadd.f32 v8, v11;
	v11 =	vld [tilespmem:s13+$0x270]  }
0x99: {  	v10 =	vld [tilespmem:s15+$0x4200];
	[tilespmem:s13+$0x210] =	vst v9;
	v7 =	vadd.f32 v7, v14  }
0x9a: {  	v9 =	vld [tilespmem:s15+$0x4210];
	[tilespmem:s13+$0x220] =	vst v8;
	v6 =	vadd.f32 v6, v15  }
0x9b: {  	v8 =	vld [tilespmem:s15+$0x4220];
	[tilespmem:s13+$0x230] =	vst v7;
	v5 =	vadd.f32 v5, v13  }
0x9c: {  	v7 =	vld [tilespmem:s15+$0x4230];
	[tilespmem:s13+$0x240] =	vst v6;
	v4 =	vadd.f32 v4, v12  }
0x9d: {  	v6 =	vld [tilespmem:s15+$0x4240];
	[tilespmem:s13+$0x250] =	vst v5;
	v3 =	vadd.f32 v3, v11  }
0x9e: {  	v5 =	vld [tilespmem:s15+$0x4250];
	[tilespmem:s13+$0x260] =	vst v4  }
.Ltmp0:
0x9f: {  	v4 =	vld [tilespmem:s15+$0x4260];
	[tilespmem:s13+$0x270] =	vst v3;
	s13 =	smov.u32 s15;
	(pc) =	sbr.rel @p0 .LBB2_2-.Ltmp0, $4  }
0xa0: {  	v3 =	vld [tilespmem:s13+$0x4270]  }
0xa1: {  	v13 =	vld [tilespmem:s13+$0x200]  }
0xa2: {  	v12 =	vld [tilespmem:s13+$0x210]  }
0xa3: {  	v11 =	vld [tilespmem:s13+$0x220]  }
0xa4: {  	v14 =	vld [tilespmem:s13+$0x230]  }
0xa5: {  	v15 =	vld [tilespmem:s13+$0x240]  }
0xa6: {  	v10 =	vadd.f32 v10, v13;
	v13 =	vld [tilespmem:s13+$0x250]  }
0xa7: {  	v9 =	vadd.f32 v9, v12;
	v12 =	vld [tilespmem:s13+$0x260]  }
0xa8: {  	[tilespmem:s13+$0x200] =	vst v10;
	v8 =	vadd.f32 v8, v11;
	v10 =	vld [tilespmem:s13+$0x270]  }
0xa9: {  	[tilespmem:s13+$0x210] =	vst v9;
	v7 =	vadd.f32 v7, v14  }
0xaa: {  	v6 =	vadd.f32 v6, v15;
	[tilespmem:s13+$0x220] =	vst v8  }
0xab: {  	[tilespmem:s13+$0x230] =	vst v7;
	v5 =	vadd.f32 v5, v13  }
0xac: {  	[tilespmem:s13+$0x240] =	vst v6;
	v4 =	vadd.f32 v4, v12  }
0xad: {  	[tilespmem:s13+$0x250] =	vst v5;
	v3 =	vadd.f32 v3, v10  }
0xae: {  	[tilespmem:s13+$0x260] =	vst v4  }
0xaf: {  	s14 =	rddreg [dreg:$0x7];
	[tilespmem:s13+$0x270] =	vst v3;
	s13 =	simm.s32 $0x0  }
0xb0: {  	[hbm4b:s14+s13] =	stream.linear.scatter [tilespmem:s22], [sflag:$0x5], $0x4000, $0x38;
	[tilespmem:$0x10200] =	vst v63  }
0xb1: {  	_ =	swait.ge [sflag:s5], $0x4000  }
0xb2: {  	[sflag:s5] =	ssyncset.done $0x0  }
0xb3: {  	s15 =	rddreg [dreg:$0x8];
	[sflag:s5] =	ssyncadd.s32 $0xFFFFC000  }
0xb4: {  	[tilespmem:s13], [sflag:$0x7] =	stream.linear.gather [hbm4b:s15+s13], $0x10, $0x38;
	[tilespmem:$0x10200] =	vst v63  }
0xb5: {  	_ =	swait.ge [sflag:s20], $0x10  }
0xb6: {  	[sflag:s20] =	ssyncset.done $0x0  }
0xb7: {  	s15 =	simm.s32 $0x80;
	s23 =	rddreg [dreg:$0x9];
	[sflag:s20] =	ssyncadd.s32 $0xFFFFFFF0  }
0xb8: {  	[tilespmem:s15], [sflag:$0x7] =	stream.linear.gather [hbm4b:s23+s13], $0x10, $0x38;
	[tilespmem:$0x10200] =	vst v63  }
0xb9: {  	_ =	swait.ge [sflag:s20], $0x10  }
0xba: {  	[sflag:s20] =	ssyncset.done $0x0  }
0xbb: {  	[sflag:s20] =	ssyncadd.s32 $0xFFFFFFF0  }
0xbc: {  	v3 =	vld [tilespmem:$0x0];
	_ =	sdelay $0x4  }
0xbd: {  	v4 =	vshll.u32 v3, $0x3  }
0xbe: {  	v3 =	vand.u32 $0x7, v3;
	v4 =	vand.u32 $0xFFFFFFC0, v4  }
0xbf: {  	v3 =	vor.u32 v3, v4  }
0xc0: {  	v4 =	vperm.xlane v3, v0;
	_ =	sdelay $0x1  }
0xc1: {  	v4 =	vadd.s32 v1, v4;
	_ =	sdelay $0x4  }
0xc2: {  	[tilespmem:s22], [sflag:$0x1] =	stream.indirect_vreg.gather [hbm4b:s3+s13], $0x80, v4, vm0, $0xb8;
	[tilespmem:$0x10200] =	vst v63  }
0xc3: {  	s24 =	simm.s32 $0xA00;
	v3 =	vperm.xlane v3, v2  }
0xc4: {  	[tilespmem:s24], [sflag:$0x1] =	stream.indirect_vreg.gather [hbm4b:s6+s13], $0x80, v4, vm0, $0xb8;
	[tilespmem:$0x10200] =	vst v63  }
0xc5: {  	s25 =	simm.s32 $0x1200;
	v3 =	vadd.s32 v1, v3  }
0xc6: {  	[tilespmem:s25], [sflag:$0x1] =	stream.indirect_vreg.gather [hbm4b:s7+s13], $0x80, v4, vm0, $0xb8;
	[tilespmem:$0x10200] =	vst v63  }
0xc7: {  	s15 =	simm.s32 $0x1A00  }
0xc8: {  	[tilespmem:s15], [sflag:$0x1] =	stream.indirect_vreg.gather [hbm4b:s8+s13], $0x80, v4, vm0, $0xb8;
	[tilespmem:$0x10200] =	vst v63  }
0xc9: {  	s23 =	simm.s32 $0x2200  }
0xca: {  	[tilespmem:s23], [sflag:$0x1] =	stream.indirect_vreg.gather [hbm4b:s3+s13], $0x80, v3, vm0, $0xb8;
	[tilespmem:$0x10200] =	vst v63  }
0xcb: {  	s24 =	simm.s32 $0x2A00  }
0xcc: {  	[tilespmem:s24], [sflag:$0x1] =	stream.indirect_vreg.gather [hbm4b:s6+s13], $0x80, v3, vm0, $0xb8;
	[tilespmem:$0x10200] =	vst v63  }
0xcd: {  	s25 =	simm.s32 $0x3200  }
0xce: {  	[tilespmem:s25], [sflag:$0x1] =	stream.indirect_vreg.gather [hbm4b:s7+s13], $0x80, v3, vm0, $0xb8;
	[tilespmem:$0x10200] =	vst v63  }
0xcf: {  	s15 =	simm.s32 $0x3A00  }
0xd0: {  	[tilespmem:s15], [sflag:$0x1] =	stream.indirect_vreg.gather [hbm4b:s8+s13], $0x80, v3, vm0, $0xb8;
	[tilespmem:$0x10200] =	vst v63  }
0xd1: {  	v3 =	vld [tilespmem:$0x80];
	_ =	sdelay $0x4  }
0xd2: {  	v4 =	vshll.u32 v3, $0x3  }
0xd3: {  	v3 =	vand.u32 $0x7, v3;
	v4 =	vand.u32 $0xFFFFFFC0, v4  }
0xd4: {  	v3 =	vor.u32 v3, v4  }
0xd5: {  	v4 =	vperm.xlane v3, v0;
	_ =	sdelay $0x1  }
0xd6: {  	v4 =	vadd.s32 v1, v4;
	_ =	sdelay $0x3  }
0xd7: {  	s23 =	simm.s32 $0x4200  }
0xd8: {  	[tilespmem:s23], [sflag:$0x2] =	stream.indirect_vreg.gather [hbm4b:s3+s13], $0x80, v4, vm0, $0xb8;
	[tilespmem:$0x10200] =	vst v63  }
0xd9: {  	s24 =	simm.s32 $0x4A00;
	v3 =	vperm.xlane v3, v2  }
0xda: {  	[tilespmem:s24], [sflag:$0x2] =	stream.indirect_vreg.gather [hbm4b:s6+s13], $0x80, v4, vm0, $0xb8;
	[tilespmem:$0x10200] =	vst v63  }
0xdb: {  	s25 =	simm.s32 $0x5200;
	v3 =	vadd.s32 v1, v3  }
0xdc: {  	[tilespmem:s25], [sflag:$0x2] =	stream.indirect_vreg.gather [hbm4b:s7+s13], $0x80, v4, vm0, $0xb8;
	[tilespmem:$0x10200] =	vst v63  }
0xdd: {  	s15 =	simm.s32 $0x5A00  }
0xde: {  	[tilespmem:s15], [sflag:$0x2] =	stream.indirect_vreg.gather [hbm4b:s8+s13], $0x80, v4, vm0, $0xb8;
	[tilespmem:$0x10200] =	vst v63  }
0xdf: {  	s23 =	simm.s32 $0x6200  }
0xe0: {  	[tilespmem:s23], [sflag:$0x2] =	stream.indirect_vreg.gather [hbm4b:s3+s13], $0x80, v3, vm0, $0xb8;
	[tilespmem:$0x10200] =	vst v63  }
0xe1: {  	s24 =	simm.s32 $0x6A00  }
0xe2: {  	[tilespmem:s24], [sflag:$0x2] =	stream.indirect_vreg.gather [hbm4b:s6+s13], $0x80, v3, vm0, $0xb8;
	[tilespmem:$0x10200] =	vst v63  }
0xe3: {  	s25 =	simm.s32 $0x7200  }
0xe4: {  	[tilespmem:s25], [sflag:$0x2] =	stream.indirect_vreg.gather [hbm4b:s7+s13], $0x80, v3, vm0, $0xb8;
	[tilespmem:$0x10200] =	vst v63  }
0xe5: {  	s15 =	simm.s32 $0x7A00  }
0xe6: {  	[tilespmem:s15], [sflag:$0x2] =	stream.indirect_vreg.gather [hbm4b:s8+s13], $0x80, v3, vm0, $0xb8;
	[tilespmem:$0x10200] =	vst v63  }
0xe7: {  	_ =	swait.ge [sflag:s9], $0x4000  }
0xe8: {  	s23 =	simm.s32 $0x0;
	[sflag:s9] =	ssyncset.done $0x0  }
0xe9: {  	s14 =	sand.u32 $0x2000, s23;
	[sflag:s9] =	ssyncadd.s32 $0xFFFFC000  }
0xea: {  	s23 =	simm.s32 $0x0;
	s24 =	sand.u32 $0x1C00, s13;
	_ =	swait.ge [sflag:s10], $0x4000  }
0xeb: {  	s14 =	sor.u32 s24, s14;
	s25 =	sand.u32 $0x380, s23;
	[sflag:s10] =	ssyncset.done $0x0  }
0xec: {  	s14 =	sor.u32 s25, s14;
	[sflag:s10] =	ssyncadd.s32 $0xFFFFC000  }
0xed: {  	v10 =	vld [tilespmem:s14+$0xC200]  }
0xee: {  	v9 =	vld [tilespmem:s14+$0xC210]  }
0xef: {  	v8 =	vld [tilespmem:s14+$0xC220]  }
0xf0: {  	v7 =	vld [tilespmem:s14+$0xC230]  }
0xf1: {  	v6 =	vld [tilespmem:s14+$0xC240]  }
0xf2: {  	v5 =	vld [tilespmem:s14+$0xC250]  }
0xf3: {  	v4 =	vld [tilespmem:s14+$0xC260]  }
0xf4: {  	v3 =	vld [tilespmem:s14+$0xC270]  }
0xf5: {  	v13 =	vld [tilespmem:s14+$0x8200]  }
0xf6: {  	v12 =	vld [tilespmem:s14+$0x8210]  }
0xf7: {  	s23 =	simm.s32 $0x0;
	v11 =	vld [tilespmem:s14+$0x8220]  }
.LBB2_4:
0xf8: {  	s23 =	sadd.s32 $0x8, s23;
	v14 =	vld [tilespmem:s14+$0x8230]  }
0xf9: {  	s13 =	sadd.s32 $0x400, s13;
	s15 =	sshll.u32 s23, $0x4;
	p0 =	slt.u32 s23, $0x3F8;
	v15 =	vld [tilespmem:s14+$0x8240]  }
0xfa: {  	s24 =	sand.u32 $0x1C00, s13;
	s25 =	sshll.u32 s23, $0x1;
	s15 =	sand.u32 $0x2000, s15;
	v10 =	vadd.f32 v10, v13;
	v13 =	vld [tilespmem:s14+$0x8250]  }
0xfb: {  	s15 =	sor.u32 s24, s15;
	s24 =	sand.u32 $0x380, s25;
	v9 =	vadd.f32 v9, v12;
	v12 =	vld [tilespmem:s14+$0x8260]  }
0xfc: {  	s15 =	sor.u32 s24, s15;
	[tilespmem:s14+$0x8200] =	vst v10;
	v8 =	vadd.f32 v8, v11;
	v11 =	vld [tilespmem:s14+$0x8270]  }
0xfd: {  	v10 =	vld [tilespmem:s15+$0xC200];
	[tilespmem:s14+$0x8210] =	vst v9;
	v7 =	vadd.f32 v7, v14  }
0xfe: {  	v9 =	vld [tilespmem:s15+$0xC210];
	[tilespmem:s14+$0x8220] =	vst v8;
	v6 =	vadd.f32 v6, v15  }
0xff: {  	v8 =	vld [tilespmem:s15+$0xC220];
	[tilespmem:s14+$0x8230] =	vst v7;
	v5 =	vadd.f32 v5, v13  }
0x100: {  	v7 =	vld [tilespmem:s15+$0xC230];
	[tilespmem:s14+$0x8240] =	vst v6;
	v4 =	vadd.f32 v4, v12  }
0x101: {  	v6 =	vld [tilespmem:s15+$0xC240];
	[tilespmem:s14+$0x8250] =	vst v5;
	v3 =	vadd.f32 v3, v11  }
0x102: {  	v5 =	vld [tilespmem:s15+$0xC250];
	[tilespmem:s14+$0x8260] =	vst v4  }
.Ltmp1:
0x103: {  	v4 =	vld [tilespmem:s15+$0xC260];
	[tilespmem:s14+$0x8270] =	vst v3;
	s14 =	smov.u32 s15;
	(pc) =	sbr.rel @p0 .LBB2_4-.Ltmp1, $4  }
0x104: {  	v3 =	vld [tilespmem:s14+$0xC270]  }
0x105: {  	v13 =	vld [tilespmem:s14+$0x8200]  }
0x106: {  	v12 =	vld [tilespmem:s14+$0x8210]  }
0x107: {  	v11 =	vld [tilespmem:s14+$0x8220]  }
0x108: {  	v14 =	vld [tilespmem:s14+$0x8230]  }
0x109: {  	v15 =	vld [tilespmem:s14+$0x8240]  }
0x10a: {  	v10 =	vadd.f32 v10, v13;
	v13 =	vld [tilespmem:s14+$0x8250]  }
0x10b: {  	v9 =	vadd.f32 v9, v12;
	v12 =	vld [tilespmem:s14+$0x8260]  }
0x10c: {  	[tilespmem:s14+$0x8200] =	vst v10;
	v8 =	vadd.f32 v8, v11;
	v10 =	vld [tilespmem:s14+$0x8270]  }
0x10d: {  	[tilespmem:s14+$0x8210] =	vst v9;
	v7 =	vadd.f32 v7, v14  }
0x10e: {  	v6 =	vadd.f32 v6, v15;
	[tilespmem:s14+$0x8220] =	vst v8  }
0x10f: {  	[tilespmem:s14+$0x8230] =	vst v7;
	v5 =	vadd.f32 v5, v13  }
0x110: {  	[tilespmem:s14+$0x8240] =	vst v6;
	v4 =	vadd.f32 v4, v12  }
0x111: {  	[tilespmem:s14+$0x8250] =	vst v5;
	v3 =	vadd.f32 v3, v10  }
0x112: {  	[tilespmem:s14+$0x8260] =	vst v4  }
0x113: {  	s13 =	simm.s32 $0x0;
	s15 =	rddreg [dreg:$0xa];
	[tilespmem:s14+$0x8270] =	vst v3  }
0x114: {  	[hbm4b:s15+s13] =	stream.linear.scatter [tilespmem:s21], [sflag:$0x6], $0x4000, $0x38;
	[tilespmem:$0x10200] =	vst v63  }
0x115: {  	_ =	swait.ge [sflag:s11], $0x4000  }
0x116: {  	[sflag:s11] =	ssyncset.done $0x0  }
0x117: {  	s15 =	simm.s32 $0x100;
	s23 =	rddreg [dreg:$0xb];
	[sflag:s11] =	ssyncadd.s32 $0xFFFFC000  }
0x118: {  	[tilespmem:s15], [sflag:$0x7] =	stream.linear.gather [hbm4b:s23+s13], $0x10, $0x38;
	[tilespmem:$0x10200] =	vst v63  }
0x119: {  	_ =	swait.ge [sflag:s20], $0x10  }
0x11a: {  	[sflag:s20] =	ssyncset.done $0x0  }
0x11b: {  	s25 =	simm.s32 $0x180;
	s24 =	rddreg [dreg:$0xc];
	[sflag:s20] =	ssyncadd.s32 $0xFFFFFFF0  }
0x11c: {  	[tilespmem:s25], [sflag:$0x7] =	stream.linear.gather [hbm4b:s24+s13], $0x10, $0x38;
	[tilespmem:$0x10200] =	vst v63  }
0x11d: {  	_ =	swait.ge [sflag:s20], $0x10  }
0x11e: {  	[sflag:s20] =	ssyncset.done $0x0  }
0x11f: {  	[sflag:s20] =	ssyncadd.s32 $0xFFFFFFF0  }
0x120: {  	v3 =	vld [tilespmem:$0x100];
	_ =	sdelay $0x4  }
0x121: {  	v4 =	vshll.u32 v3, $0x3  }
0x122: {  	v3 =	vand.u32 $0x7, v3;
	v4 =	vand.u32 $0xFFFFFFC0, v4  }
0x123: {  	v3 =	vor.u32 v3, v4  }
0x124: {  	v4 =	vperm.xlane v3, v0;
	_ =	sdelay $0x1  }
0x125: {  	v4 =	vadd.s32 v1, v4;
	_ =	sdelay $0x4  }
0x126: {  	[tilespmem:s21], [sflag:$0x3] =	stream.indirect_vreg.gather [hbm4b:s3+s13], $0x80, v4, vm0, $0xb8;
	[tilespmem:$0x10200] =	vst v63  }
0x127: {  	s15 =	simm.s32 $0x8A00;
	v3 =	vperm.xlane v3, v2  }
0x128: {  	[tilespmem:s15], [sflag:$0x3] =	stream.indirect_vreg.gather [hbm4b:s6+s13], $0x80, v4, vm0, $0xb8;
	[tilespmem:$0x10200] =	vst v63  }
0x129: {  	s23 =	simm.s32 $0x9200;
	v3 =	vadd.s32 v1, v3  }
0x12a: {  	[tilespmem:s23], [sflag:$0x3] =	stream.indirect_vreg.gather [hbm4b:s7+s13], $0x80, v4, vm0, $0xb8;
	[tilespmem:$0x10200] =	vst v63  }
0x12b: {  	s24 =	simm.s32 $0x9A00  }
0x12c: {  	[tilespmem:s24], [sflag:$0x3] =	stream.indirect_vreg.gather [hbm4b:s8+s13], $0x80, v4, vm0, $0xb8;
	[tilespmem:$0x10200] =	vst v63  }
0x12d: {  	s25 =	simm.s32 $0xA200  }
0x12e: {  	[tilespmem:s25], [sflag:$0x3] =	stream.indirect_vreg.gather [hbm4b:s3+s13], $0x80, v3, vm0, $0xb8;
	[tilespmem:$0x10200] =	vst v63  }
0x12f: {  	s15 =	simm.s32 $0xAA00  }
0x130: {  	[tilespmem:s15], [sflag:$0x3] =	stream.indirect_vreg.gather [hbm4b:s6+s13], $0x80, v3, vm0, $0xb8;
	[tilespmem:$0x10200] =	vst v63  }
0x131: {  	_ = 	snop  }
0x132: {  	[tilespmem:s16], [sflag:$0x3] =	stream.indirect_vreg.gather [hbm4b:s7+s13], $0x80, v3, vm0, $0xb8;
	[tilespmem:$0x10200] =	vst v63  }
0x133: {  	_ = 	snop  }
0x134: {  	[tilespmem:s26], [sflag:$0x3] =	stream.indirect_vreg.gather [hbm4b:s8+s13], $0x80, v3, vm0, $0xb8;
	[tilespmem:$0x10200] =	vst v63  }
0x135: {  	v3 =	vld [tilespmem:$0x180];
	_ =	sdelay $0x4  }
0x136: {  	v4 =	vshll.u32 v3, $0x3  }
0x137: {  	v3 =	vand.u32 $0x7, v3;
	v4 =	vand.u32 $0xFFFFFFC0, v4  }
0x138: {  	v3 =	vor.u32 v3, v4  }
0x139: {  	v4 =	vperm.xlane v3, v0;
	_ =	sdelay $0x1  }
0x13a: {  	v4 =	vadd.s32 v1, v4;
	_ =	sdelay $0x4  }
0x13b: {  	[tilespmem:s17], [sflag:$0x4] =	stream.indirect_vreg.gather [hbm4b:s3+s13], $0x80, v4, vm0, $0xb8;
	[tilespmem:$0x10200] =	vst v63  }
0x13c: {  	v3 =	vperm.xlane v3, v2  }
0x13d: {  	[tilespmem:s28], [sflag:$0x4] =	stream.indirect_vreg.gather [hbm4b:s6+s13], $0x80, v4, vm0, $0xb8;
	[tilespmem:$0x10200] =	vst v63  }
0x13e: {  	v3 =	vadd.s32 v1, v3  }
0x13f: {  	[tilespmem:s29], [sflag:$0x4] =	stream.indirect_vreg.gather [hbm4b:s7+s13], $0x80, v4, vm0, $0xb8;
	[tilespmem:$0x10200] =	vst v63  }
0x140: {  	_ = 	snop  }
0x141: {  	[tilespmem:s18], [sflag:$0x4] =	stream.indirect_vreg.gather [hbm4b:s8+s13], $0x80, v4, vm0, $0xb8;
	[tilespmem:$0x10200] =	vst v63  }
0x142: {  	_ = 	snop  }
0x143: {  	[tilespmem:s30], [sflag:$0x4] =	stream.indirect_vreg.gather [hbm4b:s3+s13], $0x80, v3, vm0, $0xb8;
	[tilespmem:$0x10200] =	vst v63  }
0x144: {  	_ = 	snop  }
0x145: {  	[tilespmem:s19], [sflag:$0x4] =	stream.indirect_vreg.gather [hbm4b:s6+s13], $0x80, v3, vm0, $0xb8;
	[tilespmem:$0x10200] =	vst v63  }
0x146: {  	_ = 	snop  }
0x147: {  	[tilespmem:s31], [sflag:$0x4] =	stream.indirect_vreg.gather [hbm4b:s7+s13], $0x80, v3, vm0, $0xb8;
	[tilespmem:$0x10200] =	vst v63  }
0x148: {  	_ = 	snop  }
0x149: {  	[tilespmem:s0], [sflag:$0x4] =	stream.indirect_vreg.gather [hbm4b:s8+s13], $0x80, v3, vm0, $0xb8;
	[tilespmem:$0x10200] =	vst v63  }
0x14a: {  	_ =	swait.ge [sflag:s2], $0x4000  }
0x14b: {  	s23 =	simm.s32 $0x0;
	[sflag:s2] =	ssyncset.done $0x0  }
0x14c: {  	s14 =	sand.u32 $0x2000, s23;
	[sflag:s2] =	ssyncadd.s32 $0xFFFFC000  }
0x14d: {  	s23 =	simm.s32 $0x0;
	s24 =	sand.u32 $0x1C00, s13;
	_ =	swait.ge [sflag:s4], $0x4000  }
0x14e: {  	s14 =	sor.u32 s24, s14;
	s25 =	sand.u32 $0x380, s23;
	[sflag:s4] =	ssyncset.done $0x0  }
0x14f: {  	s14 =	sor.u32 s25, s14;
	[sflag:s4] =	ssyncadd.s32 $0xFFFFC000  }
0x150: {  	v10 =	vld [tilespmem:s14+$0x4200]  }
0x151: {  	v9 =	vld [tilespmem:s14+$0x4210]  }
0x152: {  	v8 =	vld [tilespmem:s14+$0x4220]  }
0x153: {  	v7 =	vld [tilespmem:s14+$0x4230]  }
0x154: {  	v6 =	vld [tilespmem:s14+$0x4240]  }
0x155: {  	v5 =	vld [tilespmem:s14+$0x4250]  }
0x156: {  	v4 =	vld [tilespmem:s14+$0x4260]  }
0x157: {  	v3 =	vld [tilespmem:s14+$0x4270]  }
0x158: {  	v13 =	vld [tilespmem:s14+$0x200]  }
0x159: {  	v12 =	vld [tilespmem:s14+$0x210]  }
0x15a: {  	s23 =	simm.s32 $0x0;
	v11 =	vld [tilespmem:s14+$0x220]  }
.LBB2_6:
0x15b: {  	s23 =	sadd.s32 $0x8, s23;
	v14 =	vld [tilespmem:s14+$0x230]  }
0x15c: {  	s13 =	sadd.s32 $0x400, s13;
	s15 =	sshll.u32 s23, $0x4;
	p0 =	slt.u32 s23, $0x3F8;
	v15 =	vld [tilespmem:s14+$0x240]  }
0x15d: {  	s24 =	sand.u32 $0x1C00, s13;
	s25 =	sshll.u32 s23, $0x1;
	s15 =	sand.u32 $0x2000, s15;
	v10 =	vadd.f32 v10, v13;
	v13 =	vld [tilespmem:s14+$0x250]  }
0x15e: {  	s15 =	sor.u32 s24, s15;
	s24 =	sand.u32 $0x380, s25;
	v9 =	vadd.f32 v9, v12;
	v12 =	vld [tilespmem:s14+$0x260]  }
0x15f: {  	s15 =	sor.u32 s24, s15;
	[tilespmem:s14+$0x200] =	vst v10;
	v8 =	vadd.f32 v8, v11;
	v11 =	vld [tilespmem:s14+$0x270]  }
0x160: {  	v10 =	vld [tilespmem:s15+$0x4200];
	[tilespmem:s14+$0x210] =	vst v9;
	v7 =	vadd.f32 v7, v14  }
0x161: {  	v9 =	vld [tilespmem:s15+$0x4210];
	[tilespmem:s14+$0x220] =	vst v8;
	v6 =	vadd.f32 v6, v15  }
0x162: {  	v8 =	vld [tilespmem:s15+$0x4220];
	[tilespmem:s14+$0x230] =	vst v7;
	v5 =	vadd.f32 v5, v13  }
0x163: {  	v7 =	vld [tilespmem:s15+$0x4230];
	[tilespmem:s14+$0x240] =	vst v6;
	v4 =	vadd.f32 v4, v12  }
0x164: {  	v6 =	vld [tilespmem:s15+$0x4240];
	[tilespmem:s14+$0x250] =	vst v5;
	v3 =	vadd.f32 v3, v11  }
0x165: {  	v5 =	vld [tilespmem:s15+$0x4250];
	[tilespmem:s14+$0x260] =	vst v4  }
.Ltmp2:
0x166: {  	v4 =	vld [tilespmem:s15+$0x4260];
	[tilespmem:s14+$0x270] =	vst v3;
	s14 =	smov.u32 s15;
	(pc) =	sbr.rel @p0 .LBB2_6-.Ltmp2, $4  }
0x167: {  	v3 =	vld [tilespmem:s14+$0x4270]  }
0x168: {  	v13 =	vld [tilespmem:s14+$0x200]  }
0x169: {  	v12 =	vld [tilespmem:s14+$0x210]  }
0x16a: {  	v11 =	vld [tilespmem:s14+$0x220]  }
0x16b: {  	v14 =	vld [tilespmem:s14+$0x230]  }
0x16c: {  	v15 =	vld [tilespmem:s14+$0x240]  }
0x16d: {  	v10 =	vadd.f32 v10, v13;
	v13 =	vld [tilespmem:s14+$0x250]  }
0x16e: {  	v9 =	vadd.f32 v9, v12;
	v12 =	vld [tilespmem:s14+$0x260]  }
0x16f: {  	[tilespmem:s14+$0x200] =	vst v10;
	v8 =	vadd.f32 v8, v11;
	v10 =	vld [tilespmem:s14+$0x270]  }
0x170: {  	[tilespmem:s14+$0x210] =	vst v9;
	v7 =	vadd.f32 v7, v14  }
0x171: {  	v6 =	vadd.f32 v6, v15;
	[tilespmem:s14+$0x220] =	vst v8  }
0x172: {  	[tilespmem:s14+$0x230] =	vst v7;
	v5 =	vadd.f32 v5, v13  }
0x173: {  	[tilespmem:s14+$0x240] =	vst v6;
	v4 =	vadd.f32 v4, v12  }
0x174: {  	[tilespmem:s14+$0x250] =	vst v5;
	v3 =	vadd.f32 v3, v10  }
0x175: {  	[tilespmem:s14+$0x260] =	vst v4  }
0x176: {  	s13 =	rddreg [dreg:$0xd];
	[tilespmem:s14+$0x270] =	vst v3;
	s14 =	simm.s32 $0x0  }
0x177: {  	[hbm4b:s13+s14] =	stream.linear.scatter [tilespmem:s22], [sflag:$0x5], $0x4000, $0x38;
	[tilespmem:$0x10200] =	vst v63  }
0x178: {  	_ =	swait.ge [sflag:s9], $0x4000  }
0x179: {  	[sflag:s9] =	ssyncset.done $0x0  }
0x17a: {  	s24 =	simm.s32 $0x0;
	s23 =	simm.s32 $0x0;
	[sflag:s9] =	ssyncadd.s32 $0xFFFFC000  }
0x17b: {  	s13 =	sand.u32 $0x2000, s24;
	s15 =	sand.u32 $0x1C00, s14;
	_ =	swait.ge [sflag:s10], $0x4000  }
0x17c: {  	s25 =	sand.u32 $0x380, s23;
	s13 =	sor.u32 s15, s13;
	[sflag:s10] =	ssyncset.done $0x0  }
0x17d: {  	s13 =	sor.u32 s25, s13;
	[sflag:s10] =	ssyncadd.s32 $0xFFFFC000  }
0x17e: {  	v10 =	vld [tilespmem:s13+$0xC200]  }
0x17f: {  	v9 =	vld [tilespmem:s13+$0xC210]  }
0x180: {  	v8 =	vld [tilespmem:s13+$0xC220]  }
0x181: {  	v7 =	vld [tilespmem:s13+$0xC230]  }
0x182: {  	v6 =	vld [tilespmem:s13+$0xC240]  }
0x183: {  	v5 =	vld [tilespmem:s13+$0xC250]  }
0x184: {  	v4 =	vld [tilespmem:s13+$0xC260]  }
0x185: {  	v3 =	vld [tilespmem:s13+$0xC270]  }
0x186: {  	v13 =	vld [tilespmem:s13+$0x8200]  }
0x187: {  	v12 =	vld [tilespmem:s13+$0x8210]  }
0x188: {  	s23 =	simm.s32 $0x0;
	v11 =	vld [tilespmem:s13+$0x8220]  }
.LBB2_8:
0x189: {  	s23 =	sadd.s32 $0x8, s23;
	v14 =	vld [tilespmem:s13+$0x8230]  }
0x18a: {  	s14 =	sadd.s32 $0x400, s14;
	s15 =	sshll.u32 s23, $0x4;
	p0 =	slt.u32 s23, $0x3F8;
	v15 =	vld [tilespmem:s13+$0x8240]  }
0x18b: {  	s24 =	sand.u32 $0x1C00, s14;
	s25 =	sshll.u32 s23, $0x1;
	s15 =	sand.u32 $0x2000, s15;
	v10 =	vadd.f32 v10, v13;
	v13 =	vld [tilespmem:s13+$0x8250]  }
0x18c: {  	s15 =	sor.u32 s24, s15;
	s24 =	sand.u32 $0x380, s25;
	v9 =	vadd.f32 v9, v12;
	v12 =	vld [tilespmem:s13+$0x8260]  }
0x18d: {  	s15 =	sor.u32 s24, s15;
	[tilespmem:s13+$0x8200] =	vst v10;
	v8 =	vadd.f32 v8, v11;
	v11 =	vld [tilespmem:s13+$0x8270]  }
0x18e: {  	v10 =	vld [tilespmem:s15+$0xC200];
	[tilespmem:s13+$0x8210] =	vst v9;
	v7 =	vadd.f32 v7, v14  }
0x18f: {  	v9 =	vld [tilespmem:s15+$0xC210];
	[tilespmem:s13+$0x8220] =	vst v8;
	v6 =	vadd.f32 v6, v15  }
0x190: {  	v8 =	vld [tilespmem:s15+$0xC220];
	[tilespmem:s13+$0x8230] =	vst v7;
	v5 =	vadd.f32 v5, v13  }
0x191: {  	v7 =	vld [tilespmem:s15+$0xC230];
	[tilespmem:s13+$0x8240] =	vst v6;
	v4 =	vadd.f32 v4, v12  }
0x192: {  	v6 =	vld [tilespmem:s15+$0xC240];
	[tilespmem:s13+$0x8250] =	vst v5;
	v3 =	vadd.f32 v3, v11  }
0x193: {  	v5 =	vld [tilespmem:s15+$0xC250];
	[tilespmem:s13+$0x8260] =	vst v4  }
.Ltmp3:
0x194: {  	v4 =	vld [tilespmem:s15+$0xC260];
	[tilespmem:s13+$0x8270] =	vst v3;
	s13 =	smov.u32 s15;
	(pc) =	sbr.rel @p0 .LBB2_8-.Ltmp3, $4  }
0x195: {  	v3 =	vld [tilespmem:s13+$0xC270]  }
0x196: {  	v13 =	vld [tilespmem:s13+$0x8200]  }
0x197: {  	v12 =	vld [tilespmem:s13+$0x8210]  }
0x198: {  	v11 =	vld [tilespmem:s13+$0x8220]  }
0x199: {  	v14 =	vld [tilespmem:s13+$0x8230]  }
0x19a: {  	v15 =	vld [tilespmem:s13+$0x8240]  }
0x19b: {  	v61 =	vld [tilespmem:s13+$0x8250];
	v10 =	vadd.f32 v10, v13  }
0x19c: {  	v62 =	vld [tilespmem:s13+$0x8260];
	v9 =	vadd.f32 v9, v12  }
0x19d: {  	v63 =	vld [tilespmem:s13+$0x8270];
	[tilespmem:s13+$0x8200] =	vst v10;
	v8 =	vadd.f32 v8, v11  }
0x19e: {  	[tilespmem:s13+$0x8210] =	vst v9;
	v7 =	vadd.f32 v7, v14  }
0x19f: {  	v6 =	vadd.f32 v6, v15;
	[tilespmem:s13+$0x8220] =	vst v8  }
0x1a0: {  	v5 =	vadd.f32 v5, v61;
	[tilespmem:s13+$0x8230] =	vst v7  }
0x1a1: {  	v4 =	vadd.f32 v4, v62;
	[tilespmem:s13+$0x8240] =	vst v6  }
0x1a2: {  	v3 =	vadd.f32 v3, v63;
	[tilespmem:s13+$0x8250] =	vst v5  }
0x1a3: {  	[tilespmem:s13+$0x8260] =	vst v4  }
0x1a4: {  	s24 =	rddreg [dreg:$0xe];
	[tilespmem:s13+$0x8270] =	vst v3  }
0x1a5: {  	[hbm4b:s24+s1] =	stream.linear.scatter [tilespmem:s21], [sflag:$0x6], $0x4000, $0x38;
	[tilespmem:$0x10200] =	vst v63  }
0x1a6: {  	_ =	swait.ge [sflag:s5], $0x4000  }
0x1a7: {  	[sflag:s5] =	ssyncset.done $0x0  }
0x1a8: {  	[sflag:s5] =	ssyncadd.s32 $0xFFFFC000  }
0x1a9: {  	_ =	swait.ge [sflag:s11], $0x4000  }
0x1aa: {  	s12 =	sadd.s32 $0x1, s12;
	s25 =	rddreg [dreg:$0xf]  }
0x1ab: {  	p0 =	sne.s32 s12, s25  }
.Ltmp4:
0x1ac: {  	_ = 	snop;
	(pc) =	sbr.rel @p0 .LBB2_1-.Ltmp4, $3  }
0x1ad: {  	_ =	sdelay $0x1  }
0x1ae: {  	[sflag:s11] =	ssyncset.done $0x0  }
0x1af: {  	[sflag:s11] =	ssyncadd.s32 $0xFFFFC000  }
0x1b0: {  	_ =	sfence.sel $0x180000  }
0x1b1: {  	[bflag:$0x0] =	sbarrier.arrive $0xFFFF  }
0x1b2: {  	_ =	strace $0x9000004A  }
0x1b3: {  	s0 =	stileid.u32;
	[bflag:$0x2] =	sbarrier.arrive $0xFFFF  }
0x1b4: {  	p0 =	sne.s32 s0, $0x0;
	s0 =	rddreg [dreg:$0x2]  }
0x1b5: {  	s0 =	sadd.s32 @!p0 $0x100000, s0  }
0x1b6: {  	[sflag:s0] =	ssyncadd.tile.s32 @!p0 $0x1;
	_ =	shalt  }
.Lfunc_end2:
_tile_overlayer_lowered:
.L_overlay_start_2:
0x1b7: {  	(tag) =	ssettag $0x2  }
0x1b8: {  	s0 =	rddreg [dreg:$0x0];
	s2 =	stileid.u32  }
0x1b9: {  	s1 =	rddreg [dreg:$0x1];
	p0 =	sne.s32 s2, $0x0  }
0x1ba: {  	s3 =	rddreg [dreg:$0x2];
	[bflag:$0x3] =	sbarrier.arrive $0xFFFF;
	s2 =	simm.s32 @!p0 $0x1C07  }
0x1bb: {  	[timem:s3], [sflag:s2] =	dma.local @!p0 [hbm:s0], s1  }
0x1bc: {  	s0 =	simm.s32 @!p0 $0x7  }
0x1bd: {  	_ =	swait.ge @!p0 [sflag:s0], s1  }
0x1be: {  	s1 =	ssub.s32 @!p0 $0x0, s1;
	[sflag:s0] =	ssyncset.done @!p0 $0x0  }
0x1bf: {  	[sflag:s0] =	ssyncadd.s32 @!p0 s1  }
0x1c0: {  	[bflag:$0x3] =	sbarrier.arrive $0xFFFF  }
0x1c1: {  	_ =	shalt  }

</sc_bundles>
